<compile_context>
chip_gen: v7x
topology: tpu7x:2x2x1
jax: 0.10.2.dev20260603
libtpu: 0.0.44.dev20260713+nightly
codegen_flags: <defaults>
</compile_context>

<pallas_src>
import functools

import jax
import jax.numpy as jnp
from jax import lax
from jax.experimental import pallas as pl
from jax.experimental.pallas import tpu as pltpu
from jax.experimental.pallas import tpu_sc as plsc

B, N = 4, 100000
CIN, COUT = 16, 16
G = 64
G3 = G * G * G
BN = B * N

NC, NS, LANES = 2, 16, 16
NW = NC * NS
PW = 12800
BNP = NW * PW
CH = 256
NCHUNK = PW // CH
NCH0 = 70
NCH1 = 2 * NCHUNK - NCH0

TB = 2048
assert BNP % TB == 0


def _sc_gather(table, post):
    mesh = plsc.VectorSubcoreMesh(
        core_axis_name="c", subcore_axis_name="s", num_cores=NC, num_subcores=NS
    )

    NSET = 3
    SB = 27 // NSET

    @functools.partial(
        pl.kernel,
        out_type=jax.ShapeDtypeStruct((27, BNP, CIN), jnp.float32),
        mesh=mesh,
        compiler_params=pltpu.CompilerParams(use_tc_tiling_on_sc=False),
        scratch_types=[
            pltpu.VMEM((4, CH), jnp.float32),
            pltpu.VMEM((CH,), jnp.int32),
            pltpu.VMEM((27, CH), jnp.int32),
            pltpu.VMEM((27, CH, CIN), jnp.float32),
            pltpu.SemaphoreType.DMA,
            pltpu.SemaphoreType.DMA,
            pltpu.SemaphoreType.DMA,
            pltpu.SemaphoreType.DMA,
            pltpu.SemaphoreType.DMA,
        ],
    )
    def k(table_hbm, post_hbm, out_hbm, pv, fbv, idxv, rows, sem_in, sem_g,
          sem_w0, sem_w1, sem_w2):
        cid = lax.axis_index("c")
        sid = lax.axis_index("s")
        wbase = sid * (2 * PW) + cid * (NCH0 * CH)
        nch = NCH0 + cid * (NCH1 - NCH0)
        sem_w = [sem_w0, sem_w1, sem_w2]

        def emit_chunk(c, drain_prev_writes):
            start = wbase + c * CH
            pltpu.async_copy(
                post_hbm.at[:, pl.ds(start, CH)], pv, sem_in
            ).wait()

            @pl.loop(0, CH, step=LANES)
            def _(i):
                s = pl.ds(i, LANES)
                bx = ((pv[0, s] + 0.5) * 32.0).astype(jnp.int32)
                by = ((pv[1, s] + 0.5) * 32.0).astype(jnp.int32)
                bz = ((pv[2, s] + 0.5) * 32.0).astype(jnp.int32)
                bo = pv[3, s].astype(jnp.int32)
                fbv[s] = bo + bx * (G * G) + by * G + bz

            @pl.loop(0, 27)
            def _(o):
                ox = o // 9
                oy = (o // 3) % 3
                oz = o % 3
                off = (ox - 1) * (G * G) + (oy - 1) * G + (oz - 1)

                @pl.loop(0, CH, step=LANES)
                def _(i):
                    s = pl.ds(i, LANES)
                    idxv[o, s] = fbv[s] + off

            for j in range(NSET):
                if drain_prev_writes:
                    @pl.loop(0, SB)
                    def _(b, j=j):
                        pltpu.make_async_copy(
                            out_hbm.at[0, pl.ds(wbase, CH)],
                            rows.at[b], sem_w[j],
                        ).wait()

                @pl.loop(j * SB, (j + 1) * SB)
                def _(o):
                    pltpu.async_copy(
                        table_hbm.at[idxv.at[o]], rows.at[o], sem_g
                    )

                @pl.loop(0, SB)
                def _(b):
                    pltpu.make_async_copy(
                        out_hbm.at[0, pl.ds(wbase, CH)], rows.at[b], sem_g
                    ).wait()

                @pl.loop(j * SB, (j + 1) * SB)
                def _(o, j=j):
                    pltpu.async_copy(
                        rows.at[o], out_hbm.at[o, pl.ds(start, CH)], sem_w[j]
                    )

        emit_chunk(0, False)

        @pl.loop(1, nch)
        def _(c):
            emit_chunk(c, True)

        for j in range(NSET):
            @pl.loop(0, SB)
            def _(b, j=j):
                pltpu.make_async_copy(
                    out_hbm.at[0, pl.ds(wbase, CH)], rows.at[b], sem_w[j]
                ).wait()

    return k(table, post)


PK = 128 // CIN
BNR = BNP // PK
TR = TB // PK


def _tc_body(g_ref, p_ref, kb_ref, b_ref, o_ref):
    lane = lax.broadcasted_iota(jnp.int32, (PK, 128), 1) // CIN
    rowp = lax.broadcasted_iota(jnp.int32, (PK, 128), 0)
    e_mat = (lane == rowp).astype(jnp.float32)

    def expand(v):
        return lax.dot_general(
            v,
            e_mat,
            (((1,), (0,)), ((), ())),
            preferred_element_type=jnp.float32,
            precision=lax.Precision.HIGHEST,
        )

    def axis_w(p):
        xp = (p + 0.5) * 32.0
        fx = xp - jnp.floor(xp) - 0.5
        return (
            0.5 * (0.5 - fx) ** 2,
            0.75 - fx * fx,
            0.5 * (0.5 + fx) ** 2,
        )

    wx = axis_w(expand(p_ref[0]))
    wy = axis_w(expand(p_ref[1]))
    wz = axis_w(expand(p_ref[2]))

    acc = jnp.broadcast_to(b_ref[0, :], (TR, 128))
    for o in range(27):
        ox, oy, oz = o // 9, (o // 3) % 3, o % 3
        w = wx[ox] * wy[oy] * wz[oz]
        m = lax.dot_general(
            g_ref[o],
            kb_ref[o],
            (((1,), (0,)), ((), ())),
            preferred_element_type=jnp.float32,
        )
        acc = acc + w * m
    o_ref[...] = acc


def _tc_combine(gathered8, posp, kbig, bias8):
    grid = (BNR // TR,)
    return pl.pallas_call(
        _tc_body,
        grid=grid,
        in_specs=[
            pl.BlockSpec((27, TR, 128), lambda i: (0, i, 0)),
            pl.BlockSpec((3, TR, PK), lambda i: (0, i, 0)),
            pl.BlockSpec((27, 128, 128), lambda i: (0, 0, 0)),
            pl.BlockSpec((1, 128), lambda i: (0, 0)),
        ],
        out_specs=pl.BlockSpec((TR, 128), lambda i: (i, 0)),
        out_shape=jax.ShapeDtypeStruct((BNR, 128), jnp.float32),
    )(gathered8, posp, kbig, bias8)


def kernel(input, pos, kernel, bias):
    table = jnp.transpose(input, (0, 2, 3, 4, 1)).reshape(B * G3, CIN)

    p2 = pos.reshape(BN, 3)
    boff = lax.broadcasted_iota(jnp.float32, (B, N), 0).reshape(BN) * float(G3)
    post = jnp.stack([p2[:, 0], p2[:, 1], p2[:, 2], boff])
    post = jnp.pad(post, ((0, 0), (0, BNP - BN)))

    posp = post[:3].reshape(3, BNR, PK)

    kflat = kernel.reshape(27, CIN, COUT)
    kbig = jnp.einsum(
        "uv,ocd->oucvd", jnp.eye(PK, dtype=jnp.float32), kflat
    ).reshape(27, PK * CIN, PK * COUT)
    bias8 = jnp.tile(bias, PK).reshape(1, 128)

    gathered = _sc_gather(table, post)
    gathered8 = gathered.reshape(27, BNR, 128)
    out = _tc_combine(gathered8, posp, kbig, bias8)
    return out.reshape(BNP, COUT)[:BN].reshape(B, N, COUT)

# --- scband reference (transcript-rebuilt; emitter-appended) ---
"""Pipeline reference for scband-our-conv3d-34041910788791 (READ-ONLY COPY).

The authoritative reference and input builder live on the scoring server;
editing this copy changes nothing except your own understanding.
"""

import itertools
import jax, jax.numpy as jnp
import numpy as np

B, N = 4, 100000
CIN, COUT = 16, 16
G = 64
GRID_MIN = jnp.array([-0.5, -0.5, -0.5], dtype=jnp.float32)
DX = jnp.array([0.03125, 0.03125, 0.03125], dtype=jnp.float32)


def setup_inputs(seed: int = 0) -> dict:
    key = jax.random.key(seed)
    k1, k2, k3, k4 = jax.random.split(key, 4)
    fan_in = 3 * 3 * 3 * CIN
    bound = 1.0 / np.sqrt(fan_in)
    return {
        "input": jax.random.normal(k1, (B, CIN, G, G, G), dtype=jnp.float32),
        "pos": jax.random.uniform(k2, (B, N, 3), dtype=jnp.float32),
        "kernel": jax.random.uniform(k3, (3, 3, 3, CIN, COUT), dtype=jnp.float32, minval=-bound, maxval=bound),
        "bias": jax.random.uniform(k4, (COUT,), dtype=jnp.float32, minval=-bound, maxval=bound),
    }


def reference(input, pos, kernel, bias):
    Bd, Nd, _ = pos.shape
    # permute(0, 2, 3, 4, 1): [B, C, X, Y, Z] -> [B, X, Y, Z, C]
    x = jnp.transpose(input, (0, 2, 3, 4, 1))
    Xp = (pos - GRID_MIN) / DX  # [B, N, 3]
    base = Xp.astype(jnp.int32)  # truncation == floor for positive Xp
    fx = Xp - base.astype(jnp.float32) - 0.5
    # quadratic B-spline weights: [B, N, 3(offset), 3(axis)]
    w = jnp.stack([0.5 * (0.5 - fx) ** 2, 0.75 - fx ** 2, 0.5 * (0.5 + fx) ** 2], axis=-2)
    b_idx = jnp.broadcast_to(jnp.arange(Bd)[:, None], (Bd, Nd))
    result = jnp.zeros((Bd, Nd, kernel.shape[-1]), dtype=jnp.float32)
    for ox, oy, oz in itertools.product(range(3), range(3), range(3)):
        weight = (w[..., ox, 0] * w[..., oy, 1] * w[..., oz, 2])[..., None]  # [B, N, 1]
        ix = base[..., 0] + ox - 1
        iy = base[..., 1] + oy - 1
        iz = base[..., 2] + oz - 1
        gathered = x[b_idx, ix, iy, iz]  # [B, N, CIN] gather from grid
        result = result + weight * (jnp.matmul(gathered, kernel[ox, oy, oz]) + bias[None, None, :])
    return result

if __name__ == "__main__":
    import jax
    _d = setup_inputs()
    print(jax.jit(kernel)(*tuple(_d.values())))

</pallas_src>

<mosaic_0001>
#map = affine_map<(d0, d1) -> (0, 0)>
#map1 = affine_map<(d0, d1) -> (0, 0, 0)>
module attributes {stable_mosaic.version = 14 : i64} {
  func.func @k(%arg0: i32, %arg1: i32, %arg2: memref<1048576x16xf32, #tpu.memory_space<hbm>>, %arg3: memref<4x409600xf32, #tpu.memory_space<hbm>>, %arg4: memref<27x409600x16xf32, #tpu.memory_space<hbm>>, %arg5: memref<4x256xf32, #tpu.memory_space<vmem>>, %arg6: memref<256xi32, #tpu.memory_space<vmem>>, %arg7: memref<27x256xi32, #tpu.memory_space<vmem>>, %arg8: memref<27x256x16xf32, #tpu.memory_space<vmem>>, %arg9: memref<!tpu.dma_semaphore, #tpu.memory_space<semaphore_mem>>, %arg10: memref<!tpu.dma_semaphore, #tpu.memory_space<semaphore_mem>>, %arg11: memref<!tpu.dma_semaphore, #tpu.memory_space<semaphore_mem>>, %arg12: memref<!tpu.dma_semaphore, #tpu.memory_space<semaphore_mem>>, %arg13: memref<!tpu.dma_semaphore, #tpu.memory_space<semaphore_mem>>) attributes {dimension_semantics = [#tpu.dimension_semantics<core_parallel>, #tpu.dimension_semantics<subcore_parallel>], iteration_bounds = array<i64: 2, 16>, scalar_prefetch = 0 : i64, scratch_operands = 9 : i64, tpu.core_type = #tpu.core_type<sc_vector_subcore>, window_params = [{transform_indices = #map}, {transform_indices = #map}, {transform_indices = #map1}]} {
    %mul3A = arith.constant 25600 : i32
    %mul3A_0 = arith.muli %arg1, %mul3A : i32
    %mul3A_1 = arith.constant 17920 : i32
    %mul3A_2 = arith.muli %arg0, %mul3A_1 : i32
    %add3A = arith.addi %mul3A_0, %mul3A_2 : i32
    %mul3A_3 = arith.constant -40 : i32
    %mul3A_4 = arith.muli %arg0, %mul3A_3 : i32
    %add3A_5 = arith.constant 70 : i32
    %add3A_6 = arith.addi %add3A_5, %mul3A_4 : i32
    %add3A_7 = arith.constant 0 : i32
    %add3A_8 = arith.addi %add3A, %add3A_7 : i32
    %dma_start3A = arith.constant 0 : i32
    %dma_start3A_9 = tpu.memref_slice %arg3[%dma_start3A, %add3A_8] : memref<4x409600xf32, #tpu.memory_space<hbm>> -> memref<4x256xf32, #tpu.memory_space<hbm>>
    %dma_start3A_10 = arith.constant 0 : i32
    %dma_start3A_11 = tpu.memref_slice %arg3[%dma_start3A_10, %add3A_8] : memref<4x409600xf32, #tpu.memory_space<hbm>> -> memref<4x256xf32, #tpu.memory_space<hbm>>
    tpu.enqueue_dma source(%dma_start3A_11 : memref<4x256xf32, #tpu.memory_space<hbm>>) target(%arg5 : memref<4x256xf32, #tpu.memory_space<vmem>>) target_semaphore(%arg9 : memref<!tpu.dma_semaphore, #tpu.memory_space<semaphore_mem>>)
    %dma_wait3A = arith.constant 0 : i32
    %dma_wait3A_12 = tpu.memref_slice %arg3[%dma_wait3A, %add3A_8] : memref<4x409600xf32, #tpu.memory_space<hbm>> -> memref<4x256xf32, #tpu.memory_space<hbm>>
    %dma_wait3A_13 = arith.constant 0 : i32
    %dma_wait3A_14 = tpu.memref_slice %arg3[%dma_wait3A_13, %add3A_8] : memref<4x409600xf32, #tpu.memory_space<hbm>> -> memref<4x256xf32, #tpu.memory_space<hbm>>
    tpu.wait_dma2 semaphore(%arg9 : memref<!tpu.dma_semaphore, #tpu.memory_space<semaphore_mem>>) src(%dma_wait3A_14 : memref<4x256xf32, #tpu.memory_space<hbm>>) dst(%arg5 : memref<4x256xf32, #tpu.memory_space<vmem>>)
    %scan3A = arith.constant 0 : i32
    %scan3A_15 = arith.constant 16 : i32
    %scan3A_16 = arith.addi %scan3A, %scan3A_15 : i32
    %scan3A_17 = arith.constant 1 : i32
    scf.for %scan3A_100 = %scan3A to %scan3A_16 step %scan3A_17  : i32 {
      %mul3A_101 = arith.constant 16 : i32
      %mul3A_102 = arith.muli %scan3A_100, %mul3A_101 : i32
      %add3A_103 = arith.constant 0 : i32
      %add3A_104 = arith.addi %add3A_103, %mul3A_102 : i32
      %get3A = arith.constant 0 : i32
      %get3A_105 = arith.index_cast %get3A : i32 to index
      %get3A_106 = arith.index_cast %add3A_104 : i32 to index
      %get3A_107 = tpu.vector_load %arg5[%get3A_105, %get3A_106] {strides = array<i32>} : memref<4x256xf32, #tpu.memory_space<vmem>>, vector<1x16xf32>,
      %get3A_108 = vector.shape_cast %get3A_107 : vector<1x16xf32> to vector<16xf32>
      %add3A_109 = arith.constant 5.000000e-01 : f32
      %add3A_110 = vector.broadcast %add3A_109 : f32 to vector<16xf32>
      %add3A_111 = arith.addf %get3A_108, %add3A_110 : vector<16xf32>
      %mul3A_112 = arith.constant 3.200000e+01 : f32
      %mul3A_113 = vector.broadcast %mul3A_112 : f32 to vector<16xf32>
      %mul3A_114 = arith.mulf %add3A_111, %mul3A_113 : vector<16xf32>
      %convert_element_type3A = arith.fptosi %mul3A_114 : vector<16xf32> to vector<16xi32>
      %get3A_115 = arith.constant 1 : i32
      %get3A_116 = arith.index_cast %get3A_115 : i32 to index
      %get3A_117 = arith.index_cast %add3A_104 : i32 to index
      %get3A_118 = tpu.vector_load %arg5[%get3A_116, %get3A_117] {strides = array<i32>} : memref<4x256xf32, #tpu.memory_space<vmem>>, vector<1x16xf32>,
      %get3A_119 = vector.shape_cast %get3A_118 : vector<1x16xf32> to vector<16xf32>
      %add3A_120 = arith.constant 5.000000e-01 : f32
      %add3A_121 = vector.broadcast %add3A_120 : f32 to vector<16xf32>
      %add3A_122 = arith.addf %get3A_119, %add3A_121 : vector<16xf32>
      %mul3A_123 = arith.constant 3.200000e+01 : f32
      %mul3A_124 = vector.broadcast %mul3A_123 : f32 to vector<16xf32>
      %mul3A_125 = arith.mulf %add3A_122, %mul3A_124 : vector<16xf32>
      %convert_element_type3A_126 = arith.fptosi %mul3A_125 : vector<16xf32> to vector<16xi32>
      %get3A_127 = arith.constant 2 : i32
      %get3A_128 = arith.index_cast %get3A_127 : i32 to index
      %get3A_129 = arith.index_cast %add3A_104 : i32 to index
      %get3A_130 = tpu.vector_load %arg5[%get3A_128, %get3A_129] {strides = array<i32>} : memref<4x256xf32, #tpu.memory_space<vmem>>, vector<1x16xf32>,
      %get3A_131 = vector.shape_cast %get3A_130 : vector<1x16xf32> to vector<16xf32>
      %add3A_132 = arith.constant 5.000000e-01 : f32
      %add3A_133 = vector.broadcast %add3A_132 : f32 to vector<16xf32>
      %add3A_134 = arith.addf %get3A_131, %add3A_133 : vector<16xf32>
      %mul3A_135 = arith.constant 3.200000e+01 : f32
      %mul3A_136 = vector.broadcast %mul3A_135 : f32 to vector<16xf32>
      %mul3A_137 = arith.mulf %add3A_134, %mul3A_136 : vector<16xf32>
      %convert_element_type3A_138 = arith.fptosi %mul3A_137 : vector<16xf32> to vector<16xi32>
      %get3A_139 = arith.constant 3 : i32
      %get3A_140 = arith.index_cast %get3A_139 : i32 to index
      %get3A_141 = arith.index_cast %add3A_104 : i32 to index
      %get3A_142 = tpu.vector_load %arg5[%get3A_140, %get3A_141] {strides = array<i32>} : memref<4x256xf32, #tpu.memory_space<vmem>>, vector<1x16xf32>,
      %get3A_143 = vector.shape_cast %get3A_142 : vector<1x16xf32> to vector<16xf32>
      %convert_element_type3A_144 = arith.fptosi %get3A_143 : vector<16xf32> to vector<16xi32>
      %mul3A_145 = arith.constant 4096 : i32
      %mul3A_146 = vector.broadcast %mul3A_145 : i32 to vector<16xi32>
      %mul3A_147 = arith.muli %convert_element_type3A, %mul3A_146 : vector<16xi32>
      %add3A_148 = arith.addi %convert_element_type3A_144, %mul3A_147 : vector<16xi32>
      %mul3A_149 = arith.constant 64 : i32
      %mul3A_150 = vector.broadcast %mul3A_149 : i32 to vector<16xi32>
      %mul3A_151 = arith.muli %convert_element_type3A_126, %mul3A_150 : vector<16xi32>
      %add3A_152 = arith.addi %add3A_148, %mul3A_151 : vector<16xi32>
      %add3A_153 = arith.addi %add3A_152, %convert_element_type3A_138 : vector<16xi32>
      %swap3A = arith.index_cast %add3A_104 : i32 to index
      %swap3A_154 = tpu.vector_load %arg6[%swap3A] {strides = array<i32>} : memref<256xi32, #tpu.memory_space<vmem>>, vector<16xi32>,
      %swap3A_155 = vector.shape_cast %swap3A_154 : vector<16xi32> to vector<16xi32>
      %swap3A_156 = vector.shape_cast %add3A_153 : vector<16xi32> to vector<16xi32>
      tpu.vector_store %arg6[%swap3A], %swap3A_156 {strides = array<i32>} : memref<256xi32, #tpu.memory_space<vmem>>, vector<16xi32>,
    }
    %scan3A_18 = arith.constant 16 : i32
    %scan3A_19 = arith.constant 0 : i32
    %scan3A_20 = arith.constant 27 : i32
    %scan3A_21 = arith.addi %scan3A_19, %scan3A_20 : i32
    %scan3A_22 = arith.constant 1 : i32
    scf.for %scan3A_100 = %scan3A_19 to %scan3A_21 step %scan3A_22  : i32 {
      %mul3A_101 = arith.constant 1 : i32
      %mul3A_102 = arith.muli %scan3A_100, %mul3A_101 : i32
      %add3A_103 = arith.constant 0 : i32
      %add3A_104 = arith.addi %add3A_103, %mul3A_102 : i32
      %jit3A = arith.constant 9 : i32
      %div3A_105 = arith.divsi %add3A_104, %jit3A : i32
      %sign3A = arith.constant 0 : i32
      %sign3A_106 = arith.cmpi sgt, %add3A_104, %sign3A : i32
      %sign3A_107 = arith.extui %sign3A_106 : i1 to i32
      %sign3A_108 = arith.constant 0 : i32
      %sign3A_109 = arith.cmpi slt, %add3A_104, %sign3A_108 : i32
      %sign3A_110 = arith.extui %sign3A_109 : i1 to i32
      %sign3A_111 = arith.subi %sign3A_107, %sign3A_110 : i32
      %sign3A_112 = arith.constant 0 : i32
      %sign3A_113 = arith.cmpi sgt, %jit3A, %sign3A_112 : i32
      %sign3A_114 = arith.extui %sign3A_113 : i1 to i32
      %sign3A_115 = arith.constant 0 : i32
      %sign3A_116 = arith.cmpi slt, %jit3A, %sign3A_115 : i32
      %sign3A_117 = arith.extui %sign3A_116 : i1 to i32
      %sign3A_118 = arith.subi %sign3A_114, %sign3A_117 : i32
      %ne3A = arith.cmpi ne, %sign3A_111, %sign3A_118 : i32
      %rem3A = arith.remsi %add3A_104, %jit3A : i32
      %ne3A_119 = arith.constant 0 : i32
      %ne3A_120 = arith.cmpi ne, %rem3A, %ne3A_119 : i32
      %and3A = arith.andi %ne3A, %ne3A_120 : i1
      %sub3A_121 = arith.constant 1 : i32
      %sub3A_122 = arith.subi %div3A_105, %sub3A_121 : i32
      %select_n3A = arith.select %and3A, %sub3A_122, %div3A_105 : i32
      %jit3A_123 = arith.constant 3 : i32
      %div3A_124 = arith.divsi %add3A_104, %jit3A_123 : i32
      %sign3A_125 = arith.constant 0 : i32
      %sign3A_126 = arith.cmpi sgt, %add3A_104, %sign3A_125 : i32
      %sign3A_127 = arith.extui %sign3A_126 : i1 to i32
      %sign3A_128 = arith.constant 0 : i32
      %sign3A_129 = arith.cmpi slt, %add3A_104, %sign3A_128 : i32
      %sign3A_130 = arith.extui %sign3A_129 : i1 to i32
      %sign3A_131 = arith.subi %sign3A_127, %sign3A_130 : i32
      %sign3A_132 = arith.constant 0 : i32
      %sign3A_133 = arith.cmpi sgt, %jit3A_123, %sign3A_132 : i32
      %sign3A_134 = arith.extui %sign3A_133 : i1 to i32
      %sign3A_135 = arith.constant 0 : i32
      %sign3A_136 = arith.cmpi slt, %jit3A_123, %sign3A_135 : i32
      %sign3A_137 = arith.extui %sign3A_136 : i1 to i32
      %sign3A_138 = arith.subi %sign3A_134, %sign3A_137 : i32
      %ne3A_139 = arith.cmpi ne, %sign3A_131, %sign3A_138 : i32
      %rem3A_140 = arith.remsi %add3A_104, %jit3A_123 : i32
      %ne3A_141 = arith.constant 0 : i32
      %ne3A_142 = arith.cmpi ne, %rem3A_140, %ne3A_141 : i32
      %and3A_143 = arith.andi %ne3A_139, %ne3A_142 : i1
      %sub3A_144 = arith.constant 1 : i32
      %sub3A_145 = arith.subi %div3A_124, %sub3A_144 : i32
      %select_n3A_146 = arith.select %and3A_143, %sub3A_145, %div3A_124 : i32
      %jit3A_147 = arith.constant 3 : i32
      %eq3A = arith.constant 0 : i32
      %eq3A_148 = arith.cmpi eq, %jit3A_147, %eq3A : i32
      %jit3A_149 = arith.constant 1 : i32
      %select_n3A_150 = arith.select %eq3A_148, %jit3A_149, %jit3A_147 : i32
      %rem3A_151 = arith.remsi %select_n3A_146, %select_n3A_150 : i32
      %ne3A_152 = arith.constant 0 : i32
      %ne3A_153 = arith.cmpi ne, %rem3A_151, %ne3A_152 : i32
      %lt3A = arith.constant 0 : i32
      %lt3A_154 = arith.cmpi slt, %rem3A_151, %lt3A : i32
      %lt3A_155 = arith.constant 0 : i32
      %lt3A_156 = arith.cmpi slt, %select_n3A_150, %lt3A_155 : i32
      %ne3A_157 = arith.xori %lt3A_154, %lt3A_156 : i1
      %and3A_158 = arith.andi %ne3A_157, %ne3A_153 : i1
      %add3A_159 = arith.addi %rem3A_151, %select_n3A_150 : i32
      %select_n3A_160 = arith.select %and3A_158, %add3A_159, %rem3A_151 : i32
      %jit3A_161 = arith.constant 3 : i32
      %eq3A_162 = arith.constant 0 : i32
      %eq3A_163 = arith.cmpi eq, %jit3A_161, %eq3A_162 : i32
      %jit3A_164 = arith.constant 1 : i32
      %select_n3A_165 = arith.select %eq3A_163, %jit3A_164, %jit3A_161 : i32
      %rem3A_166 = arith.remsi %add3A_104, %select_n3A_165 : i32
      %ne3A_167 = arith.constant 0 : i32
      %ne3A_168 = arith.cmpi ne, %rem3A_166, %ne3A_167 : i32
      %lt3A_169 = arith.constant 0 : i32
      %lt3A_170 = arith.cmpi slt, %rem3A_166, %lt3A_169 : i32
      %lt3A_171 = arith.constant 0 : i32
      %lt3A_172 = arith.cmpi slt, %select_n3A_165, %lt3A_171 : i32
      %ne3A_173 = arith.xori %lt3A_170, %lt3A_172 : i1
      %and3A_174 = arith.andi %ne3A_173, %ne3A_168 : i1
      %add3A_175 = arith.addi %rem3A_166, %select_n3A_165 : i32
      %select_n3A_176 = arith.select %and3A_174, %add3A_175, %rem3A_166 : i32
      %sub3A_177 = arith.constant 1 : i32
      %sub3A_178 = arith.subi %select_n3A, %sub3A_177 : i32
      %mul3A_179 = arith.constant 4096 : i32
      %mul3A_180 = arith.muli %sub3A_178, %mul3A_179 : i32
      %sub3A_181 = arith.constant 1 : i32
      %sub3A_182 = arith.subi %select_n3A_160, %sub3A_181 : i32
      %mul3A_183 = arith.constant 64 : i32
      %mul3A_184 = arith.muli %sub3A_182, %mul3A_183 : i32
      %add3A_185 = arith.addi %mul3A_180, %mul3A_184 : i32
      %sub3A_186 = arith.constant 1 : i32
      %sub3A_187 = arith.subi %select_n3A_176, %sub3A_186 : i32
      %add3A_188 = arith.addi %add3A_185, %sub3A_187 : i32
      %scan3A_189 = arith.constant 0 : i32
      %scan3A_190 = arith.constant 16 : i32
      %scan3A_191 = arith.addi %scan3A_189, %scan3A_190 : i32
      %scan3A_192 = arith.constant 1 : i32
      scf.for %scan3A_194 = %scan3A_189 to %scan3A_191 step %scan3A_192  : i32 {
        %mul3A_195 = arith.constant 16 : i32
        %mul3A_196 = arith.muli %scan3A_194, %mul3A_195 : i32
        %add3A_197 = arith.constant 0 : i32
        %add3A_198 = arith.addi %add3A_197, %mul3A_196 : i32
        %get3A = arith.index_cast %add3A_198 : i32 to index
        %get3A_199 = tpu.vector_load %arg6[%get3A] {strides = array<i32>} : memref<256xi32, #tpu.memory_space<vmem>>, vector<16xi32>,
        %get3A_200 = vector.shape_cast %get3A_199 : vector<16xi32> to vector<16xi32>
        %add3A_201 = vector.broadcast %add3A_188 : i32 to vector<16xi32>
        %add3A_202 = arith.addi %get3A_200, %add3A_201 : vector<16xi32>
        %swap3A = arith.index_cast %add3A_104 : i32 to index
        %swap3A_203 = arith.index_cast %add3A_198 : i32 to index
        %swap3A_204 = tpu.vector_load %arg7[%swap3A, %swap3A_203] {strides = array<i32>} : memref<27x256xi32, #tpu.memory_space<vmem>>, vector<1x16xi32>,
        %swap3A_205 = vector.shape_cast %swap3A_204 : vector<1x16xi32> to vector<16xi32>
        %swap3A_206 = vector.shape_cast %add3A_202 : vector<16xi32> to vector<1x16xi32>
        tpu.vector_store %arg7[%swap3A, %swap3A_203], %swap3A_206 {strides = array<i32>} : memref<27x256xi32, #tpu.memory_space<vmem>>, vector<1x16xi32>,
      }
      %scan3A_193 = arith.constant 16 : i32
    }
    %scan3A_23 = arith.constant 27 : i32
    %scan3A_24 = arith.constant 0 : i32
    %scan3A_25 = arith.constant 9 : i32
    %scan3A_26 = arith.addi %scan3A_24, %scan3A_25 : i32
    %scan3A_27 = arith.constant 1 : i32
    scf.for %scan3A_100 = %scan3A_24 to %scan3A_26 step %scan3A_27  : i32 {
      %mul3A_101 = arith.constant 1 : i32
      %mul3A_102 = arith.muli %scan3A_100, %mul3A_101 : i32
      %add3A_103 = arith.constant 0 : i32
      %add3A_104 = arith.addi %add3A_103, %mul3A_102 : i32
      %dma_start3A_105 = arith.constant 0 : i32
      %dma_start3A_106 = arith.constant 0 : i32
      %dma_start3A_107 = tpu.memref_slice %arg8[%add3A_104, %dma_start3A_105, %dma_start3A_106] : memref<27x256x16xf32, #tpu.memory_space<vmem>> -> memref<1x256x16xf32, #tpu.memory_space<vmem>>
      %dma_start3A_108 = tpu.memref_squeeze %dma_start3A_107 : memref<1x256x16xf32, #tpu.memory_space<vmem>> -> memref<256x16xf32, #tpu.memory_space<vmem>>
      %dma_start3A_109 = arith.constant 0 : i32
      %dma_start3A_110 = tpu.memref_slice %arg7[%add3A_104, %dma_start3A_109] : memref<27x256xi32, #tpu.memory_space<vmem>> -> memref<1x256xi32, #tpu.memory_space<vmem>>
      %dma_start3A_111 = tpu.memref_squeeze %dma_start3A_110 : memref<1x256xi32, #tpu.memory_space<vmem>> -> memref<256xi32, #tpu.memory_space<vmem>>
      %dma_start3A_112 = arith.constant 0 : i32
      %dma_start3A_113 = arith.constant 0 : i32
      %dma_start3A_114 = tpu.memref_slice %arg2[%dma_start3A_112, %dma_start3A_113] : memref<1048576x16xf32, #tpu.memory_space<hbm>> -> memref<1048576x16xf32, #tpu.memory_space<hbm>>
      tpu.enqueue_indirect_dma source(%dma_start3A_114 : memref<1048576x16xf32, #tpu.memory_space<hbm>>) target(%dma_start3A_108 : memref<256x16xf32, #tpu.memory_space<vmem>>) offsets(%dma_start3A_111 : memref<256xi32, #tpu.memory_space<vmem>>) semaphore(%arg10 : memref<!tpu.dma_semaphore, #tpu.memory_space<semaphore_mem>>)
    }
    %scan3A_28 = arith.constant 9 : i32
    %scan3A_29 = arith.constant 0 : i32
    %scan3A_30 = arith.constant 9 : i32
    %scan3A_31 = arith.addi %scan3A_29, %scan3A_30 : i32
    %scan3A_32 = arith.constant 1 : i32
    scf.for %scan3A_100 = %scan3A_29 to %scan3A_31 step %scan3A_32  : i32 {
      %mul3A_101 = arith.constant 1 : i32
      %mul3A_102 = arith.muli %scan3A_100, %mul3A_101 : i32
      %add3A_103 = arith.constant 0 : i32
      %add3A_104 = arith.addi %add3A_103, %mul3A_102 : i32
      %dma_wait3A_105 = arith.constant 0 : i32
      %dma_wait3A_106 = arith.constant 0 : i32
      %dma_wait3A_107 = arith.constant 0 : i32
      %dma_wait3A_108 = tpu.memref_slice %arg8[%add3A_104, %dma_wait3A_106, %dma_wait3A_107] : memref<27x256x16xf32, #tpu.memory_space<vmem>> -> memref<1x256x16xf32, #tpu.memory_space<vmem>>
      %dma_wait3A_109 = tpu.memref_squeeze %dma_wait3A_108 : memref<1x256x16xf32, #tpu.memory_space<vmem>> -> memref<256x16xf32, #tpu.memory_space<vmem>>
      %dma_wait3A_110 = arith.constant 0 : i32
      %dma_wait3A_111 = tpu.memref_slice %arg4[%dma_wait3A_105, %add3A, %dma_wait3A_110] : memref<27x409600x16xf32, #tpu.memory_space<hbm>> -> memref<1x256x16xf32, #tpu.memory_space<hbm>>
      %dma_wait3A_112 = tpu.memref_squeeze %dma_wait3A_111 : memref<1x256x16xf32, #tpu.memory_space<hbm>> -> memref<256x16xf32, #tpu.memory_space<hbm>>
      %dma_wait3A_113 = arith.constant 0 : i32
      %dma_wait3A_114 = arith.constant 0 : i32
      %dma_wait3A_115 = tpu.memref_slice %arg8[%add3A_104, %dma_wait3A_113, %dma_wait3A_114] : memref<27x256x16xf32, #tpu.memory_space<vmem>> -> memref<1x256x16xf32, #tpu.memory_space<vmem>>
      %dma_wait3A_116 = tpu.memref_squeeze %dma_wait3A_115 : memref<1x256x16xf32, #tpu.memory_space<vmem>> -> memref<256x16xf32, #tpu.memory_space<vmem>>
      %dma_wait3A_117 = arith.constant 0 : i32
      %dma_wait3A_118 = tpu.memref_slice %arg4[%dma_wait3A_105, %add3A, %dma_wait3A_117] : memref<27x409600x16xf32, #tpu.memory_space<hbm>> -> memref<1x256x16xf32, #tpu.memory_space<hbm>>
      %dma_wait3A_119 = tpu.memref_squeeze %dma_wait3A_118 : memref<1x256x16xf32, #tpu.memory_space<hbm>> -> memref<256x16xf32, #tpu.memory_space<hbm>>
      tpu.wait_dma2 semaphore(%arg10 : memref<!tpu.dma_semaphore, #tpu.memory_space<semaphore_mem>>) src(%dma_wait3A_119 : memref<256x16xf32, #tpu.memory_space<hbm>>) dst(%dma_wait3A_116 : memref<256x16xf32, #tpu.memory_space<vmem>>)
    }
    %scan3A_33 = arith.constant 9 : i32
    %scan3A_34 = arith.constant 0 : i32
    %scan3A_35 = arith.constant 9 : i32
    %scan3A_36 = arith.addi %scan3A_34, %scan3A_35 : i32
    %scan3A_37 = arith.constant 1 : i32
    scf.for %scan3A_100 = %scan3A_34 to %scan3A_36 step %scan3A_37  : i32 {
      %mul3A_101 = arith.constant 1 : i32
      %mul3A_102 = arith.muli %scan3A_100, %mul3A_101 : i32
      %add3A_103 = arith.constant 0 : i32
      %add3A_104 = arith.addi %add3A_103, %mul3A_102 : i32
      %dma_start3A_105 = arith.constant 0 : i32
      %dma_start3A_106 = arith.constant 0 : i32
      %dma_start3A_107 = tpu.memref_slice %arg8[%add3A_104, %dma_start3A_105, %dma_start3A_106] : memref<27x256x16xf32, #tpu.memory_space<vmem>> -> memref<1x256x16xf32, #tpu.memory_space<vmem>>
      %dma_start3A_108 = tpu.memref_squeeze %dma_start3A_107 : memref<1x256x16xf32, #tpu.memory_space<vmem>> -> memref<256x16xf32, #tpu.memory_space<vmem>>
      %dma_start3A_109 = arith.constant 0 : i32
      %dma_start3A_110 = tpu.memref_slice %arg4[%add3A_104, %add3A_8, %dma_start3A_109] : memref<27x409600x16xf32, #tpu.memory_space<hbm>> -> memref<1x256x16xf32, #tpu.memory_space<hbm>>
      %dma_start3A_111 = tpu.memref_squeeze %dma_start3A_110 : memref<1x256x16xf32, #tpu.memory_space<hbm>> -> memref<256x16xf32, #tpu.memory_space<hbm>>
      %dma_start3A_112 = arith.constant 0 : i32
      %dma_start3A_113 = tpu.memref_slice %arg4[%add3A_104, %add3A_8, %dma_start3A_112] : memref<27x409600x16xf32, #tpu.memory_space<hbm>> -> memref<1x256x16xf32, #tpu.memory_space<hbm>>
      %dma_start3A_114 = tpu.memref_squeeze %dma_start3A_113 : memref<1x256x16xf32, #tpu.memory_space<hbm>> -> memref<256x16xf32, #tpu.memory_space<hbm>>
      %dma_start3A_115 = arith.constant 0 : i32
      %dma_start3A_116 = arith.constant 0 : i32
      %dma_start3A_117 = tpu.memref_slice %arg8[%add3A_104, %dma_start3A_115, %dma_start3A_116] : memref<27x256x16xf32, #tpu.memory_space<vmem>> -> memref<1x256x16xf32, #tpu.memory_space<vmem>>
      %dma_start3A_118 = tpu.memref_squeeze %dma_start3A_117 : memref<1x256x16xf32, #tpu.memory_space<vmem>> -> memref<256x16xf32, #tpu.memory_space<vmem>>
      tpu.enqueue_dma source(%dma_start3A_118 : memref<256x16xf32, #tpu.memory_space<vmem>>) target(%dma_start3A_114 : memref<256x16xf32, #tpu.memory_space<hbm>>) target_semaphore(%arg11 : memref<!tpu.dma_semaphore, #tpu.memory_space<semaphore_mem>>)
    }
    %scan3A_38 = arith.constant 9 : i32
    %scan3A_39 = arith.constant 0 : i32
    %scan3A_40 = arith.constant 9 : i32
    %scan3A_41 = arith.addi %scan3A_39, %scan3A_40 : i32
    %scan3A_42 = arith.constant 1 : i32
    scf.for %scan3A_100 = %scan3A_39 to %scan3A_41 step %scan3A_42  : i32 {
      %mul3A_101 = arith.constant 1 : i32
      %mul3A_102 = arith.muli %scan3A_100, %mul3A_101 : i32
      %add3A_103 = arith.constant 9 : i32
      %add3A_104 = arith.addi %add3A_103, %mul3A_102 : i32
      %dma_start3A_105 = arith.constant 0 : i32
      %dma_start3A_106 = arith.constant 0 : i32
      %dma_start3A_107 = tpu.memref_slice %arg8[%add3A_104, %dma_start3A_105, %dma_start3A_106] : memref<27x256x16xf32, #tpu.memory_space<vmem>> -> memref<1x256x16xf32, #tpu.memory_space<vmem>>
      %dma_start3A_108 = tpu.memref_squeeze %dma_start3A_107 : memref<1x256x16xf32, #tpu.memory_space<vmem>> -> memref<256x16xf32, #tpu.memory_space<vmem>>
      %dma_start3A_109 = arith.constant 0 : i32
      %dma_start3A_110 = tpu.memref_slice %arg7[%add3A_104, %dma_start3A_109] : memref<27x256xi32, #tpu.memory_space<vmem>> -> memref<1x256xi32, #tpu.memory_space<vmem>>
      %dma_start3A_111 = tpu.memref_squeeze %dma_start3A_110 : memref<1x256xi32, #tpu.memory_space<vmem>> -> memref<256xi32, #tpu.memory_space<vmem>>
      %dma_start3A_112 = arith.constant 0 : i32
      %dma_start3A_113 = arith.constant 0 : i32
      %dma_start3A_114 = tpu.memref_slice %arg2[%dma_start3A_112, %dma_start3A_113] : memref<1048576x16xf32, #tpu.memory_space<hbm>> -> memref<1048576x16xf32, #tpu.memory_space<hbm>>
      tpu.enqueue_indirect_dma source(%dma_start3A_114 : memref<1048576x16xf32, #tpu.memory_space<hbm>>) target(%dma_start3A_108 : memref<256x16xf32, #tpu.memory_space<vmem>>) offsets(%dma_start3A_111 : memref<256xi32, #tpu.memory_space<vmem>>) semaphore(%arg10 : memref<!tpu.dma_semaphore, #tpu.memory_space<semaphore_mem>>)
    }
    %scan3A_43 = arith.constant 9 : i32
    %scan3A_44 = arith.constant 0 : i32
    %scan3A_45 = arith.constant 9 : i32
    %scan3A_46 = arith.addi %scan3A_44, %scan3A_45 : i32
    %scan3A_47 = arith.constant 1 : i32
    scf.for %scan3A_100 = %scan3A_44 to %scan3A_46 step %scan3A_47  : i32 {
      %mul3A_101 = arith.constant 1 : i32
      %mul3A_102 = arith.muli %scan3A_100, %mul3A_101 : i32
      %add3A_103 = arith.constant 0 : i32
      %add3A_104 = arith.addi %add3A_103, %mul3A_102 : i32
      %dma_wait3A_105 = arith.constant 0 : i32
      %dma_wait3A_106 = arith.constant 0 : i32
      %dma_wait3A_107 = arith.constant 0 : i32
      %dma_wait3A_108 = tpu.memref_slice %arg8[%add3A_104, %dma_wait3A_106, %dma_wait3A_107] : memref<27x256x16xf32, #tpu.memory_space<vmem>> -> memref<1x256x16xf32, #tpu.memory_space<vmem>>
      %dma_wait3A_109 = tpu.memref_squeeze %dma_wait3A_108 : memref<1x256x16xf32, #tpu.memory_space<vmem>> -> memref<256x16xf32, #tpu.memory_space<vmem>>
      %dma_wait3A_110 = arith.constant 0 : i32
      %dma_wait3A_111 = tpu.memref_slice %arg4[%dma_wait3A_105, %add3A, %dma_wait3A_110] : memref<27x409600x16xf32, #tpu.memory_space<hbm>> -> memref<1x256x16xf32, #tpu.memory_space<hbm>>
      %dma_wait3A_112 = tpu.memref_squeeze %dma_wait3A_111 : memref<1x256x16xf32, #tpu.memory_space<hbm>> -> memref<256x16xf32, #tpu.memory_space<hbm>>
      %dma_wait3A_113 = arith.constant 0 : i32
      %dma_wait3A_114 = arith.constant 0 : i32
      %dma_wait3A_115 = tpu.memref_slice %arg8[%add3A_104, %dma_wait3A_113, %dma_wait3A_114] : memref<27x256x16xf32, #tpu.memory_space<vmem>> -> memref<1x256x16xf32, #tpu.memory_space<vmem>>
      %dma_wait3A_116 = tpu.memref_squeeze %dma_wait3A_115 : memref<1x256x16xf32, #tpu.memory_space<vmem>> -> memref<256x16xf32, #tpu.memory_space<vmem>>
      %dma_wait3A_117 = arith.constant 0 : i32
      %dma_wait3A_118 = tpu.memref_slice %arg4[%dma_wait3A_105, %add3A, %dma_wait3A_117] : memref<27x409600x16xf32, #tpu.memory_space<hbm>> -> memref<1x256x16xf32, #tpu.memory_space<hbm>>
      %dma_wait3A_119 = tpu.memref_squeeze %dma_wait3A_118 : memref<1x256x16xf32, #tpu.memory_space<hbm>> -> memref<256x16xf32, #tpu.memory_space<hbm>>
      tpu.wait_dma2 semaphore(%arg10 : memref<!tpu.dma_semaphore, #tpu.memory_space<semaphore_mem>>) src(%dma_wait3A_119 : memref<256x16xf32, #tpu.memory_space<hbm>>) dst(%dma_wait3A_116 : memref<256x16xf32, #tpu.memory_space<vmem>>)
    }
    %scan3A_48 = arith.constant 9 : i32
    %scan3A_49 = arith.constant 0 : i32
    %scan3A_50 = arith.constant 9 : i32
    %scan3A_51 = arith.addi %scan3A_49, %scan3A_50 : i32
    %scan3A_52 = arith.constant 1 : i32
    scf.for %scan3A_100 = %scan3A_49 to %scan3A_51 step %scan3A_52  : i32 {
      %mul3A_101 = arith.constant 1 : i32
      %mul3A_102 = arith.muli %scan3A_100, %mul3A_101 : i32
      %add3A_103 = arith.constant 9 : i32
      %add3A_104 = arith.addi %add3A_103, %mul3A_102 : i32
      %dma_start3A_105 = arith.constant 0 : i32
      %dma_start3A_106 = arith.constant 0 : i32
      %dma_start3A_107 = tpu.memref_slice %arg8[%add3A_104, %dma_start3A_105, %dma_start3A_106] : memref<27x256x16xf32, #tpu.memory_space<vmem>> -> memref<1x256x16xf32, #tpu.memory_space<vmem>>
      %dma_start3A_108 = tpu.memref_squeeze %dma_start3A_107 : memref<1x256x16xf32, #tpu.memory_space<vmem>> -> memref<256x16xf32, #tpu.memory_space<vmem>>
      %dma_start3A_109 = arith.constant 0 : i32
      %dma_start3A_110 = tpu.memref_slice %arg4[%add3A_104, %add3A_8, %dma_start3A_109] : memref<27x409600x16xf32, #tpu.memory_space<hbm>> -> memref<1x256x16xf32, #tpu.memory_space<hbm>>
      %dma_start3A_111 = tpu.memref_squeeze %dma_start3A_110 : memref<1x256x16xf32, #tpu.memory_space<hbm>> -> memref<256x16xf32, #tpu.memory_space<hbm>>
      %dma_start3A_112 = arith.constant 0 : i32
      %dma_start3A_113 = tpu.memref_slice %arg4[%add3A_104, %add3A_8, %dma_start3A_112] : memref<27x409600x16xf32, #tpu.memory_space<hbm>> -> memref<1x256x16xf32, #tpu.memory_space<hbm>>
      %dma_start3A_114 = tpu.memref_squeeze %dma_start3A_113 : memref<1x256x16xf32, #tpu.memory_space<hbm>> -> memref<256x16xf32, #tpu.memory_space<hbm>>
      %dma_start3A_115 = arith.constant 0 : i32
      %dma_start3A_116 = arith.constant 0 : i32
      %dma_start3A_117 = tpu.memref_slice %arg8[%add3A_104, %dma_start3A_115, %dma_start3A_116] : memref<27x256x16xf32, #tpu.memory_space<vmem>> -> memref<1x256x16xf32, #tpu.memory_space<vmem>>
      %dma_start3A_118 = tpu.memref_squeeze %dma_start3A_117 : memref<1x256x16xf32, #tpu.memory_space<vmem>> -> memref<256x16xf32, #tpu.memory_space<vmem>>
      tpu.enqueue_dma source(%dma_start3A_118 : memref<256x16xf32, #tpu.memory_space<vmem>>) target(%dma_start3A_114 : memref<256x16xf32, #tpu.memory_space<hbm>>) target_semaphore(%arg12 : memref<!tpu.dma_semaphore, #tpu.memory_space<semaphore_mem>>)
    }
    %scan3A_53 = arith.constant 9 : i32
    %scan3A_54 = arith.constant 0 : i32
    %scan3A_55 = arith.constant 9 : i32
    %scan3A_56 = arith.addi %scan3A_54, %scan3A_55 : i32
    %scan3A_57 = arith.constant 1 : i32
    scf.for %scan3A_100 = %scan3A_54 to %scan3A_56 step %scan3A_57  : i32 {
      %mul3A_101 = arith.constant 1 : i32
      %mul3A_102 = arith.muli %scan3A_100, %mul3A_101 : i32
      %add3A_103 = arith.constant 18 : i32
      %add3A_104 = arith.addi %add3A_103, %mul3A_102 : i32
      %dma_start3A_105 = arith.constant 0 : i32
      %dma_start3A_106 = arith.constant 0 : i32
      %dma_start3A_107 = tpu.memref_slice %arg8[%add3A_104, %dma_start3A_105, %dma_start3A_106] : memref<27x256x16xf32, #tpu.memory_space<vmem>> -> memref<1x256x16xf32, #tpu.memory_space<vmem>>
      %dma_start3A_108 = tpu.memref_squeeze %dma_start3A_107 : memref<1x256x16xf32, #tpu.memory_space<vmem>> -> memref<256x16xf32, #tpu.memory_space<vmem>>
      %dma_start3A_109 = arith.constant 0 : i32
      %dma_start3A_110 = tpu.memref_slice %arg7[%add3A_104, %dma_start3A_109] : memref<27x256xi32, #tpu.memory_space<vmem>> -> memref<1x256xi32, #tpu.memory_space<vmem>>
      %dma_start3A_111 = tpu.memref_squeeze %dma_start3A_110 : memref<1x256xi32, #tpu.memory_space<vmem>> -> memref<256xi32, #tpu.memory_space<vmem>>
      %dma_start3A_112 = arith.constant 0 : i32
      %dma_start3A_113 = arith.constant 0 : i32
      %dma_start3A_114 = tpu.memref_slice %arg2[%dma_start3A_112, %dma_start3A_113] : memref<1048576x16xf32, #tpu.memory_space<hbm>> -> memref<1048576x16xf32, #tpu.memory_space<hbm>>
      tpu.enqueue_indirect_dma source(%dma_start3A_114 : memref<1048576x16xf32, #tpu.memory_space<hbm>>) target(%dma_start3A_108 : memref<256x16xf32, #tpu.memory_space<vmem>>) offsets(%dma_start3A_111 : memref<256xi32, #tpu.memory_space<vmem>>) semaphore(%arg10 : memref<!tpu.dma_semaphore, #tpu.memory_space<semaphore_mem>>)
    }
    %scan3A_58 = arith.constant 9 : i32
    %scan3A_59 = arith.constant 0 : i32
    %scan3A_60 = arith.constant 9 : i32
    %scan3A_61 = arith.addi %scan3A_59, %scan3A_60 : i32
    %scan3A_62 = arith.constant 1 : i32
    scf.for %scan3A_100 = %scan3A_59 to %scan3A_61 step %scan3A_62  : i32 {
      %mul3A_101 = arith.constant 1 : i32
      %mul3A_102 = arith.muli %scan3A_100, %mul3A_101 : i32
      %add3A_103 = arith.constant 0 : i32
      %add3A_104 = arith.addi %add3A_103, %mul3A_102 : i32
      %dma_wait3A_105 = arith.constant 0 : i32
      %dma_wait3A_106 = arith.constant 0 : i32
      %dma_wait3A_107 = arith.constant 0 : i32
      %dma_wait3A_108 = tpu.memref_slice %arg8[%add3A_104, %dma_wait3A_106, %dma_wait3A_107] : memref<27x256x16xf32, #tpu.memory_space<vmem>> -> memref<1x256x16xf32, #tpu.memory_space<vmem>>
      %dma_wait3A_109 = tpu.memref_squeeze %dma_wait3A_108 : memref<1x256x16xf32, #tpu.memory_space<vmem>> -> memref<256x16xf32, #tpu.memory_space<vmem>>
      %dma_wait3A_110 = arith.constant 0 : i32
      %dma_wait3A_111 = tpu.memref_slice %arg4[%dma_wait3A_105, %add3A, %dma_wait3A_110] : memref<27x409600x16xf32, #tpu.memory_space<hbm>> -> memref<1x256x16xf32, #tpu.memory_space<hbm>>
      %dma_wait3A_112 = tpu.memref_squeeze %dma_wait3A_111 : memref<1x256x16xf32, #tpu.memory_space<hbm>> -> memref<256x16xf32, #tpu.memory_space<hbm>>
      %dma_wait3A_113 = arith.constant 0 : i32
      %dma_wait3A_114 = arith.constant 0 : i32
      %dma_wait3A_115 = tpu.memref_slice %arg8[%add3A_104, %dma_wait3A_113, %dma_wait3A_114] : memref<27x256x16xf32, #tpu.memory_space<vmem>> -> memref<1x256x16xf32, #tpu.memory_space<vmem>>
      %dma_wait3A_116 = tpu.memref_squeeze %dma_wait3A_115 : memref<1x256x16xf32, #tpu.memory_space<vmem>> -> memref<256x16xf32, #tpu.memory_space<vmem>>
      %dma_wait3A_117 = arith.constant 0 : i32
      %dma_wait3A_118 = tpu.memref_slice %arg4[%dma_wait3A_105, %add3A, %dma_wait3A_117] : memref<27x409600x16xf32, #tpu.memory_space<hbm>> -> memref<1x256x16xf32, #tpu.memory_space<hbm>>
      %dma_wait3A_119 = tpu.memref_squeeze %dma_wait3A_118 : memref<1x256x16xf32, #tpu.memory_space<hbm>> -> memref<256x16xf32, #tpu.memory_space<hbm>>
      tpu.wait_dma2 semaphore(%arg10 : memref<!tpu.dma_semaphore, #tpu.memory_space<semaphore_mem>>) src(%dma_wait3A_119 : memref<256x16xf32, #tpu.memory_space<hbm>>) dst(%dma_wait3A_116 : memref<256x16xf32, #tpu.memory_space<vmem>>)
    }
    %scan3A_63 = arith.constant 9 : i32
    %scan3A_64 = arith.constant 0 : i32
    %scan3A_65 = arith.constant 9 : i32
    %scan3A_66 = arith.addi %scan3A_64, %scan3A_65 : i32
    %scan3A_67 = arith.constant 1 : i32
    scf.for %scan3A_100 = %scan3A_64 to %scan3A_66 step %scan3A_67  : i32 {
      %mul3A_101 = arith.constant 1 : i32
      %mul3A_102 = arith.muli %scan3A_100, %mul3A_101 : i32
      %add3A_103 = arith.constant 18 : i32
      %add3A_104 = arith.addi %add3A_103, %mul3A_102 : i32
      %dma_start3A_105 = arith.constant 0 : i32
      %dma_start3A_106 = arith.constant 0 : i32
      %dma_start3A_107 = tpu.memref_slice %arg8[%add3A_104, %dma_start3A_105, %dma_start3A_106] : memref<27x256x16xf32, #tpu.memory_space<vmem>> -> memref<1x256x16xf32, #tpu.memory_space<vmem>>
      %dma_start3A_108 = tpu.memref_squeeze %dma_start3A_107 : memref<1x256x16xf32, #tpu.memory_space<vmem>> -> memref<256x16xf32, #tpu.memory_space<vmem>>
      %dma_start3A_109 = arith.constant 0 : i32
      %dma_start3A_110 = tpu.memref_slice %arg4[%add3A_104, %add3A_8, %dma_start3A_109] : memref<27x409600x16xf32, #tpu.memory_space<hbm>> -> memref<1x256x16xf32, #tpu.memory_space<hbm>>
      %dma_start3A_111 = tpu.memref_squeeze %dma_start3A_110 : memref<1x256x16xf32, #tpu.memory_space<hbm>> -> memref<256x16xf32, #tpu.memory_space<hbm>>
      %dma_start3A_112 = arith.constant 0 : i32
      %dma_start3A_113 = tpu.memref_slice %arg4[%add3A_104, %add3A_8, %dma_start3A_112] : memref<27x409600x16xf32, #tpu.memory_space<hbm>> -> memref<1x256x16xf32, #tpu.memory_space<hbm>>
      %dma_start3A_114 = tpu.memref_squeeze %dma_start3A_113 : memref<1x256x16xf32, #tpu.memory_space<hbm>> -> memref<256x16xf32, #tpu.memory_space<hbm>>
      %dma_start3A_115 = arith.constant 0 : i32
      %dma_start3A_116 = arith.constant 0 : i32
      %dma_start3A_117 = tpu.memref_slice %arg8[%add3A_104, %dma_start3A_115, %dma_start3A_116] : memref<27x256x16xf32, #tpu.memory_space<vmem>> -> memref<1x256x16xf32, #tpu.memory_space<vmem>>
      %dma_start3A_118 = tpu.memref_squeeze %dma_start3A_117 : memref<1x256x16xf32, #tpu.memory_space<vmem>> -> memref<256x16xf32, #tpu.memory_space<vmem>>
      tpu.enqueue_dma source(%dma_start3A_118 : memref<256x16xf32, #tpu.memory_space<vmem>>) target(%dma_start3A_114 : memref<256x16xf32, #tpu.memory_space<hbm>>) target_semaphore(%arg13 : memref<!tpu.dma_semaphore, #tpu.memory_space<semaphore_mem>>)
    }
    %scan3A_68 = arith.constant 9 : i32
    %sub3A = arith.constant 1 : i32
    %sub3A_69 = arith.subi %add3A_6, %sub3A : i32
    %sub3A_70 = arith.constant 1 : i32
    %sub3A_71 = arith.constant 1 : i32
    %sub3A_72 = arith.subi %sub3A_70, %sub3A_71 : i32
    %add3A_73 = arith.addi %sub3A_69, %sub3A_72 : i32
    %div3A = arith.constant 1 : i32
    %div3A_74 = arith.divsi %add3A_73, %div3A : i32
    %while3A = arith.constant 1 : i32
    %while3A_75 = arith.constant 1 : i32
    %while3A_76 = arith.constant 0 : i32
    %while3A_77 = arith.subi %div3A_74, %while3A_76 : i32
    %while3A_78 = arith.addi %while3A_76, %while3A_77 : i32
    %while3A_79 = arith.constant 1 : i32
    %while3A_80 = arith.divsi %while3A_77, %while3A_79 : i32
    %while3A_81 = arith.muli %while3A_80, %while3A_79 : i32
    %while3A_82 = arith.addi %while3A_76, %while3A_81 : i32
    %while3A_83 = arith.constant 1 : i32
    scf.for %while3A_100 = %while3A_76 to %while3A_82 step %while3A_83  : i32 {
      %mul3A_101 = arith.muli %while3A_100, %while3A : i32
      %add3A_102 = arith.addi %while3A_75, %mul3A_101 : i32
      %mul3A_103 = arith.constant 256 : i32
      %mul3A_104 = arith.muli %add3A_102, %mul3A_103 : i32
      %add3A_105 = arith.addi %add3A, %mul3A_104 : i32
      %dma_start3A_106 = arith.constant 0 : i32
      %dma_start3A_107 = tpu.memref_slice %arg3[%dma_start3A_106, %add3A_105] : memref<4x409600xf32, #tpu.memory_space<hbm>> -> memref<4x256xf32, #tpu.memory_space<hbm>>
      %dma_start3A_108 = arith.constant 0 : i32
      %dma_start3A_109 = tpu.memref_slice %arg3[%dma_start3A_108, %add3A_105] : memref<4x409600xf32, #tpu.memory_space<hbm>> -> memref<4x256xf32, #tpu.memory_space<hbm>>
      tpu.enqueue_dma source(%dma_start3A_109 : memref<4x256xf32, #tpu.memory_space<hbm>>) target(%arg5 : memref<4x256xf32, #tpu.memory_space<vmem>>) target_semaphore(%arg9 : memref<!tpu.dma_semaphore, #tpu.memory_space<semaphore_mem>>)
      %dma_wait3A_110 = arith.constant 0 : i32
      %dma_wait3A_111 = tpu.memref_slice %arg3[%dma_wait3A_110, %add3A_105] : memref<4x409600xf32, #tpu.memory_space<hbm>> -> memref<4x256xf32, #tpu.memory_space<hbm>>
      %dma_wait3A_112 = arith.constant 0 : i32
      %dma_wait3A_113 = tpu.memref_slice %arg3[%dma_wait3A_112, %add3A_105] : memref<4x409600xf32, #tpu.memory_space<hbm>> -> memref<4x256xf32, #tpu.memory_space<hbm>>
      tpu.wait_dma2 semaphore(%arg9 : memref<!tpu.dma_semaphore, #tpu.memory_space<semaphore_mem>>) src(%dma_wait3A_113 : memref<4x256xf32, #tpu.memory_space<hbm>>) dst(%arg5 : memref<4x256xf32, #tpu.memory_space<vmem>>)
      %scan3A_114 = arith.constant 0 : i32
      %scan3A_115 = arith.constant 16 : i32
      %scan3A_116 = arith.addi %scan3A_114, %scan3A_115 : i32
      %scan3A_117 = arith.constant 1 : i32
      scf.for %scan3A_184 = %scan3A_114 to %scan3A_116 step %scan3A_117  : i32 {
        %mul3A_185 = arith.constant 16 : i32
        %mul3A_186 = arith.muli %scan3A_184, %mul3A_185 : i32
        %add3A_187 = arith.constant 0 : i32
        %add3A_188 = arith.addi %add3A_187, %mul3A_186 : i32
        %get3A = arith.constant 0 : i32
        %get3A_189 = arith.index_cast %get3A : i32 to index
        %get3A_190 = arith.index_cast %add3A_188 : i32 to index
        %get3A_191 = tpu.vector_load %arg5[%get3A_189, %get3A_190] {strides = array<i32>} : memref<4x256xf32, #tpu.memory_space<vmem>>, vector<1x16xf32>,
        %get3A_192 = vector.shape_cast %get3A_191 : vector<1x16xf32> to vector<16xf32>
        %add3A_193 = arith.constant 5.000000e-01 : f32
        %add3A_194 = vector.broadcast %add3A_193 : f32 to vector<16xf32>
        %add3A_195 = arith.addf %get3A_192, %add3A_194 : vector<16xf32>
        %mul3A_196 = arith.constant 3.200000e+01 : f32
        %mul3A_197 = vector.broadcast %mul3A_196 : f32 to vector<16xf32>
        %mul3A_198 = arith.mulf %add3A_195, %mul3A_197 : vector<16xf32>
        %convert_element_type3A = arith.fptosi %mul3A_198 : vector<16xf32> to vector<16xi32>
        %get3A_199 = arith.constant 1 : i32
        %get3A_200 = arith.index_cast %get3A_199 : i32 to index
        %get3A_201 = arith.index_cast %add3A_188 : i32 to index
        %get3A_202 = tpu.vector_load %arg5[%get3A_200, %get3A_201] {strides = array<i32>} : memref<4x256xf32, #tpu.memory_space<vmem>>, vector<1x16xf32>,
        %get3A_203 = vector.shape_cast %get3A_202 : vector<1x16xf32> to vector<16xf32>
        %add3A_204 = arith.constant 5.000000e-01 : f32
        %add3A_205 = vector.broadcast %add3A_204 : f32 to vector<16xf32>
        %add3A_206 = arith.addf %get3A_203, %add3A_205 : vector<16xf32>
        %mul3A_207 = arith.constant 3.200000e+01 : f32
        %mul3A_208 = vector.broadcast %mul3A_207 : f32 to vector<16xf32>
        %mul3A_209 = arith.mulf %add3A_206, %mul3A_208 : vector<16xf32>
        %convert_element_type3A_210 = arith.fptosi %mul3A_209 : vector<16xf32> to vector<16xi32>
        %get3A_211 = arith.constant 2 : i32
        %get3A_212 = arith.index_cast %get3A_211 : i32 to index
        %get3A_213 = arith.index_cast %add3A_188 : i32 to index
        %get3A_214 = tpu.vector_load %arg5[%get3A_212, %get3A_213] {strides = array<i32>} : memref<4x256xf32, #tpu.memory_space<vmem>>, vector<1x16xf32>,
        %get3A_215 = vector.shape_cast %get3A_214 : vector<1x16xf32> to vector<16xf32>
        %add3A_216 = arith.constant 5.000000e-01 : f32
        %add3A_217 = vector.broadcast %add3A_216 : f32 to vector<16xf32>
        %add3A_218 = arith.addf %get3A_215, %add3A_217 : vector<16xf32>
        %mul3A_219 = arith.constant 3.200000e+01 : f32
        %mul3A_220 = vector.broadcast %mul3A_219 : f32 to vector<16xf32>
        %mul3A_221 = arith.mulf %add3A_218, %mul3A_220 : vector<16xf32>
        %convert_element_type3A_222 = arith.fptosi %mul3A_221 : vector<16xf32> to vector<16xi32>
        %get3A_223 = arith.constant 3 : i32
        %get3A_224 = arith.index_cast %get3A_223 : i32 to index
        %get3A_225 = arith.index_cast %add3A_188 : i32 to index
        %get3A_226 = tpu.vector_load %arg5[%get3A_224, %get3A_225] {strides = array<i32>} : memref<4x256xf32, #tpu.memory_space<vmem>>, vector<1x16xf32>,
        %get3A_227 = vector.shape_cast %get3A_226 : vector<1x16xf32> to vector<16xf32>
        %convert_element_type3A_228 = arith.fptosi %get3A_227 : vector<16xf32> to vector<16xi32>
        %mul3A_229 = arith.constant 4096 : i32
        %mul3A_230 = vector.broadcast %mul3A_229 : i32 to vector<16xi32>
        %mul3A_231 = arith.muli %convert_element_type3A, %mul3A_230 : vector<16xi32>
        %add3A_232 = arith.addi %convert_element_type3A_228, %mul3A_231 : vector<16xi32>
        %mul3A_233 = arith.constant 64 : i32
        %mul3A_234 = vector.broadcast %mul3A_233 : i32 to vector<16xi32>
        %mul3A_235 = arith.muli %convert_element_type3A_210, %mul3A_234 : vector<16xi32>
        %add3A_236 = arith.addi %add3A_232, %mul3A_235 : vector<16xi32>
        %add3A_237 = arith.addi %add3A_236, %convert_element_type3A_222 : vector<16xi32>
        %swap3A = arith.index_cast %add3A_188 : i32 to index
        %swap3A_238 = tpu.vector_load %arg6[%swap3A] {strides = array<i32>} : memref<256xi32, #tpu.memory_space<vmem>>, vector<16xi32>,
        %swap3A_239 = vector.shape_cast %swap3A_238 : vector<16xi32> to vector<16xi32>
        %swap3A_240 = vector.shape_cast %add3A_237 : vector<16xi32> to vector<16xi32>
        tpu.vector_store %arg6[%swap3A], %swap3A_240 {strides = array<i32>} : memref<256xi32, #tpu.memory_space<vmem>>, vector<16xi32>,
      }
      %scan3A_118 = arith.constant 16 : i32
      %scan3A_119 = arith.constant 0 : i32
      %scan3A_120 = arith.constant 27 : i32
      %scan3A_121 = arith.addi %scan3A_119, %scan3A_120 : i32
      %scan3A_122 = arith.constant 1 : i32
      scf.for %scan3A_184 = %scan3A_119 to %scan3A_121 step %scan3A_122  : i32 {
        %mul3A_185 = arith.constant 1 : i32
        %mul3A_186 = arith.muli %scan3A_184, %mul3A_185 : i32
        %add3A_187 = arith.constant 0 : i32
        %add3A_188 = arith.addi %add3A_187, %mul3A_186 : i32
        %jit3A = arith.constant 9 : i32
        %div3A_189 = arith.divsi %add3A_188, %jit3A : i32
        %sign3A = arith.constant 0 : i32
        %sign3A_190 = arith.cmpi sgt, %add3A_188, %sign3A : i32
        %sign3A_191 = arith.extui %sign3A_190 : i1 to i32
        %sign3A_192 = arith.constant 0 : i32
        %sign3A_193 = arith.cmpi slt, %add3A_188, %sign3A_192 : i32
        %sign3A_194 = arith.extui %sign3A_193 : i1 to i32
        %sign3A_195 = arith.subi %sign3A_191, %sign3A_194 : i32
        %sign3A_196 = arith.constant 0 : i32
        %sign3A_197 = arith.cmpi sgt, %jit3A, %sign3A_196 : i32
        %sign3A_198 = arith.extui %sign3A_197 : i1 to i32
        %sign3A_199 = arith.constant 0 : i32
        %sign3A_200 = arith.cmpi slt, %jit3A, %sign3A_199 : i32
        %sign3A_201 = arith.extui %sign3A_200 : i1 to i32
        %sign3A_202 = arith.subi %sign3A_198, %sign3A_201 : i32
        %ne3A = arith.cmpi ne, %sign3A_195, %sign3A_202 : i32
        %rem3A = arith.remsi %add3A_188, %jit3A : i32
        %ne3A_203 = arith.constant 0 : i32
        %ne3A_204 = arith.cmpi ne, %rem3A, %ne3A_203 : i32
        %and3A = arith.andi %ne3A, %ne3A_204 : i1
        %sub3A_205 = arith.constant 1 : i32
        %sub3A_206 = arith.subi %div3A_189, %sub3A_205 : i32
        %select_n3A = arith.select %and3A, %sub3A_206, %div3A_189 : i32
        %jit3A_207 = arith.constant 3 : i32
        %div3A_208 = arith.divsi %add3A_188, %jit3A_207 : i32
        %sign3A_209 = arith.constant 0 : i32
        %sign3A_210 = arith.cmpi sgt, %add3A_188, %sign3A_209 : i32
        %sign3A_211 = arith.extui %sign3A_210 : i1 to i32
        %sign3A_212 = arith.constant 0 : i32
        %sign3A_213 = arith.cmpi slt, %add3A_188, %sign3A_212 : i32
        %sign3A_214 = arith.extui %sign3A_213 : i1 to i32
        %sign3A_215 = arith.subi %sign3A_211, %sign3A_214 : i32
        %sign3A_216 = arith.constant 0 : i32
        %sign3A_217 = arith.cmpi sgt, %jit3A_207, %sign3A_216 : i32
        %sign3A_218 = arith.extui %sign3A_217 : i1 to i32
        %sign3A_219 = arith.constant 0 : i32
        %sign3A_220 = arith.cmpi slt, %jit3A_207, %sign3A_219 : i32
        %sign3A_221 = arith.extui %sign3A_220 : i1 to i32
        %sign3A_222 = arith.subi %sign3A_218, %sign3A_221 : i32
        %ne3A_223 = arith.cmpi ne, %sign3A_215, %sign3A_222 : i32
        %rem3A_224 = arith.remsi %add3A_188, %jit3A_207 : i32
        %ne3A_225 = arith.constant 0 : i32
        %ne3A_226 = arith.cmpi ne, %rem3A_224, %ne3A_225 : i32
        %and3A_227 = arith.andi %ne3A_223, %ne3A_226 : i1
        %sub3A_228 = arith.constant 1 : i32
        %sub3A_229 = arith.subi %div3A_208, %sub3A_228 : i32
        %select_n3A_230 = arith.select %and3A_227, %sub3A_229, %div3A_208 : i32
        %jit3A_231 = arith.constant 3 : i32
        %eq3A = arith.constant 0 : i32
        %eq3A_232 = arith.cmpi eq, %jit3A_231, %eq3A : i32
        %jit3A_233 = arith.constant 1 : i32
        %select_n3A_234 = arith.select %eq3A_232, %jit3A_233, %jit3A_231 : i32
        %rem3A_235 = arith.remsi %select_n3A_230, %select_n3A_234 : i32
        %ne3A_236 = arith.constant 0 : i32
        %ne3A_237 = arith.cmpi ne, %rem3A_235, %ne3A_236 : i32
        %lt3A = arith.constant 0 : i32
        %lt3A_238 = arith.cmpi slt, %rem3A_235, %lt3A : i32
        %lt3A_239 = arith.constant 0 : i32
        %lt3A_240 = arith.cmpi slt, %select_n3A_234, %lt3A_239 : i32
        %ne3A_241 = arith.xori %lt3A_238, %lt3A_240 : i1
        %and3A_242 = arith.andi %ne3A_241, %ne3A_237 : i1
        %add3A_243 = arith.addi %rem3A_235, %select_n3A_234 : i32
        %select_n3A_244 = arith.select %and3A_242, %add3A_243, %rem3A_235 : i32
        %jit3A_245 = arith.constant 3 : i32
        %eq3A_246 = arith.constant 0 : i32
        %eq3A_247 = arith.cmpi eq, %jit3A_245, %eq3A_246 : i32
        %jit3A_248 = arith.constant 1 : i32
        %select_n3A_249 = arith.select %eq3A_247, %jit3A_248, %jit3A_245 : i32
        %rem3A_250 = arith.remsi %add3A_188, %select_n3A_249 : i32
        %ne3A_251 = arith.constant 0 : i32
        %ne3A_252 = arith.cmpi ne, %rem3A_250, %ne3A_251 : i32
        %lt3A_253 = arith.constant 0 : i32
        %lt3A_254 = arith.cmpi slt, %rem3A_250, %lt3A_253 : i32
        %lt3A_255 = arith.constant 0 : i32
        %lt3A_256 = arith.cmpi slt, %select_n3A_249, %lt3A_255 : i32
        %ne3A_257 = arith.xori %lt3A_254, %lt3A_256 : i1
        %and3A_258 = arith.andi %ne3A_257, %ne3A_252 : i1
        %add3A_259 = arith.addi %rem3A_250, %select_n3A_249 : i32
        %select_n3A_260 = arith.select %and3A_258, %add3A_259, %rem3A_250 : i32
        %sub3A_261 = arith.constant 1 : i32
        %sub3A_262 = arith.subi %select_n3A, %sub3A_261 : i32
        %mul3A_263 = arith.constant 4096 : i32
        %mul3A_264 = arith.muli %sub3A_262, %mul3A_263 : i32
        %sub3A_265 = arith.constant 1 : i32
        %sub3A_266 = arith.subi %select_n3A_244, %sub3A_265 : i32
        %mul3A_267 = arith.constant 64 : i32
        %mul3A_268 = arith.muli %sub3A_266, %mul3A_267 : i32
        %add3A_269 = arith.addi %mul3A_264, %mul3A_268 : i32
        %sub3A_270 = arith.constant 1 : i32
        %sub3A_271 = arith.subi %select_n3A_260, %sub3A_270 : i32
        %add3A_272 = arith.addi %add3A_269, %sub3A_271 : i32
        %scan3A_273 = arith.constant 0 : i32
        %scan3A_274 = arith.constant 16 : i32
        %scan3A_275 = arith.addi %scan3A_273, %scan3A_274 : i32
        %scan3A_276 = arith.constant 1 : i32
        scf.for %scan3A_278 = %scan3A_273 to %scan3A_275 step %scan3A_276  : i32 {
          %mul3A_279 = arith.constant 16 : i32
          %mul3A_280 = arith.muli %scan3A_278, %mul3A_279 : i32
          %add3A_281 = arith.constant 0 : i32
          %add3A_282 = arith.addi %add3A_281, %mul3A_280 : i32
          %get3A = arith.index_cast %add3A_282 : i32 to index
          %get3A_283 = tpu.vector_load %arg6[%get3A] {strides = array<i32>} : memref<256xi32, #tpu.memory_space<vmem>>, vector<16xi32>,
          %get3A_284 = vector.shape_cast %get3A_283 : vector<16xi32> to vector<16xi32>
          %add3A_285 = vector.broadcast %add3A_272 : i32 to vector<16xi32>
          %add3A_286 = arith.addi %get3A_284, %add3A_285 : vector<16xi32>
          %swap3A = arith.index_cast %add3A_188 : i32 to index
          %swap3A_287 = arith.index_cast %add3A_282 : i32 to index
          %swap3A_288 = tpu.vector_load %arg7[%swap3A, %swap3A_287] {strides = array<i32>} : memref<27x256xi32, #tpu.memory_space<vmem>>, vector<1x16xi32>,
          %swap3A_289 = vector.shape_cast %swap3A_288 : vector<1x16xi32> to vector<16xi32>
          %swap3A_290 = vector.shape_cast %add3A_286 : vector<16xi32> to vector<1x16xi32>
          tpu.vector_store %arg7[%swap3A, %swap3A_287], %swap3A_290 {strides = array<i32>} : memref<27x256xi32, #tpu.memory_space<vmem>>, vector<1x16xi32>,
        }
        %scan3A_277 = arith.constant 16 : i32
      }
      %scan3A_123 = arith.constant 27 : i32
      %scan3A_124 = arith.constant 0 : i32
      %scan3A_125 = arith.constant 9 : i32
      %scan3A_126 = arith.addi %scan3A_124, %scan3A_125 : i32
      %scan3A_127 = arith.constant 1 : i32
      scf.for %scan3A_184 = %scan3A_124 to %scan3A_126 step %scan3A_127  : i32 {
        %mul3A_185 = arith.constant 1 : i32
        %mul3A_186 = arith.muli %scan3A_184, %mul3A_185 : i32
        %add3A_187 = arith.constant 0 : i32
        %add3A_188 = arith.addi %add3A_187, %mul3A_186 : i32
        %dma_wait3A_189 = arith.constant 0 : i32
        %dma_wait3A_190 = arith.constant 0 : i32
        %dma_wait3A_191 = arith.constant 0 : i32
        %dma_wait3A_192 = tpu.memref_slice %arg8[%add3A_188, %dma_wait3A_190, %dma_wait3A_191] : memref<27x256x16xf32, #tpu.memory_space<vmem>> -> memref<1x256x16xf32, #tpu.memory_space<vmem>>
        %dma_wait3A_193 = tpu.memref_squeeze %dma_wait3A_192 : memref<1x256x16xf32, #tpu.memory_space<vmem>> -> memref<256x16xf32, #tpu.memory_space<vmem>>
        %dma_wait3A_194 = arith.constant 0 : i32
        %dma_wait3A_195 = tpu.memref_slice %arg4[%dma_wait3A_189, %add3A, %dma_wait3A_194] : memref<27x409600x16xf32, #tpu.memory_space<hbm>> -> memref<1x256x16xf32, #tpu.memory_space<hbm>>
        %dma_wait3A_196 = tpu.memref_squeeze %dma_wait3A_195 : memref<1x256x16xf32, #tpu.memory_space<hbm>> -> memref<256x16xf32, #tpu.memory_space<hbm>>
        %dma_wait3A_197 = arith.constant 0 : i32
        %dma_wait3A_198 = arith.constant 0 : i32
        %dma_wait3A_199 = tpu.memref_slice %arg8[%add3A_188, %dma_wait3A_197, %dma_wait3A_198] : memref<27x256x16xf32, #tpu.memory_space<vmem>> -> memref<1x256x16xf32, #tpu.memory_space<vmem>>
        %dma_wait3A_200 = tpu.memref_squeeze %dma_wait3A_199 : memref<1x256x16xf32, #tpu.memory_space<vmem>> -> memref<256x16xf32, #tpu.memory_space<vmem>>
        %dma_wait3A_201 = arith.constant 0 : i32
        %dma_wait3A_202 = tpu.memref_slice %arg4[%dma_wait3A_189, %add3A, %dma_wait3A_201] : memref<27x409600x16xf32, #tpu.memory_space<hbm>> -> memref<1x256x16xf32, #tpu.memory_space<hbm>>
        %dma_wait3A_203 = tpu.memref_squeeze %dma_wait3A_202 : memref<1x256x16xf32, #tpu.memory_space<hbm>> -> memref<256x16xf32, #tpu.memory_space<hbm>>
        tpu.wait_dma2 semaphore(%arg11 : memref<!tpu.dma_semaphore, #tpu.memory_space<semaphore_mem>>) src(%dma_wait3A_203 : memref<256x16xf32, #tpu.memory_space<hbm>>) dst(%dma_wait3A_200 : memref<256x16xf32, #tpu.memory_space<vmem>>)
      }
      %scan3A_128 = arith.constant 9 : i32
      %scan3A_129 = arith.constant 0 : i32
      %scan3A_130 = arith.constant 9 : i32
      %scan3A_131 = arith.addi %scan3A_129, %scan3A_130 : i32
      %scan3A_132 = arith.constant 1 : i32
      scf.for %scan3A_184 = %scan3A_129 to %scan3A_131 step %scan3A_132  : i32 {
        %mul3A_185 = arith.constant 1 : i32
        %mul3A_186 = arith.muli %scan3A_184, %mul3A_185 : i32
        %add3A_187 = arith.constant 0 : i32
        %add3A_188 = arith.addi %add3A_187, %mul3A_186 : i32
        %dma_start3A_189 = arith.constant 0 : i32
        %dma_start3A_190 = arith.constant 0 : i32
        %dma_start3A_191 = tpu.memref_slice %arg8[%add3A_188, %dma_start3A_189, %dma_start3A_190] : memref<27x256x16xf32, #tpu.memory_space<vmem>> -> memref<1x256x16xf32, #tpu.memory_space<vmem>>
        %dma_start3A_192 = tpu.memref_squeeze %dma_start3A_191 : memref<1x256x16xf32, #tpu.memory_space<vmem>> -> memref<256x16xf32, #tpu.memory_space<vmem>>
        %dma_start3A_193 = arith.constant 0 : i32
        %dma_start3A_194 = tpu.memref_slice %arg7[%add3A_188, %dma_start3A_193] : memref<27x256xi32, #tpu.memory_space<vmem>> -> memref<1x256xi32, #tpu.memory_space<vmem>>
        %dma_start3A_195 = tpu.memref_squeeze %dma_start3A_194 : memref<1x256xi32, #tpu.memory_space<vmem>> -> memref<256xi32, #tpu.memory_space<vmem>>
        %dma_start3A_196 = arith.constant 0 : i32
        %dma_start3A_197 = arith.constant 0 : i32
        %dma_start3A_198 = tpu.memref_slice %arg2[%dma_start3A_196, %dma_start3A_197] : memref<1048576x16xf32, #tpu.memory_space<hbm>> -> memref<1048576x16xf32, #tpu.memory_space<hbm>>
        tpu.enqueue_indirect_dma source(%dma_start3A_198 : memref<1048576x16xf32, #tpu.memory_space<hbm>>) target(%dma_start3A_192 : memref<256x16xf32, #tpu.memory_space<vmem>>) offsets(%dma_start3A_195 : memref<256xi32, #tpu.memory_space<vmem>>) semaphore(%arg10 : memref<!tpu.dma_semaphore, #tpu.memory_space<semaphore_mem>>)
      }
      %scan3A_133 = arith.constant 9 : i32
      %scan3A_134 = arith.constant 0 : i32
      %scan3A_135 = arith.constant 9 : i32
      %scan3A_136 = arith.addi %scan3A_134, %scan3A_135 : i32
      %scan3A_137 = arith.constant 1 : i32
      scf.for %scan3A_184 = %scan3A_134 to %scan3A_136 step %scan3A_137  : i32 {
        %mul3A_185 = arith.constant 1 : i32
        %mul3A_186 = arith.muli %scan3A_184, %mul3A_185 : i32
        %add3A_187 = arith.constant 0 : i32
        %add3A_188 = arith.addi %add3A_187, %mul3A_186 : i32
        %dma_wait3A_189 = arith.constant 0 : i32
        %dma_wait3A_190 = arith.constant 0 : i32
        %dma_wait3A_191 = arith.constant 0 : i32
        %dma_wait3A_192 = tpu.memref_slice %arg8[%add3A_188, %dma_wait3A_190, %dma_wait3A_191] : memref<27x256x16xf32, #tpu.memory_space<vmem>> -> memref<1x256x16xf32, #tpu.memory_space<vmem>>
        %dma_wait3A_193 = tpu.memref_squeeze %dma_wait3A_192 : memref<1x256x16xf32, #tpu.memory_space<vmem>> -> memref<256x16xf32, #tpu.memory_space<vmem>>
        %dma_wait3A_194 = arith.constant 0 : i32
        %dma_wait3A_195 = tpu.memref_slice %arg4[%dma_wait3A_189, %add3A, %dma_wait3A_194] : memref<27x409600x16xf32, #tpu.memory_space<hbm>> -> memref<1x256x16xf32, #tpu.memory_space<hbm>>
        %dma_wait3A_196 = tpu.memref_squeeze %dma_wait3A_195 : memref<1x256x16xf32, #tpu.memory_space<hbm>> -> memref<256x16xf32, #tpu.memory_space<hbm>>
        %dma_wait3A_197 = arith.constant 0 : i32
        %dma_wait3A_198 = arith.constant 0 : i32
        %dma_wait3A_199 = tpu.memref_slice %arg8[%add3A_188, %dma_wait3A_197, %dma_wait3A_198] : memref<27x256x16xf32, #tpu.memory_space<vmem>> -> memref<1x256x16xf32, #tpu.memory_space<vmem>>
        %dma_wait3A_200 = tpu.memref_squeeze %dma_wait3A_199 : memref<1x256x16xf32, #tpu.memory_space<vmem>> -> memref<256x16xf32, #tpu.memory_space<vmem>>
        %dma_wait3A_201 = arith.constant 0 : i32
        %dma_wait3A_202 = tpu.memref_slice %arg4[%dma_wait3A_189, %add3A, %dma_wait3A_201] : memref<27x409600x16xf32, #tpu.memory_space<hbm>> -> memref<1x256x16xf32, #tpu.memory_space<hbm>>
        %dma_wait3A_203 = tpu.memref_squeeze %dma_wait3A_202 : memref<1x256x16xf32, #tpu.memory_space<hbm>> -> memref<256x16xf32, #tpu.memory_space<hbm>>
        tpu.wait_dma2 semaphore(%arg10 : memref<!tpu.dma_semaphore, #tpu.memory_space<semaphore_mem>>) src(%dma_wait3A_203 : memref<256x16xf32, #tpu.memory_space<hbm>>) dst(%dma_wait3A_200 : memref<256x16xf32, #tpu.memory_space<vmem>>)
      }
      %scan3A_138 = arith.constant 9 : i32
      %scan3A_139 = arith.constant 0 : i32
      %scan3A_140 = arith.constant 9 : i32
      %scan3A_141 = arith.addi %scan3A_139, %scan3A_140 : i32
      %scan3A_142 = arith.constant 1 : i32
      scf.for %scan3A_184 = %scan3A_139 to %scan3A_141 step %scan3A_142  : i32 {
        %mul3A_185 = arith.constant 1 : i32
        %mul3A_186 = arith.muli %scan3A_184, %mul3A_185 : i32
        %add3A_187 = arith.constant 0 : i32
        %add3A_188 = arith.addi %add3A_187, %mul3A_186 : i32
        %dma_start3A_189 = arith.constant 0 : i32
        %dma_start3A_190 = arith.constant 0 : i32
        %dma_start3A_191 = tpu.memref_slice %arg8[%add3A_188, %dma_start3A_189, %dma_start3A_190] : memref<27x256x16xf32, #tpu.memory_space<vmem>> -> memref<1x256x16xf32, #tpu.memory_space<vmem>>
        %dma_start3A_192 = tpu.memref_squeeze %dma_start3A_191 : memref<1x256x16xf32, #tpu.memory_space<vmem>> -> memref<256x16xf32, #tpu.memory_space<vmem>>
        %dma_start3A_193 = arith.constant 0 : i32
        %dma_start3A_194 = tpu.memref_slice %arg4[%add3A_188, %add3A_105, %dma_start3A_193] : memref<27x409600x16xf32, #tpu.memory_space<hbm>> -> memref<1x256x16xf32, #tpu.memory_space<hbm>>
        %dma_start3A_195 = tpu.memref_squeeze %dma_start3A_194 : memref<1x256x16xf32, #tpu.memory_space<hbm>> -> memref<256x16xf32, #tpu.memory_space<hbm>>
        %dma_start3A_196 = arith.constant 0 : i32
        %dma_start3A_197 = tpu.memref_slice %arg4[%add3A_188, %add3A_105, %dma_start3A_196] : memref<27x409600x16xf32, #tpu.memory_space<hbm>> -> memref<1x256x16xf32, #tpu.memory_space<hbm>>
        %dma_start3A_198 = tpu.memref_squeeze %dma_start3A_197 : memref<1x256x16xf32, #tpu.memory_space<hbm>> -> memref<256x16xf32, #tpu.memory_space<hbm>>
        %dma_start3A_199 = arith.constant 0 : i32
        %dma_start3A_200 = arith.constant 0 : i32
        %dma_start3A_201 = tpu.memref_slice %arg8[%add3A_188, %dma_start3A_199, %dma_start3A_200] : memref<27x256x16xf32, #tpu.memory_space<vmem>> -> memref<1x256x16xf32, #tpu.memory_space<vmem>>
        %dma_start3A_202 = tpu.memref_squeeze %dma_start3A_201 : memref<1x256x16xf32, #tpu.memory_space<vmem>> -> memref<256x16xf32, #tpu.memory_space<vmem>>
        tpu.enqueue_dma source(%dma_start3A_202 : memref<256x16xf32, #tpu.memory_space<vmem>>) target(%dma_start3A_198 : memref<256x16xf32, #tpu.memory_space<hbm>>) target_semaphore(%arg11 : memref<!tpu.dma_semaphore, #tpu.memory_space<semaphore_mem>>)
      }
      %scan3A_143 = arith.constant 9 : i32
      %scan3A_144 = arith.constant 0 : i32
      %scan3A_145 = arith.constant 9 : i32
      %scan3A_146 = arith.addi %scan3A_144, %scan3A_145 : i32
      %scan3A_147 = arith.constant 1 : i32
      scf.for %scan3A_184 = %scan3A_144 to %scan3A_146 step %scan3A_147  : i32 {
        %mul3A_185 = arith.constant 1 : i32
        %mul3A_186 = arith.muli %scan3A_184, %mul3A_185 : i32
        %add3A_187 = arith.constant 0 : i32
        %add3A_188 = arith.addi %add3A_187, %mul3A_186 : i32
        %dma_wait3A_189 = arith.constant 0 : i32
        %dma_wait3A_190 = arith.constant 0 : i32
        %dma_wait3A_191 = arith.constant 0 : i32
        %dma_wait3A_192 = tpu.memref_slice %arg8[%add3A_188, %dma_wait3A_190, %dma_wait3A_191] : memref<27x256x16xf32, #tpu.memory_space<vmem>> -> memref<1x256x16xf32, #tpu.memory_space<vmem>>
        %dma_wait3A_193 = tpu.memref_squeeze %dma_wait3A_192 : memref<1x256x16xf32, #tpu.memory_space<vmem>> -> memref<256x16xf32, #tpu.memory_space<vmem>>
        %dma_wait3A_194 = arith.constant 0 : i32
        %dma_wait3A_195 = tpu.memref_slice %arg4[%dma_wait3A_189, %add3A, %dma_wait3A_194] : memref<27x409600x16xf32, #tpu.memory_space<hbm>> -> memref<1x256x16xf32, #tpu.memory_space<hbm>>
        %dma_wait3A_196 = tpu.memref_squeeze %dma_wait3A_195 : memref<1x256x16xf32, #tpu.memory_space<hbm>> -> memref<256x16xf32, #tpu.memory_space<hbm>>
        %dma_wait3A_197 = arith.constant 0 : i32
        %dma_wait3A_198 = arith.constant 0 : i32
        %dma_wait3A_199 = tpu.memref_slice %arg8[%add3A_188, %dma_wait3A_197, %dma_wait3A_198] : memref<27x256x16xf32, #tpu.memory_space<vmem>> -> memref<1x256x16xf32, #tpu.memory_space<vmem>>
        %dma_wait3A_200 = tpu.memref_squeeze %dma_wait3A_199 : memref<1x256x16xf32, #tpu.memory_space<vmem>> -> memref<256x16xf32, #tpu.memory_space<vmem>>
        %dma_wait3A_201 = arith.constant 0 : i32
        %dma_wait3A_202 = tpu.memref_slice %arg4[%dma_wait3A_189, %add3A, %dma_wait3A_201] : memref<27x409600x16xf32, #tpu.memory_space<hbm>> -> memref<1x256x16xf32, #tpu.memory_space<hbm>>
        %dma_wait3A_203 = tpu.memref_squeeze %dma_wait3A_202 : memref<1x256x16xf32, #tpu.memory_space<hbm>> -> memref<256x16xf32, #tpu.memory_space<hbm>>
        tpu.wait_dma2 semaphore(%arg12 : memref<!tpu.dma_semaphore, #tpu.memory_space<semaphore_mem>>) src(%dma_wait3A_203 : memref<256x16xf32, #tpu.memory_space<hbm>>) dst(%dma_wait3A_200 : memref<256x16xf32, #tpu.memory_space<vmem>>)
      }
      %scan3A_148 = arith.constant 9 : i32
      %scan3A_149 = arith.constant 0 : i32
      %scan3A_150 = arith.constant 9 : i32
      %scan3A_151 = arith.addi %scan3A_149, %scan3A_150 : i32
      %scan3A_152 = arith.constant 1 : i32
      scf.for %scan3A_184 = %scan3A_149 to %scan3A_151 step %scan3A_152  : i32 {
        %mul3A_185 = arith.constant 1 : i32
        %mul3A_186 = arith.muli %scan3A_184, %mul3A_185 : i32
        %add3A_187 = arith.constant 9 : i32
        %add3A_188 = arith.addi %add3A_187, %mul3A_186 : i32
        %dma_start3A_189 = arith.constant 0 : i32
        %dma_start3A_190 = arith.constant 0 : i32
        %dma_start3A_191 = tpu.memref_slice %arg8[%add3A_188, %dma_start3A_189, %dma_start3A_190] : memref<27x256x16xf32, #tpu.memory_space<vmem>> -> memref<1x256x16xf32, #tpu.memory_space<vmem>>
        %dma_start3A_192 = tpu.memref_squeeze %dma_start3A_191 : memref<1x256x16xf32, #tpu.memory_space<vmem>> -> memref<256x16xf32, #tpu.memory_space<vmem>>
        %dma_start3A_193 = arith.constant 0 : i32
        %dma_start3A_194 = tpu.memref_slice %arg7[%add3A_188, %dma_start3A_193] : memref<27x256xi32, #tpu.memory_space<vmem>> -> memref<1x256xi32, #tpu.memory_space<vmem>>
        %dma_start3A_195 = tpu.memref_squeeze %dma_start3A_194 : memref<1x256xi32, #tpu.memory_space<vmem>> -> memref<256xi32, #tpu.memory_space<vmem>>
        %dma_start3A_196 = arith.constant 0 : i32
        %dma_start3A_197 = arith.constant 0 : i32
        %dma_start3A_198 = tpu.memref_slice %arg2[%dma_start3A_196, %dma_start3A_197] : memref<1048576x16xf32, #tpu.memory_space<hbm>> -> memref<1048576x16xf32, #tpu.memory_space<hbm>>
        tpu.enqueue_indirect_dma source(%dma_start3A_198 : memref<1048576x16xf32, #tpu.memory_space<hbm>>) target(%dma_start3A_192 : memref<256x16xf32, #tpu.memory_space<vmem>>) offsets(%dma_start3A_195 : memref<256xi32, #tpu.memory_space<vmem>>) semaphore(%arg10 : memref<!tpu.dma_semaphore, #tpu.memory_space<semaphore_mem>>)
      }
      %scan3A_153 = arith.constant 9 : i32
      %scan3A_154 = arith.constant 0 : i32
      %scan3A_155 = arith.constant 9 : i32
      %scan3A_156 = arith.addi %scan3A_154, %scan3A_155 : i32
      %scan3A_157 = arith.constant 1 : i32
      scf.for %scan3A_184 = %scan3A_154 to %scan3A_156 step %scan3A_157  : i32 {
        %mul3A_185 = arith.constant 1 : i32
        %mul3A_186 = arith.muli %scan3A_184, %mul3A_185 : i32
        %add3A_187 = arith.constant 0 : i32
        %add3A_188 = arith.addi %add3A_187, %mul3A_186 : i32
        %dma_wait3A_189 = arith.constant 0 : i32
        %dma_wait3A_190 = arith.constant 0 : i32
        %dma_wait3A_191 = arith.constant 0 : i32
        %dma_wait3A_192 = tpu.memref_slice %arg8[%add3A_188, %dma_wait3A_190, %dma_wait3A_191] : memref<27x256x16xf32, #tpu.memory_space<vmem>> -> memref<1x256x16xf32, #tpu.memory_space<vmem>>
        %dma_wait3A_193 = tpu.memref_squeeze %dma_wait3A_192 : memref<1x256x16xf32, #tpu.memory_space<vmem>> -> memref<256x16xf32, #tpu.memory_space<vmem>>
        %dma_wait3A_194 = arith.constant 0 : i32
        %dma_wait3A_195 = tpu.memref_slice %arg4[%dma_wait3A_189, %add3A, %dma_wait3A_194] : memref<27x409600x16xf32, #tpu.memory_space<hbm>> -> memref<1x256x16xf32, #tpu.memory_space<hbm>>
        %dma_wait3A_196 = tpu.memref_squeeze %dma_wait3A_195 : memref<1x256x16xf32, #tpu.memory_space<hbm>> -> memref<256x16xf32, #tpu.memory_space<hbm>>
        %dma_wait3A_197 = arith.constant 0 : i32
        %dma_wait3A_198 = arith.constant 0 : i32
        %dma_wait3A_199 = tpu.memref_slice %arg8[%add3A_188, %dma_wait3A_197, %dma_wait3A_198] : memref<27x256x16xf32, #tpu.memory_space<vmem>> -> memref<1x256x16xf32, #tpu.memory_space<vmem>>
        %dma_wait3A_200 = tpu.memref_squeeze %dma_wait3A_199 : memref<1x256x16xf32, #tpu.memory_space<vmem>> -> memref<256x16xf32, #tpu.memory_space<vmem>>
        %dma_wait3A_201 = arith.constant 0 : i32
        %dma_wait3A_202 = tpu.memref_slice %arg4[%dma_wait3A_189, %add3A, %dma_wait3A_201] : memref<27x409600x16xf32, #tpu.memory_space<hbm>> -> memref<1x256x16xf32, #tpu.memory_space<hbm>>
        %dma_wait3A_203 = tpu.memref_squeeze %dma_wait3A_202 : memref<1x256x16xf32, #tpu.memory_space<hbm>> -> memref<256x16xf32, #tpu.memory_space<hbm>>
        tpu.wait_dma2 semaphore(%arg10 : memref<!tpu.dma_semaphore, #tpu.memory_space<semaphore_mem>>) src(%dma_wait3A_203 : memref<256x16xf32, #tpu.memory_space<hbm>>) dst(%dma_wait3A_200 : memref<256x16xf32, #tpu.memory_space<vmem>>)
      }
      %scan3A_158 = arith.constant 9 : i32
      %scan3A_159 = arith.constant 0 : i32
      %scan3A_160 = arith.constant 9 : i32
      %scan3A_161 = arith.addi %scan3A_159, %scan3A_160 : i32
      %scan3A_162 = arith.constant 1 : i32
      scf.for %scan3A_184 = %scan3A_159 to %scan3A_161 step %scan3A_162  : i32 {
        %mul3A_185 = arith.constant 1 : i32
        %mul3A_186 = arith.muli %scan3A_184, %mul3A_185 : i32
        %add3A_187 = arith.constant 9 : i32
        %add3A_188 = arith.addi %add3A_187, %mul3A_186 : i32
        %dma_start3A_189 = arith.constant 0 : i32
        %dma_start3A_190 = arith.constant 0 : i32
        %dma_start3A_191 = tpu.memref_slice %arg8[%add3A_188, %dma_start3A_189, %dma_start3A_190] : memref<27x256x16xf32, #tpu.memory_space<vmem>> -> memref<1x256x16xf32, #tpu.memory_space<vmem>>
        %dma_start3A_192 = tpu.memref_squeeze %dma_start3A_191 : memref<1x256x16xf32, #tpu.memory_space<vmem>> -> memref<256x16xf32, #tpu.memory_space<vmem>>
        %dma_start3A_193 = arith.constant 0 : i32
        %dma_start3A_194 = tpu.memref_slice %arg4[%add3A_188, %add3A_105, %dma_start3A_193] : memref<27x409600x16xf32, #tpu.memory_space<hbm>> -> memref<1x256x16xf32, #tpu.memory_space<hbm>>
        %dma_start3A_195 = tpu.memref_squeeze %dma_start3A_194 : memref<1x256x16xf32, #tpu.memory_space<hbm>> -> memref<256x16xf32, #tpu.memory_space<hbm>>
        %dma_start3A_196 = arith.constant 0 : i32
        %dma_start3A_197 = tpu.memref_slice %arg4[%add3A_188, %add3A_105, %dma_start3A_196] : memref<27x409600x16xf32, #tpu.memory_space<hbm>> -> memref<1x256x16xf32, #tpu.memory_space<hbm>>
        %dma_start3A_198 = tpu.memref_squeeze %dma_start3A_197 : memref<1x256x16xf32, #tpu.memory_space<hbm>> -> memref<256x16xf32, #tpu.memory_space<hbm>>
        %dma_start3A_199 = arith.constant 0 : i32
        %dma_start3A_200 = arith.constant 0 : i32
        %dma_start3A_201 = tpu.memref_slice %arg8[%add3A_188, %dma_start3A_199, %dma_start3A_200] : memref<27x256x16xf32, #tpu.memory_space<vmem>> -> memref<1x256x16xf32, #tpu.memory_space<vmem>>
        %dma_start3A_202 = tpu.memref_squeeze %dma_start3A_201 : memref<1x256x16xf32, #tpu.memory_space<vmem>> -> memref<256x16xf32, #tpu.memory_space<vmem>>
        tpu.enqueue_dma source(%dma_start3A_202 : memref<256x16xf32, #tpu.memory_space<vmem>>) target(%dma_start3A_198 : memref<256x16xf32, #tpu.memory_space<hbm>>) target_semaphore(%arg12 : memref<!tpu.dma_semaphore, #tpu.memory_space<semaphore_mem>>)
      }
      %scan3A_163 = arith.constant 9 : i32
      %scan3A_164 = arith.constant 0 : i32
      %scan3A_165 = arith.constant 9 : i32
      %scan3A_166 = arith.addi %scan3A_164, %scan3A_165 : i32
      %scan3A_167 = arith.constant 1 : i32
      scf.for %scan3A_184 = %scan3A_164 to %scan3A_166 step %scan3A_167  : i32 {
        %mul3A_185 = arith.constant 1 : i32
        %mul3A_186 = arith.muli %scan3A_184, %mul3A_185 : i32
        %add3A_187 = arith.constant 0 : i32
        %add3A_188 = arith.addi %add3A_187, %mul3A_186 : i32
        %dma_wait3A_189 = arith.constant 0 : i32
        %dma_wait3A_190 = arith.constant 0 : i32
        %dma_wait3A_191 = arith.constant 0 : i32
        %dma_wait3A_192 = tpu.memref_slice %arg8[%add3A_188, %dma_wait3A_190, %dma_wait3A_191] : memref<27x256x16xf32, #tpu.memory_space<vmem>> -> memref<1x256x16xf32, #tpu.memory_space<vmem>>
        %dma_wait3A_193 = tpu.memref_squeeze %dma_wait3A_192 : memref<1x256x16xf32, #tpu.memory_space<vmem>> -> memref<256x16xf32, #tpu.memory_space<vmem>>
        %dma_wait3A_194 = arith.constant 0 : i32
        %dma_wait3A_195 = tpu.memref_slice %arg4[%dma_wait3A_189, %add3A, %dma_wait3A_194] : memref<27x409600x16xf32, #tpu.memory_space<hbm>> -> memref<1x256x16xf32, #tpu.memory_space<hbm>>
        %dma_wait3A_196 = tpu.memref_squeeze %dma_wait3A_195 : memref<1x256x16xf32, #tpu.memory_space<hbm>> -> memref<256x16xf32, #tpu.memory_space<hbm>>
        %dma_wait3A_197 = arith.constant 0 : i32
        %dma_wait3A_198 = arith.constant 0 : i32
        %dma_wait3A_199 = tpu.memref_slice %arg8[%add3A_188, %dma_wait3A_197, %dma_wait3A_198] : memref<27x256x16xf32, #tpu.memory_space<vmem>> -> memref<1x256x16xf32, #tpu.memory_space<vmem>>
        %dma_wait3A_200 = tpu.memref_squeeze %dma_wait3A_199 : memref<1x256x16xf32, #tpu.memory_space<vmem>> -> memref<256x16xf32, #tpu.memory_space<vmem>>
        %dma_wait3A_201 = arith.constant 0 : i32
        %dma_wait3A_202 = tpu.memref_slice %arg4[%dma_wait3A_189, %add3A, %dma_wait3A_201] : memref<27x409600x16xf32, #tpu.memory_space<hbm>> -> memref<1x256x16xf32, #tpu.memory_space<hbm>>
        %dma_wait3A_203 = tpu.memref_squeeze %dma_wait3A_202 : memref<1x256x16xf32, #tpu.memory_space<hbm>> -> memref<256x16xf32, #tpu.memory_space<hbm>>
        tpu.wait_dma2 semaphore(%arg13 : memref<!tpu.dma_semaphore, #tpu.memory_space<semaphore_mem>>) src(%dma_wait3A_203 : memref<256x16xf32, #tpu.memory_space<hbm>>) dst(%dma_wait3A_200 : memref<256x16xf32, #tpu.memory_space<vmem>>)
      }
      %scan3A_168 = arith.constant 9 : i32
      %scan3A_169 = arith.constant 0 : i32
      %scan3A_170 = arith.constant 9 : i32
      %scan3A_171 = arith.addi %scan3A_169, %scan3A_170 : i32
      %scan3A_172 = arith.constant 1 : i32
      scf.for %scan3A_184 = %scan3A_169 to %scan3A_171 step %scan3A_172  : i32 {
        %mul3A_185 = arith.constant 1 : i32
        %mul3A_186 = arith.muli %scan3A_184, %mul3A_185 : i32
        %add3A_187 = arith.constant 18 : i32
        %add3A_188 = arith.addi %add3A_187, %mul3A_186 : i32
        %dma_start3A_189 = arith.constant 0 : i32
        %dma_start3A_190 = arith.constant 0 : i32
        %dma_start3A_191 = tpu.memref_slice %arg8[%add3A_188, %dma_start3A_189, %dma_start3A_190] : memref<27x256x16xf32, #tpu.memory_space<vmem>> -> memref<1x256x16xf32, #tpu.memory_space<vmem>>
        %dma_start3A_192 = tpu.memref_squeeze %dma_start3A_191 : memref<1x256x16xf32, #tpu.memory_space<vmem>> -> memref<256x16xf32, #tpu.memory_space<vmem>>
        %dma_start3A_193 = arith.constant 0 : i32
        %dma_start3A_194 = tpu.memref_slice %arg7[%add3A_188, %dma_start3A_193] : memref<27x256xi32, #tpu.memory_space<vmem>> -> memref<1x256xi32, #tpu.memory_space<vmem>>
        %dma_start3A_195 = tpu.memref_squeeze %dma_start3A_194 : memref<1x256xi32, #tpu.memory_space<vmem>> -> memref<256xi32, #tpu.memory_space<vmem>>
        %dma_start3A_196 = arith.constant 0 : i32
        %dma_start3A_197 = arith.constant 0 : i32
        %dma_start3A_198 = tpu.memref_slice %arg2[%dma_start3A_196, %dma_start3A_197] : memref<1048576x16xf32, #tpu.memory_space<hbm>> -> memref<1048576x16xf32, #tpu.memory_space<hbm>>
        tpu.enqueue_indirect_dma source(%dma_start3A_198 : memref<1048576x16xf32, #tpu.memory_space<hbm>>) target(%dma_start3A_192 : memref<256x16xf32, #tpu.memory_space<vmem>>) offsets(%dma_start3A_195 : memref<256xi32, #tpu.memory_space<vmem>>) semaphore(%arg10 : memref<!tpu.dma_semaphore, #tpu.memory_space<semaphore_mem>>)
      }
      %scan3A_173 = arith.constant 9 : i32
      %scan3A_174 = arith.constant 0 : i32
      %scan3A_175 = arith.constant 9 : i32
      %scan3A_176 = arith.addi %scan3A_174, %scan3A_175 : i32
      %scan3A_177 = arith.constant 1 : i32
      scf.for %scan3A_184 = %scan3A_174 to %scan3A_176 step %scan3A_177  : i32 {
        %mul3A_185 = arith.constant 1 : i32
        %mul3A_186 = arith.muli %scan3A_184, %mul3A_185 : i32
        %add3A_187 = arith.constant 0 : i32
        %add3A_188 = arith.addi %add3A_187, %mul3A_186 : i32
        %dma_wait3A_189 = arith.constant 0 : i32
        %dma_wait3A_190 = arith.constant 0 : i32
        %dma_wait3A_191 = arith.constant 0 : i32
        %dma_wait3A_192 = tpu.memref_slice %arg8[%add3A_188, %dma_wait3A_190, %dma_wait3A_191] : memref<27x256x16xf32, #tpu.memory_space<vmem>> -> memref<1x256x16xf32, #tpu.memory_space<vmem>>
        %dma_wait3A_193 = tpu.memref_squeeze %dma_wait3A_192 : memref<1x256x16xf32, #tpu.memory_space<vmem>> -> memref<256x16xf32, #tpu.memory_space<vmem>>
        %dma_wait3A_194 = arith.constant 0 : i32
        %dma_wait3A_195 = tpu.memref_slice %arg4[%dma_wait3A_189, %add3A, %dma_wait3A_194] : memref<27x409600x16xf32, #tpu.memory_space<hbm>> -> memref<1x256x16xf32, #tpu.memory_space<hbm>>
        %dma_wait3A_196 = tpu.memref_squeeze %dma_wait3A_195 : memref<1x256x16xf32, #tpu.memory_space<hbm>> -> memref<256x16xf32, #tpu.memory_space<hbm>>
        %dma_wait3A_197 = arith.constant 0 : i32
        %dma_wait3A_198 = arith.constant 0 : i32
        %dma_wait3A_199 = tpu.memref_slice %arg8[%add3A_188, %dma_wait3A_197, %dma_wait3A_198] : memref<27x256x16xf32, #tpu.memory_space<vmem>> -> memref<1x256x16xf32, #tpu.memory_space<vmem>>
        %dma_wait3A_200 = tpu.memref_squeeze %dma_wait3A_199 : memref<1x256x16xf32, #tpu.memory_space<vmem>> -> memref<256x16xf32, #tpu.memory_space<vmem>>
        %dma_wait3A_201 = arith.constant 0 : i32
        %dma_wait3A_202 = tpu.memref_slice %arg4[%dma_wait3A_189, %add3A, %dma_wait3A_201] : memref<27x409600x16xf32, #tpu.memory_space<hbm>> -> memref<1x256x16xf32, #tpu.memory_space<hbm>>
        %dma_wait3A_203 = tpu.memref_squeeze %dma_wait3A_202 : memref<1x256x16xf32, #tpu.memory_space<hbm>> -> memref<256x16xf32, #tpu.memory_space<hbm>>
        tpu.wait_dma2 semaphore(%arg10 : memref<!tpu.dma_semaphore, #tpu.memory_space<semaphore_mem>>) src(%dma_wait3A_203 : memref<256x16xf32, #tpu.memory_space<hbm>>) dst(%dma_wait3A_200 : memref<256x16xf32, #tpu.memory_space<vmem>>)
      }
      %scan3A_178 = arith.constant 9 : i32
      %scan3A_179 = arith.constant 0 : i32
      %scan3A_180 = arith.constant 9 : i32
      %scan3A_181 = arith.addi %scan3A_179, %scan3A_180 : i32
      %scan3A_182 = arith.constant 1 : i32
      scf.for %scan3A_184 = %scan3A_179 to %scan3A_181 step %scan3A_182  : i32 {
        %mul3A_185 = arith.constant 1 : i32
        %mul3A_186 = arith.muli %scan3A_184, %mul3A_185 : i32
        %add3A_187 = arith.constant 18 : i32
        %add3A_188 = arith.addi %add3A_187, %mul3A_186 : i32
        %dma_start3A_189 = arith.constant 0 : i32
        %dma_start3A_190 = arith.constant 0 : i32
        %dma_start3A_191 = tpu.memref_slice %arg8[%add3A_188, %dma_start3A_189, %dma_start3A_190] : memref<27x256x16xf32, #tpu.memory_space<vmem>> -> memref<1x256x16xf32, #tpu.memory_space<vmem>>
        %dma_start3A_192 = tpu.memref_squeeze %dma_start3A_191 : memref<1x256x16xf32, #tpu.memory_space<vmem>> -> memref<256x16xf32, #tpu.memory_space<vmem>>
        %dma_start3A_193 = arith.constant 0 : i32
        %dma_start3A_194 = tpu.memref_slice %arg4[%add3A_188, %add3A_105, %dma_start3A_193] : memref<27x409600x16xf32, #tpu.memory_space<hbm>> -> memref<1x256x16xf32, #tpu.memory_space<hbm>>
        %dma_start3A_195 = tpu.memref_squeeze %dma_start3A_194 : memref<1x256x16xf32, #tpu.memory_space<hbm>> -> memref<256x16xf32, #tpu.memory_space<hbm>>
        %dma_start3A_196 = arith.constant 0 : i32
        %dma_start3A_197 = tpu.memref_slice %arg4[%add3A_188, %add3A_105, %dma_start3A_196] : memref<27x409600x16xf32, #tpu.memory_space<hbm>> -> memref<1x256x16xf32, #tpu.memory_space<hbm>>
        %dma_start3A_198 = tpu.memref_squeeze %dma_start3A_197 : memref<1x256x16xf32, #tpu.memory_space<hbm>> -> memref<256x16xf32, #tpu.memory_space<hbm>>
        %dma_start3A_199 = arith.constant 0 : i32
        %dma_start3A_200 = arith.constant 0 : i32
        %dma_start3A_201 = tpu.memref_slice %arg8[%add3A_188, %dma_start3A_199, %dma_start3A_200] : memref<27x256x16xf32, #tpu.memory_space<vmem>> -> memref<1x256x16xf32, #tpu.memory_space<vmem>>
        %dma_start3A_202 = tpu.memref_squeeze %dma_start3A_201 : memref<1x256x16xf32, #tpu.memory_space<vmem>> -> memref<256x16xf32, #tpu.memory_space<vmem>>
        tpu.enqueue_dma source(%dma_start3A_202 : memref<256x16xf32, #tpu.memory_space<vmem>>) target(%dma_start3A_198 : memref<256x16xf32, #tpu.memory_space<hbm>>) target_semaphore(%arg13 : memref<!tpu.dma_semaphore, #tpu.memory_space<semaphore_mem>>)
      }
      %scan3A_183 = arith.constant 9 : i32
    }
    %while3A_84 = arith.constant 1 : i32
    scf.for %while3A_100 = %while3A_82 to %while3A_78 step %while3A_84  : i32 {
      %mul3A_101 = arith.muli %while3A_100, %while3A : i32
      %add3A_102 = arith.addi %while3A_75, %mul3A_101 : i32
      %mul3A_103 = arith.constant 256 : i32
      %mul3A_104 = arith.muli %add3A_102, %mul3A_103 : i32
      %add3A_105 = arith.addi %add3A, %mul3A_104 : i32
      %dma_start3A_106 = arith.constant 0 : i32
      %dma_start3A_107 = tpu.memref_slice %arg3[%dma_start3A_106, %add3A_105] : memref<4x409600xf32, #tpu.memory_space<hbm>> -> memref<4x256xf32, #tpu.memory_space<hbm>>
      %dma_start3A_108 = arith.constant 0 : i32
      %dma_start3A_109 = tpu.memref_slice %arg3[%dma_start3A_108, %add3A_105] : memref<4x409600xf32, #tpu.memory_space<hbm>> -> memref<4x256xf32, #tpu.memory_space<hbm>>
      tpu.enqueue_dma source(%dma_start3A_109 : memref<4x256xf32, #tpu.memory_space<hbm>>) target(%arg5 : memref<4x256xf32, #tpu.memory_space<vmem>>) target_semaphore(%arg9 : memref<!tpu.dma_semaphore, #tpu.memory_space<semaphore_mem>>)
      %dma_wait3A_110 = arith.constant 0 : i32
      %dma_wait3A_111 = tpu.memref_slice %arg3[%dma_wait3A_110, %add3A_105] : memref<4x409600xf32, #tpu.memory_space<hbm>> -> memref<4x256xf32, #tpu.memory_space<hbm>>
      %dma_wait3A_112 = arith.constant 0 : i32
      %dma_wait3A_113 = tpu.memref_slice %arg3[%dma_wait3A_112, %add3A_105] : memref<4x409600xf32, #tpu.memory_space<hbm>> -> memref<4x256xf32, #tpu.memory_space<hbm>>
      tpu.wait_dma2 semaphore(%arg9 : memref<!tpu.dma_semaphore, #tpu.memory_space<semaphore_mem>>) src(%dma_wait3A_113 : memref<4x256xf32, #tpu.memory_space<hbm>>) dst(%arg5 : memref<4x256xf32, #tpu.memory_space<vmem>>)
      %scan3A_114 = arith.constant 0 : i32
      %scan3A_115 = arith.constant 16 : i32
      %scan3A_116 = arith.addi %scan3A_114, %scan3A_115 : i32
      %scan3A_117 = arith.constant 1 : i32
      scf.for %scan3A_184 = %scan3A_114 to %scan3A_116 step %scan3A_117  : i32 {
        %mul3A_185 = arith.constant 16 : i32
        %mul3A_186 = arith.muli %scan3A_184, %mul3A_185 : i32
        %add3A_187 = arith.constant 0 : i32
        %add3A_188 = arith.addi %add3A_187, %mul3A_186 : i32
        %get3A = arith.constant 0 : i32
        %get3A_189 = arith.index_cast %get3A : i32 to index
        %get3A_190 = arith.index_cast %add3A_188 : i32 to index
        %get3A_191 = tpu.vector_load %arg5[%get3A_189, %get3A_190] {strides = array<i32>} : memref<4x256xf32, #tpu.memory_space<vmem>>, vector<1x16xf32>,
        %get3A_192 = vector.shape_cast %get3A_191 : vector<1x16xf32> to vector<16xf32>
        %add3A_193 = arith.constant 5.000000e-01 : f32
        %add3A_194 = vector.broadcast %add3A_193 : f32 to vector<16xf32>
        %add3A_195 = arith.addf %get3A_192, %add3A_194 : vector<16xf32>
        %mul3A_196 = arith.constant 3.200000e+01 : f32
        %mul3A_197 = vector.broadcast %mul3A_196 : f32 to vector<16xf32>
        %mul3A_198 = arith.mulf %add3A_195, %mul3A_197 : vector<16xf32>
        %convert_element_type3A = arith.fptosi %mul3A_198 : vector<16xf32> to vector<16xi32>
        %get3A_199 = arith.constant 1 : i32
        %get3A_200 = arith.index_cast %get3A_199 : i32 to index
        %get3A_201 = arith.index_cast %add3A_188 : i32 to index
        %get3A_202 = tpu.vector_load %arg5[%get3A_200, %get3A_201] {strides = array<i32>} : memref<4x256xf32, #tpu.memory_space<vmem>>, vector<1x16xf32>,
        %get3A_203 = vector.shape_cast %get3A_202 : vector<1x16xf32> to vector<16xf32>
        %add3A_204 = arith.constant 5.000000e-01 : f32
        %add3A_205 = vector.broadcast %add3A_204 : f32 to vector<16xf32>
        %add3A_206 = arith.addf %get3A_203, %add3A_205 : vector<16xf32>
        %mul3A_207 = arith.constant 3.200000e+01 : f32
        %mul3A_208 = vector.broadcast %mul3A_207 : f32 to vector<16xf32>
        %mul3A_209 = arith.mulf %add3A_206, %mul3A_208 : vector<16xf32>
        %convert_element_type3A_210 = arith.fptosi %mul3A_209 : vector<16xf32> to vector<16xi32>
        %get3A_211 = arith.constant 2 : i32
        %get3A_212 = arith.index_cast %get3A_211 : i32 to index
        %get3A_213 = arith.index_cast %add3A_188 : i32 to index
        %get3A_214 = tpu.vector_load %arg5[%get3A_212, %get3A_213] {strides = array<i32>} : memref<4x256xf32, #tpu.memory_space<vmem>>, vector<1x16xf32>,
        %get3A_215 = vector.shape_cast %get3A_214 : vector<1x16xf32> to vector<16xf32>
        %add3A_216 = arith.constant 5.000000e-01 : f32
        %add3A_217 = vector.broadcast %add3A_216 : f32 to vector<16xf32>
        %add3A_218 = arith.addf %get3A_215, %add3A_217 : vector<16xf32>
        %mul3A_219 = arith.constant 3.200000e+01 : f32
        %mul3A_220 = vector.broadcast %mul3A_219 : f32 to vector<16xf32>
        %mul3A_221 = arith.mulf %add3A_218, %mul3A_220 : vector<16xf32>
        %convert_element_type3A_222 = arith.fptosi %mul3A_221 : vector<16xf32> to vector<16xi32>
        %get3A_223 = arith.constant 3 : i32
        %get3A_224 = arith.index_cast %get3A_223 : i32 to index
        %get3A_225 = arith.index_cast %add3A_188 : i32 to index
        %get3A_226 = tpu.vector_load %arg5[%get3A_224, %get3A_225] {strides = array<i32>} : memref<4x256xf32, #tpu.memory_space<vmem>>, vector<1x16xf32>,
        %get3A_227 = vector.shape_cast %get3A_226 : vector<1x16xf32> to vector<16xf32>
        %convert_element_type3A_228 = arith.fptosi %get3A_227 : vector<16xf32> to vector<16xi32>
        %mul3A_229 = arith.constant 4096 : i32
        %mul3A_230 = vector.broadcast %mul3A_229 : i32 to vector<16xi32>
        %mul3A_231 = arith.muli %convert_element_type3A, %mul3A_230 : vector<16xi32>
        %add3A_232 = arith.addi %convert_element_type3A_228, %mul3A_231 : vector<16xi32>
        %mul3A_233 = arith.constant 64 : i32
        %mul3A_234 = vector.broadcast %mul3A_233 : i32 to vector<16xi32>
        %mul3A_235 = arith.muli %convert_element_type3A_210, %mul3A_234 : vector<16xi32>
        %add3A_236 = arith.addi %add3A_232, %mul3A_235 : vector<16xi32>
        %add3A_237 = arith.addi %add3A_236, %convert_element_type3A_222 : vector<16xi32>
        %swap3A = arith.index_cast %add3A_188 : i32 to index
        %swap3A_238 = tpu.vector_load %arg6[%swap3A] {strides = array<i32>} : memref<256xi32, #tpu.memory_space<vmem>>, vector<16xi32>,
        %swap3A_239 = vector.shape_cast %swap3A_238 : vector<16xi32> to vector<16xi32>
        %swap3A_240 = vector.shape_cast %add3A_237 : vector<16xi32> to vector<16xi32>
        tpu.vector_store %arg6[%swap3A], %swap3A_240 {strides = array<i32>} : memref<256xi32, #tpu.memory_space<vmem>>, vector<16xi32>,
      }
      %scan3A_118 = arith.constant 16 : i32
      %scan3A_119 = arith.constant 0 : i32
      %scan3A_120 = arith.constant 27 : i32
      %scan3A_121 = arith.addi %scan3A_119, %scan3A_120 : i32
      %scan3A_122 = arith.constant 1 : i32
      scf.for %scan3A_184 = %scan3A_119 to %scan3A_121 step %scan3A_122  : i32 {
        %mul3A_185 = arith.constant 1 : i32
        %mul3A_186 = arith.muli %scan3A_184, %mul3A_185 : i32
        %add3A_187 = arith.constant 0 : i32
        %add3A_188 = arith.addi %add3A_187, %mul3A_186 : i32
        %jit3A = arith.constant 9 : i32
        %div3A_189 = arith.divsi %add3A_188, %jit3A : i32
        %sign3A = arith.constant 0 : i32
        %sign3A_190 = arith.cmpi sgt, %add3A_188, %sign3A : i32
        %sign3A_191 = arith.extui %sign3A_190 : i1 to i32
        %sign3A_192 = arith.constant 0 : i32
        %sign3A_193 = arith.cmpi slt, %add3A_188, %sign3A_192 : i32
        %sign3A_194 = arith.extui %sign3A_193 : i1 to i32
        %sign3A_195 = arith.subi %sign3A_191, %sign3A_194 : i32
        %sign3A_196 = arith.constant 0 : i32
        %sign3A_197 = arith.cmpi sgt, %jit3A, %sign3A_196 : i32
        %sign3A_198 = arith.extui %sign3A_197 : i1 to i32
        %sign3A_199 = arith.constant 0 : i32
        %sign3A_200 = arith.cmpi slt, %jit3A, %sign3A_199 : i32
        %sign3A_201 = arith.extui %sign3A_200 : i1 to i32
        %sign3A_202 = arith.subi %sign3A_198, %sign3A_201 : i32
        %ne3A = arith.cmpi ne, %sign3A_195, %sign3A_202 : i32
        %rem3A = arith.remsi %add3A_188, %jit3A : i32
        %ne3A_203 = arith.constant 0 : i32
        %ne3A_204 = arith.cmpi ne, %rem3A, %ne3A_203 : i32
        %and3A = arith.andi %ne3A, %ne3A_204 : i1
        %sub3A_205 = arith.constant 1 : i32
        %sub3A_206 = arith.subi %div3A_189, %sub3A_205 : i32
        %select_n3A = arith.select %and3A, %sub3A_206, %div3A_189 : i32
        %jit3A_207 = arith.constant 3 : i32
        %div3A_208 = arith.divsi %add3A_188, %jit3A_207 : i32
        %sign3A_209 = arith.constant 0 : i32
        %sign3A_210 = arith.cmpi sgt, %add3A_188, %sign3A_209 : i32
        %sign3A_211 = arith.extui %sign3A_210 : i1 to i32
        %sign3A_212 = arith.constant 0 : i32
        %sign3A_213 = arith.cmpi slt, %add3A_188, %sign3A_212 : i32
        %sign3A_214 = arith.extui %sign3A_213 : i1 to i32
        %sign3A_215 = arith.subi %sign3A_211, %sign3A_214 : i32
        %sign3A_216 = arith.constant 0 : i32
        %sign3A_217 = arith.cmpi sgt, %jit3A_207, %sign3A_216 : i32
        %sign3A_218 = arith.extui %sign3A_217 : i1 to i32
        %sign3A_219 = arith.constant 0 : i32
        %sign3A_220 = arith.cmpi slt, %jit3A_207, %sign3A_219 : i32
        %sign3A_221 = arith.extui %sign3A_220 : i1 to i32
        %sign3A_222 = arith.subi %sign3A_218, %sign3A_221 : i32
        %ne3A_223 = arith.cmpi ne, %sign3A_215, %sign3A_222 : i32
        %rem3A_224 = arith.remsi %add3A_188, %jit3A_207 : i32
        %ne3A_225 = arith.constant 0 : i32
        %ne3A_226 = arith.cmpi ne, %rem3A_224, %ne3A_225 : i32
        %and3A_227 = arith.andi %ne3A_223, %ne3A_226 : i1
        %sub3A_228 = arith.constant 1 : i32
        %sub3A_229 = arith.subi %div3A_208, %sub3A_228 : i32
        %select_n3A_230 = arith.select %and3A_227, %sub3A_229, %div3A_208 : i32
        %jit3A_231 = arith.constant 3 : i32
        %eq3A = arith.constant 0 : i32
        %eq3A_232 = arith.cmpi eq, %jit3A_231, %eq3A : i32
        %jit3A_233 = arith.constant 1 : i32
        %select_n3A_234 = arith.select %eq3A_232, %jit3A_233, %jit3A_231 : i32
        %rem3A_235 = arith.remsi %select_n3A_230, %select_n3A_234 : i32
        %ne3A_236 = arith.constant 0 : i32
        %ne3A_237 = arith.cmpi ne, %rem3A_235, %ne3A_236 : i32
        %lt3A = arith.constant 0 : i32
        %lt3A_238 = arith.cmpi slt, %rem3A_235, %lt3A : i32
        %lt3A_239 = arith.constant 0 : i32
        %lt3A_240 = arith.cmpi slt, %select_n3A_234, %lt3A_239 : i32
        %ne3A_241 = arith.xori %lt3A_238, %lt3A_240 : i1
        %and3A_242 = arith.andi %ne3A_241, %ne3A_237 : i1
        %add3A_243 = arith.addi %rem3A_235, %select_n3A_234 : i32
        %select_n3A_244 = arith.select %and3A_242, %add3A_243, %rem3A_235 : i32
        %jit3A_245 = arith.constant 3 : i32
        %eq3A_246 = arith.constant 0 : i32
        %eq3A_247 = arith.cmpi eq, %jit3A_245, %eq3A_246 : i32
        %jit3A_248 = arith.constant 1 : i32
        %select_n3A_249 = arith.select %eq3A_247, %jit3A_248, %jit3A_245 : i32
        %rem3A_250 = arith.remsi %add3A_188, %select_n3A_249 : i32
        %ne3A_251 = arith.constant 0 : i32
        %ne3A_252 = arith.cmpi ne, %rem3A_250, %ne3A_251 : i32
        %lt3A_253 = arith.constant 0 : i32
        %lt3A_254 = arith.cmpi slt, %rem3A_250, %lt3A_253 : i32
        %lt3A_255 = arith.constant 0 : i32
        %lt3A_256 = arith.cmpi slt, %select_n3A_249, %lt3A_255 : i32
        %ne3A_257 = arith.xori %lt3A_254, %lt3A_256 : i1
        %and3A_258 = arith.andi %ne3A_257, %ne3A_252 : i1
        %add3A_259 = arith.addi %rem3A_250, %select_n3A_249 : i32
        %select_n3A_260 = arith.select %and3A_258, %add3A_259, %rem3A_250 : i32
        %sub3A_261 = arith.constant 1 : i32
        %sub3A_262 = arith.subi %select_n3A, %sub3A_261 : i32
        %mul3A_263 = arith.constant 4096 : i32
        %mul3A_264 = arith.muli %sub3A_262, %mul3A_263 : i32
        %sub3A_265 = arith.constant 1 : i32
        %sub3A_266 = arith.subi %select_n3A_244, %sub3A_265 : i32
        %mul3A_267 = arith.constant 64 : i32
        %mul3A_268 = arith.muli %sub3A_266, %mul3A_267 : i32
        %add3A_269 = arith.addi %mul3A_264, %mul3A_268 : i32
        %sub3A_270 = arith.constant 1 : i32
        %sub3A_271 = arith.subi %select_n3A_260, %sub3A_270 : i32
        %add3A_272 = arith.addi %add3A_269, %sub3A_271 : i32
        %scan3A_273 = arith.constant 0 : i32
        %scan3A_274 = arith.constant 16 : i32
        %scan3A_275 = arith.addi %scan3A_273, %scan3A_274 : i32
        %scan3A_276 = arith.constant 1 : i32
        scf.for %scan3A_278 = %scan3A_273 to %scan3A_275 step %scan3A_276  : i32 {
          %mul3A_279 = arith.constant 16 : i32
          %mul3A_280 = arith.muli %scan3A_278, %mul3A_279 : i32
          %add3A_281 = arith.constant 0 : i32
          %add3A_282 = arith.addi %add3A_281, %mul3A_280 : i32
          %get3A = arith.index_cast %add3A_282 : i32 to index
          %get3A_283 = tpu.vector_load %arg6[%get3A] {strides = array<i32>} : memref<256xi32, #tpu.memory_space<vmem>>, vector<16xi32>,
          %get3A_284 = vector.shape_cast %get3A_283 : vector<16xi32> to vector<16xi32>
          %add3A_285 = vector.broadcast %add3A_272 : i32 to vector<16xi32>
          %add3A_286 = arith.addi %get3A_284, %add3A_285 : vector<16xi32>
          %swap3A = arith.index_cast %add3A_188 : i32 to index
          %swap3A_287 = arith.index_cast %add3A_282 : i32 to index
          %swap3A_288 = tpu.vector_load %arg7[%swap3A, %swap3A_287] {strides = array<i32>} : memref<27x256xi32, #tpu.memory_space<vmem>>, vector<1x16xi32>,
          %swap3A_289 = vector.shape_cast %swap3A_288 : vector<1x16xi32> to vector<16xi32>
          %swap3A_290 = vector.shape_cast %add3A_286 : vector<16xi32> to vector<1x16xi32>
          tpu.vector_store %arg7[%swap3A, %swap3A_287], %swap3A_290 {strides = array<i32>} : memref<27x256xi32, #tpu.memory_space<vmem>>, vector<1x16xi32>,
        }
        %scan3A_277 = arith.constant 16 : i32
      }
      %scan3A_123 = arith.constant 27 : i32
      %scan3A_124 = arith.constant 0 : i32
      %scan3A_125 = arith.constant 9 : i32
      %scan3A_126 = arith.addi %scan3A_124, %scan3A_125 : i32
      %scan3A_127 = arith.constant 1 : i32
      scf.for %scan3A_184 = %scan3A_124 to %scan3A_126 step %scan3A_127  : i32 {
        %mul3A_185 = arith.constant 1 : i32
        %mul3A_186 = arith.muli %scan3A_184, %mul3A_185 : i32
        %add3A_187 = arith.constant 0 : i32
        %add3A_188 = arith.addi %add3A_187, %mul3A_186 : i32
        %dma_wait3A_189 = arith.constant 0 : i32
        %dma_wait3A_190 = arith.constant 0 : i32
        %dma_wait3A_191 = arith.constant 0 : i32
        %dma_wait3A_192 = tpu.memref_slice %arg8[%add3A_188, %dma_wait3A_190, %dma_wait3A_191] : memref<27x256x16xf32, #tpu.memory_space<vmem>> -> memref<1x256x16xf32, #tpu.memory_space<vmem>>
        %dma_wait3A_193 = tpu.memref_squeeze %dma_wait3A_192 : memref<1x256x16xf32, #tpu.memory_space<vmem>> -> memref<256x16xf32, #tpu.memory_space<vmem>>
        %dma_wait3A_194 = arith.constant 0 : i32
        %dma_wait3A_195 = tpu.memref_slice %arg4[%dma_wait3A_189, %add3A, %dma_wait3A_194] : memref<27x409600x16xf32, #tpu.memory_space<hbm>> -> memref<1x256x16xf32, #tpu.memory_space<hbm>>
        %dma_wait3A_196 = tpu.memref_squeeze %dma_wait3A_195 : memref<1x256x16xf32, #tpu.memory_space<hbm>> -> memref<256x16xf32, #tpu.memory_space<hbm>>
        %dma_wait3A_197 = arith.constant 0 : i32
        %dma_wait3A_198 = arith.constant 0 : i32
        %dma_wait3A_199 = tpu.memref_slice %arg8[%add3A_188, %dma_wait3A_197, %dma_wait3A_198] : memref<27x256x16xf32, #tpu.memory_space<vmem>> -> memref<1x256x16xf32, #tpu.memory_space<vmem>>
        %dma_wait3A_200 = tpu.memref_squeeze %dma_wait3A_199 : memref<1x256x16xf32, #tpu.memory_space<vmem>> -> memref<256x16xf32, #tpu.memory_space<vmem>>
        %dma_wait3A_201 = arith.constant 0 : i32
        %dma_wait3A_202 = tpu.memref_slice %arg4[%dma_wait3A_189, %add3A, %dma_wait3A_201] : memref<27x409600x16xf32, #tpu.memory_space<hbm>> -> memref<1x256x16xf32, #tpu.memory_space<hbm>>
        %dma_wait3A_203 = tpu.memref_squeeze %dma_wait3A_202 : memref<1x256x16xf32, #tpu.memory_space<hbm>> -> memref<256x16xf32, #tpu.memory_space<hbm>>
        tpu.wait_dma2 semaphore(%arg11 : memref<!tpu.dma_semaphore, #tpu.memory_space<semaphore_mem>>) src(%dma_wait3A_203 : memref<256x16xf32, #tpu.memory_space<hbm>>) dst(%dma_wait3A_200 : memref<256x16xf32, #tpu.memory_space<vmem>>)
      }
      %scan3A_128 = arith.constant 9 : i32
      %scan3A_129 = arith.constant 0 : i32
      %scan3A_130 = arith.constant 9 : i32
      %scan3A_131 = arith.addi %scan3A_129, %scan3A_130 : i32
      %scan3A_132 = arith.constant 1 : i32
      scf.for %scan3A_184 = %scan3A_129 to %scan3A_131 step %scan3A_132  : i32 {
        %mul3A_185 = arith.constant 1 : i32
        %mul3A_186 = arith.muli %scan3A_184, %mul3A_185 : i32
        %add3A_187 = arith.constant 0 : i32
        %add3A_188 = arith.addi %add3A_187, %mul3A_186 : i32
        %dma_start3A_189 = arith.constant 0 : i32
        %dma_start3A_190 = arith.constant 0 : i32
        %dma_start3A_191 = tpu.memref_slice %arg8[%add3A_188, %dma_start3A_189, %dma_start3A_190] : memref<27x256x16xf32, #tpu.memory_space<vmem>> -> memref<1x256x16xf32, #tpu.memory_space<vmem>>
        %dma_start3A_192 = tpu.memref_squeeze %dma_start3A_191 : memref<1x256x16xf32, #tpu.memory_space<vmem>> -> memref<256x16xf32, #tpu.memory_space<vmem>>
        %dma_start3A_193 = arith.constant 0 : i32
        %dma_start3A_194 = tpu.memref_slice %arg7[%add3A_188, %dma_start3A_193] : memref<27x256xi32, #tpu.memory_space<vmem>> -> memref<1x256xi32, #tpu.memory_space<vmem>>
        %dma_start3A_195 = tpu.memref_squeeze %dma_start3A_194 : memref<1x256xi32, #tpu.memory_space<vmem>> -> memref<256xi32, #tpu.memory_space<vmem>>
        %dma_start3A_196 = arith.constant 0 : i32
        %dma_start3A_197 = arith.constant 0 : i32
        %dma_start3A_198 = tpu.memref_slice %arg2[%dma_start3A_196, %dma_start3A_197] : memref<1048576x16xf32, #tpu.memory_space<hbm>> -> memref<1048576x16xf32, #tpu.memory_space<hbm>>
        tpu.enqueue_indirect_dma source(%dma_start3A_198 : memref<1048576x16xf32, #tpu.memory_space<hbm>>) target(%dma_start3A_192 : memref<256x16xf32, #tpu.memory_space<vmem>>) offsets(%dma_start3A_195 : memref<256xi32, #tpu.memory_space<vmem>>) semaphore(%arg10 : memref<!tpu.dma_semaphore, #tpu.memory_space<semaphore_mem>>)
      }
      %scan3A_133 = arith.constant 9 : i32
      %scan3A_134 = arith.constant 0 : i32
      %scan3A_135 = arith.constant 9 : i32
      %scan3A_136 = arith.addi %scan3A_134, %scan3A_135 : i32
      %scan3A_137 = arith.constant 1 : i32
      scf.for %scan3A_184 = %scan3A_134 to %scan3A_136 step %scan3A_137  : i32 {
        %mul3A_185 = arith.constant 1 : i32
        %mul3A_186 = arith.muli %scan3A_184, %mul3A_185 : i32
        %add3A_187 = arith.constant 0 : i32
        %add3A_188 = arith.addi %add3A_187, %mul3A_186 : i32
        %dma_wait3A_189 = arith.constant 0 : i32
        %dma_wait3A_190 = arith.constant 0 : i32
        %dma_wait3A_191 = arith.constant 0 : i32
        %dma_wait3A_192 = tpu.memref_slice %arg8[%add3A_188, %dma_wait3A_190, %dma_wait3A_191] : memref<27x256x16xf32, #tpu.memory_space<vmem>> -> memref<1x256x16xf32, #tpu.memory_space<vmem>>
        %dma_wait3A_193 = tpu.memref_squeeze %dma_wait3A_192 : memref<1x256x16xf32, #tpu.memory_space<vmem>> -> memref<256x16xf32, #tpu.memory_space<vmem>>
        %dma_wait3A_194 = arith.constant 0 : i32
        %dma_wait3A_195 = tpu.memref_slice %arg4[%dma_wait3A_189, %add3A, %dma_wait3A_194] : memref<27x409600x16xf32, #tpu.memory_space<hbm>> -> memref<1x256x16xf32, #tpu.memory_space<hbm>>
        %dma_wait3A_196 = tpu.memref_squeeze %dma_wait3A_195 : memref<1x256x16xf32, #tpu.memory_space<hbm>> -> memref<256x16xf32, #tpu.memory_space<hbm>>
        %dma_wait3A_197 = arith.constant 0 : i32
        %dma_wait3A_198 = arith.constant 0 : i32
        %dma_wait3A_199 = tpu.memref_slice %arg8[%add3A_188, %dma_wait3A_197, %dma_wait3A_198] : memref<27x256x16xf32, #tpu.memory_space<vmem>> -> memref<1x256x16xf32, #tpu.memory_space<vmem>>
        %dma_wait3A_200 = tpu.memref_squeeze %dma_wait3A_199 : memref<1x256x16xf32, #tpu.memory_space<vmem>> -> memref<256x16xf32, #tpu.memory_space<vmem>>
        %dma_wait3A_201 = arith.constant 0 : i32
        %dma_wait3A_202 = tpu.memref_slice %arg4[%dma_wait3A_189, %add3A, %dma_wait3A_201] : memref<27x409600x16xf32, #tpu.memory_space<hbm>> -> memref<1x256x16xf32, #tpu.memory_space<hbm>>
        %dma_wait3A_203 = tpu.memref_squeeze %dma_wait3A_202 : memref<1x256x16xf32, #tpu.memory_space<hbm>> -> memref<256x16xf32, #tpu.memory_space<hbm>>
        tpu.wait_dma2 semaphore(%arg10 : memref<!tpu.dma_semaphore, #tpu.memory_space<semaphore_mem>>) src(%dma_wait3A_203 : memref<256x16xf32, #tpu.memory_space<hbm>>) dst(%dma_wait3A_200 : memref<256x16xf32, #tpu.memory_space<vmem>>)
      }
      %scan3A_138 = arith.constant 9 : i32
      %scan3A_139 = arith.constant 0 : i32
      %scan3A_140 = arith.constant 9 : i32
      %scan3A_141 = arith.addi %scan3A_139, %scan3A_140 : i32
      %scan3A_142 = arith.constant 1 : i32
      scf.for %scan3A_184 = %scan3A_139 to %scan3A_141 step %scan3A_142  : i32 {
        %mul3A_185 = arith.constant 1 : i32
        %mul3A_186 = arith.muli %scan3A_184, %mul3A_185 : i32
        %add3A_187 = arith.constant 0 : i32
        %add3A_188 = arith.addi %add3A_187, %mul3A_186 : i32
        %dma_start3A_189 = arith.constant 0 : i32
        %dma_start3A_190 = arith.constant 0 : i32
        %dma_start3A_191 = tpu.memref_slice %arg8[%add3A_188, %dma_start3A_189, %dma_start3A_190] : memref<27x256x16xf32, #tpu.memory_space<vmem>> -> memref<1x256x16xf32, #tpu.memory_space<vmem>>
        %dma_start3A_192 = tpu.memref_squeeze %dma_start3A_191 : memref<1x256x16xf32, #tpu.memory_space<vmem>> -> memref<256x16xf32, #tpu.memory_space<vmem>>
        %dma_start3A_193 = arith.constant 0 : i32
        %dma_start3A_194 = tpu.memref_slice %arg4[%add3A_188, %add3A_105, %dma_start3A_193] : memref<27x409600x16xf32, #tpu.memory_space<hbm>> -> memref<1x256x16xf32, #tpu.memory_space<hbm>>
        %dma_start3A_195 = tpu.memref_squeeze %dma_start3A_194 : memref<1x256x16xf32, #tpu.memory_space<hbm>> -> memref<256x16xf32, #tpu.memory_space<hbm>>
        %dma_start3A_196 = arith.constant 0 : i32
        %dma_start3A_197 = tpu.memref_slice %arg4[%add3A_188, %add3A_105, %dma_start3A_196] : memref<27x409600x16xf32, #tpu.memory_space<hbm>> -> memref<1x256x16xf32, #tpu.memory_space<hbm>>
        %dma_start3A_198 = tpu.memref_squeeze %dma_start3A_197 : memref<1x256x16xf32, #tpu.memory_space<hbm>> -> memref<256x16xf32, #tpu.memory_space<hbm>>
        %dma_start3A_199 = arith.constant 0 : i32
        %dma_start3A_200 = arith.constant 0 : i32
        %dma_start3A_201 = tpu.memref_slice %arg8[%add3A_188, %dma_start3A_199, %dma_start3A_200] : memref<27x256x16xf32, #tpu.memory_space<vmem>> -> memref<1x256x16xf32, #tpu.memory_space<vmem>>
        %dma_start3A_202 = tpu.memref_squeeze %dma_start3A_201 : memref<1x256x16xf32, #tpu.memory_space<vmem>> -> memref<256x16xf32, #tpu.memory_space<vmem>>
        tpu.enqueue_dma source(%dma_start3A_202 : memref<256x16xf32, #tpu.memory_space<vmem>>) target(%dma_start3A_198 : memref<256x16xf32, #tpu.memory_space<hbm>>) target_semaphore(%arg11 : memref<!tpu.dma_semaphore, #tpu.memory_space<semaphore_mem>>)
      }
      %scan3A_143 = arith.constant 9 : i32
      %scan3A_144 = arith.constant 0 : i32
      %scan3A_145 = arith.constant 9 : i32
      %scan3A_146 = arith.addi %scan3A_144, %scan3A_145 : i32
      %scan3A_147 = arith.constant 1 : i32
      scf.for %scan3A_184 = %scan3A_144 to %scan3A_146 step %scan3A_147  : i32 {
        %mul3A_185 = arith.constant 1 : i32
        %mul3A_186 = arith.muli %scan3A_184, %mul3A_185 : i32
        %add3A_187 = arith.constant 0 : i32
        %add3A_188 = arith.addi %add3A_187, %mul3A_186 : i32
        %dma_wait3A_189 = arith.constant 0 : i32
        %dma_wait3A_190 = arith.constant 0 : i32
        %dma_wait3A_191 = arith.constant 0 : i32
        %dma_wait3A_192 = tpu.memref_slice %arg8[%add3A_188, %dma_wait3A_190, %dma_wait3A_191] : memref<27x256x16xf32, #tpu.memory_space<vmem>> -> memref<1x256x16xf32, #tpu.memory_space<vmem>>
        %dma_wait3A_193 = tpu.memref_squeeze %dma_wait3A_192 : memref<1x256x16xf32, #tpu.memory_space<vmem>> -> memref<256x16xf32, #tpu.memory_space<vmem>>
        %dma_wait3A_194 = arith.constant 0 : i32
        %dma_wait3A_195 = tpu.memref_slice %arg4[%dma_wait3A_189, %add3A, %dma_wait3A_194] : memref<27x409600x16xf32, #tpu.memory_space<hbm>> -> memref<1x256x16xf32, #tpu.memory_space<hbm>>
        %dma_wait3A_196 = tpu.memref_squeeze %dma_wait3A_195 : memref<1x256x16xf32, #tpu.memory_space<hbm>> -> memref<256x16xf32, #tpu.memory_space<hbm>>
        %dma_wait3A_197 = arith.constant 0 : i32
        %dma_wait3A_198 = arith.constant 0 : i32
        %dma_wait3A_199 = tpu.memref_slice %arg8[%add3A_188, %dma_wait3A_197, %dma_wait3A_198] : memref<27x256x16xf32, #tpu.memory_space<vmem>> -> memref<1x256x16xf32, #tpu.memory_space<vmem>>
        %dma_wait3A_200 = tpu.memref_squeeze %dma_wait3A_199 : memref<1x256x16xf32, #tpu.memory_space<vmem>> -> memref<256x16xf32, #tpu.memory_space<vmem>>
        %dma_wait3A_201 = arith.constant 0 : i32
        %dma_wait3A_202 = tpu.memref_slice %arg4[%dma_wait3A_189, %add3A, %dma_wait3A_201] : memref<27x409600x16xf32, #tpu.memory_space<hbm>> -> memref<1x256x16xf32, #tpu.memory_space<hbm>>
        %dma_wait3A_203 = tpu.memref_squeeze %dma_wait3A_202 : memref<1x256x16xf32, #tpu.memory_space<hbm>> -> memref<256x16xf32, #tpu.memory_space<hbm>>
        tpu.wait_dma2 semaphore(%arg12 : memref<!tpu.dma_semaphore, #tpu.memory_space<semaphore_mem>>) src(%dma_wait3A_203 : memref<256x16xf32, #tpu.memory_space<hbm>>) dst(%dma_wait3A_200 : memref<256x16xf32, #tpu.memory_space<vmem>>)
      }
      %scan3A_148 = arith.constant 9 : i32
      %scan3A_149 = arith.constant 0 : i32
      %scan3A_150 = arith.constant 9 : i32
      %scan3A_151 = arith.addi %scan3A_149, %scan3A_150 : i32
      %scan3A_152 = arith.constant 1 : i32
      scf.for %scan3A_184 = %scan3A_149 to %scan3A_151 step %scan3A_152  : i32 {
        %mul3A_185 = arith.constant 1 : i32
        %mul3A_186 = arith.muli %scan3A_184, %mul3A_185 : i32
        %add3A_187 = arith.constant 9 : i32
        %add3A_188 = arith.addi %add3A_187, %mul3A_186 : i32
        %dma_start3A_189 = arith.constant 0 : i32
        %dma_start3A_190 = arith.constant 0 : i32
        %dma_start3A_191 = tpu.memref_slice %arg8[%add3A_188, %dma_start3A_189, %dma_start3A_190] : memref<27x256x16xf32, #tpu.memory_space<vmem>> -> memref<1x256x16xf32, #tpu.memory_space<vmem>>
        %dma_start3A_192 = tpu.memref_squeeze %dma_start3A_191 : memref<1x256x16xf32, #tpu.memory_space<vmem>> -> memref<256x16xf32, #tpu.memory_space<vmem>>
        %dma_start3A_193 = arith.constant 0 : i32
        %dma_start3A_194 = tpu.memref_slice %arg7[%add3A_188, %dma_start3A_193] : memref<27x256xi32, #tpu.memory_space<vmem>> -> memref<1x256xi32, #tpu.memory_space<vmem>>
        %dma_start3A_195 = tpu.memref_squeeze %dma_start3A_194 : memref<1x256xi32, #tpu.memory_space<vmem>> -> memref<256xi32, #tpu.memory_space<vmem>>
        %dma_start3A_196 = arith.constant 0 : i32
        %dma_start3A_197 = arith.constant 0 : i32
        %dma_start3A_198 = tpu.memref_slice %arg2[%dma_start3A_196, %dma_start3A_197] : memref<1048576x16xf32, #tpu.memory_space<hbm>> -> memref<1048576x16xf32, #tpu.memory_space<hbm>>
        tpu.enqueue_indirect_dma source(%dma_start3A_198 : memref<1048576x16xf32, #tpu.memory_space<hbm>>) target(%dma_start3A_192 : memref<256x16xf32, #tpu.memory_space<vmem>>) offsets(%dma_start3A_195 : memref<256xi32, #tpu.memory_space<vmem>>) semaphore(%arg10 : memref<!tpu.dma_semaphore, #tpu.memory_space<semaphore_mem>>)
      }
      %scan3A_153 = arith.constant 9 : i32
      %scan3A_154 = arith.constant 0 : i32
      %scan3A_155 = arith.constant 9 : i32
      %scan3A_156 = arith.addi %scan3A_154, %scan3A_155 : i32
      %scan3A_157 = arith.constant 1 : i32
      scf.for %scan3A_184 = %scan3A_154 to %scan3A_156 step %scan3A_157  : i32 {
        %mul3A_185 = arith.constant 1 : i32
        %mul3A_186 = arith.muli %scan3A_184, %mul3A_185 : i32
        %add3A_187 = arith.constant 0 : i32
        %add3A_188 = arith.addi %add3A_187, %mul3A_186 : i32
        %dma_wait3A_189 = arith.constant 0 : i32
        %dma_wait3A_190 = arith.constant 0 : i32
        %dma_wait3A_191 = arith.constant 0 : i32
        %dma_wait3A_192 = tpu.memref_slice %arg8[%add3A_188, %dma_wait3A_190, %dma_wait3A_191] : memref<27x256x16xf32, #tpu.memory_space<vmem>> -> memref<1x256x16xf32, #tpu.memory_space<vmem>>
        %dma_wait3A_193 = tpu.memref_squeeze %dma_wait3A_192 : memref<1x256x16xf32, #tpu.memory_space<vmem>> -> memref<256x16xf32, #tpu.memory_space<vmem>>
        %dma_wait3A_194 = arith.constant 0 : i32
        %dma_wait3A_195 = tpu.memref_slice %arg4[%dma_wait3A_189, %add3A, %dma_wait3A_194] : memref<27x409600x16xf32, #tpu.memory_space<hbm>> -> memref<1x256x16xf32, #tpu.memory_space<hbm>>
        %dma_wait3A_196 = tpu.memref_squeeze %dma_wait3A_195 : memref<1x256x16xf32, #tpu.memory_space<hbm>> -> memref<256x16xf32, #tpu.memory_space<hbm>>
        %dma_wait3A_197 = arith.constant 0 : i32
        %dma_wait3A_198 = arith.constant 0 : i32
        %dma_wait3A_199 = tpu.memref_slice %arg8[%add3A_188, %dma_wait3A_197, %dma_wait3A_198] : memref<27x256x16xf32, #tpu.memory_space<vmem>> -> memref<1x256x16xf32, #tpu.memory_space<vmem>>
        %dma_wait3A_200 = tpu.memref_squeeze %dma_wait3A_199 : memref<1x256x16xf32, #tpu.memory_space<vmem>> -> memref<256x16xf32, #tpu.memory_space<vmem>>
        %dma_wait3A_201 = arith.constant 0 : i32
        %dma_wait3A_202 = tpu.memref_slice %arg4[%dma_wait3A_189, %add3A, %dma_wait3A_201] : memref<27x409600x16xf32, #tpu.memory_space<hbm>> -> memref<1x256x16xf32, #tpu.memory_space<hbm>>
        %dma_wait3A_203 = tpu.memref_squeeze %dma_wait3A_202 : memref<1x256x16xf32, #tpu.memory_space<hbm>> -> memref<256x16xf32, #tpu.memory_space<hbm>>
        tpu.wait_dma2 semaphore(%arg10 : memref<!tpu.dma_semaphore, #tpu.memory_space<semaphore_mem>>) src(%dma_wait3A_203 : memref<256x16xf32, #tpu.memory_space<hbm>>) dst(%dma_wait3A_200 : memref<256x16xf32, #tpu.memory_space<vmem>>)
      }
      %scan3A_158 = arith.constant 9 : i32
      %scan3A_159 = arith.constant 0 : i32
      %scan3A_160 = arith.constant 9 : i32
      %scan3A_161 = arith.addi %scan3A_159, %scan3A_160 : i32
      %scan3A_162 = arith.constant 1 : i32
      scf.for %scan3A_184 = %scan3A_159 to %scan3A_161 step %scan3A_162  : i32 {
        %mul3A_185 = arith.constant 1 : i32
        %mul3A_186 = arith.muli %scan3A_184, %mul3A_185 : i32
        %add3A_187 = arith.constant 9 : i32
        %add3A_188 = arith.addi %add3A_187, %mul3A_186 : i32
        %dma_start3A_189 = arith.constant 0 : i32
        %dma_start3A_190 = arith.constant 0 : i32
        %dma_start3A_191 = tpu.memref_slice %arg8[%add3A_188, %dma_start3A_189, %dma_start3A_190] : memref<27x256x16xf32, #tpu.memory_space<vmem>> -> memref<1x256x16xf32, #tpu.memory_space<vmem>>
        %dma_start3A_192 = tpu.memref_squeeze %dma_start3A_191 : memref<1x256x16xf32, #tpu.memory_space<vmem>> -> memref<256x16xf32, #tpu.memory_space<vmem>>
        %dma_start3A_193 = arith.constant 0 : i32
        %dma_start3A_194 = tpu.memref_slice %arg4[%add3A_188, %add3A_105, %dma_start3A_193] : memref<27x409600x16xf32, #tpu.memory_space<hbm>> -> memref<1x256x16xf32, #tpu.memory_space<hbm>>
        %dma_start3A_195 = tpu.memref_squeeze %dma_start3A_194 : memref<1x256x16xf32, #tpu.memory_space<hbm>> -> memref<256x16xf32, #tpu.memory_space<hbm>>
        %dma_start3A_196 = arith.constant 0 : i32
        %dma_start3A_197 = tpu.memref_slice %arg4[%add3A_188, %add3A_105, %dma_start3A_196] : memref<27x409600x16xf32, #tpu.memory_space<hbm>> -> memref<1x256x16xf32, #tpu.memory_space<hbm>>
        %dma_start3A_198 = tpu.memref_squeeze %dma_start3A_197 : memref<1x256x16xf32, #tpu.memory_space<hbm>> -> memref<256x16xf32, #tpu.memory_space<hbm>>
        %dma_start3A_199 = arith.constant 0 : i32
        %dma_start3A_200 = arith.constant 0 : i32
        %dma_start3A_201 = tpu.memref_slice %arg8[%add3A_188, %dma_start3A_199, %dma_start3A_200] : memref<27x256x16xf32, #tpu.memory_space<vmem>> -> memref<1x256x16xf32, #tpu.memory_space<vmem>>
        %dma_start3A_202 = tpu.memref_squeeze %dma_start3A_201 : memref<1x256x16xf32, #tpu.memory_space<vmem>> -> memref<256x16xf32, #tpu.memory_space<vmem>>
        tpu.enqueue_dma source(%dma_start3A_202 : memref<256x16xf32, #tpu.memory_space<vmem>>) target(%dma_start3A_198 : memref<256x16xf32, #tpu.memory_space<hbm>>) target_semaphore(%arg12 : memref<!tpu.dma_semaphore, #tpu.memory_space<semaphore_mem>>)
      }
      %scan3A_163 = arith.constant 9 : i32
      %scan3A_164 = arith.constant 0 : i32
      %scan3A_165 = arith.constant 9 : i32
      %scan3A_166 = arith.addi %scan3A_164, %scan3A_165 : i32
      %scan3A_167 = arith.constant 1 : i32
      scf.for %scan3A_184 = %scan3A_164 to %scan3A_166 step %scan3A_167  : i32 {
        %mul3A_185 = arith.constant 1 : i32
        %mul3A_186 = arith.muli %scan3A_184, %mul3A_185 : i32
        %add3A_187 = arith.constant 0 : i32
        %add3A_188 = arith.addi %add3A_187, %mul3A_186 : i32
        %dma_wait3A_189 = arith.constant 0 : i32
        %dma_wait3A_190 = arith.constant 0 : i32
        %dma_wait3A_191 = arith.constant 0 : i32
        %dma_wait3A_192 = tpu.memref_slice %arg8[%add3A_188, %dma_wait3A_190, %dma_wait3A_191] : memref<27x256x16xf32, #tpu.memory_space<vmem>> -> memref<1x256x16xf32, #tpu.memory_space<vmem>>
        %dma_wait3A_193 = tpu.memref_squeeze %dma_wait3A_192 : memref<1x256x16xf32, #tpu.memory_space<vmem>> -> memref<256x16xf32, #tpu.memory_space<vmem>>
        %dma_wait3A_194 = arith.constant 0 : i32
        %dma_wait3A_195 = tpu.memref_slice %arg4[%dma_wait3A_189, %add3A, %dma_wait3A_194] : memref<27x409600x16xf32, #tpu.memory_space<hbm>> -> memref<1x256x16xf32, #tpu.memory_space<hbm>>
        %dma_wait3A_196 = tpu.memref_squeeze %dma_wait3A_195 : memref<1x256x16xf32, #tpu.memory_space<hbm>> -> memref<256x16xf32, #tpu.memory_space<hbm>>
        %dma_wait3A_197 = arith.constant 0 : i32
        %dma_wait3A_198 = arith.constant 0 : i32
        %dma_wait3A_199 = tpu.memref_slice %arg8[%add3A_188, %dma_wait3A_197, %dma_wait3A_198] : memref<27x256x16xf32, #tpu.memory_space<vmem>> -> memref<1x256x16xf32, #tpu.memory_space<vmem>>
        %dma_wait3A_200 = tpu.memref_squeeze %dma_wait3A_199 : memref<1x256x16xf32, #tpu.memory_space<vmem>> -> memref<256x16xf32, #tpu.memory_space<vmem>>
        %dma_wait3A_201 = arith.constant 0 : i32
        %dma_wait3A_202 = tpu.memref_slice %arg4[%dma_wait3A_189, %add3A, %dma_wait3A_201] : memref<27x409600x16xf32, #tpu.memory_space<hbm>> -> memref<1x256x16xf32, #tpu.memory_space<hbm>>
        %dma_wait3A_203 = tpu.memref_squeeze %dma_wait3A_202 : memref<1x256x16xf32, #tpu.memory_space<hbm>> -> memref<256x16xf32, #tpu.memory_space<hbm>>
        tpu.wait_dma2 semaphore(%arg13 : memref<!tpu.dma_semaphore, #tpu.memory_space<semaphore_mem>>) src(%dma_wait3A_203 : memref<256x16xf32, #tpu.memory_space<hbm>>) dst(%dma_wait3A_200 : memref<256x16xf32, #tpu.memory_space<vmem>>)
      }
      %scan3A_168 = arith.constant 9 : i32
      %scan3A_169 = arith.constant 0 : i32
      %scan3A_170 = arith.constant 9 : i32
      %scan3A_171 = arith.addi %scan3A_169, %scan3A_170 : i32
      %scan3A_172 = arith.constant 1 : i32
      scf.for %scan3A_184 = %scan3A_169 to %scan3A_171 step %scan3A_172  : i32 {
        %mul3A_185 = arith.constant 1 : i32
        %mul3A_186 = arith.muli %scan3A_184, %mul3A_185 : i32
        %add3A_187 = arith.constant 18 : i32
        %add3A_188 = arith.addi %add3A_187, %mul3A_186 : i32
        %dma_start3A_189 = arith.constant 0 : i32
        %dma_start3A_190 = arith.constant 0 : i32
        %dma_start3A_191 = tpu.memref_slice %arg8[%add3A_188, %dma_start3A_189, %dma_start3A_190] : memref<27x256x16xf32, #tpu.memory_space<vmem>> -> memref<1x256x16xf32, #tpu.memory_space<vmem>>
        %dma_start3A_192 = tpu.memref_squeeze %dma_start3A_191 : memref<1x256x16xf32, #tpu.memory_space<vmem>> -> memref<256x16xf32, #tpu.memory_space<vmem>>
        %dma_start3A_193 = arith.constant 0 : i32
        %dma_start3A_194 = tpu.memref_slice %arg7[%add3A_188, %dma_start3A_193] : memref<27x256xi32, #tpu.memory_space<vmem>> -> memref<1x256xi32, #tpu.memory_space<vmem>>
        %dma_start3A_195 = tpu.memref_squeeze %dma_start3A_194 : memref<1x256xi32, #tpu.memory_space<vmem>> -> memref<256xi32, #tpu.memory_space<vmem>>
        %dma_start3A_196 = arith.constant 0 : i32
        %dma_start3A_197 = arith.constant 0 : i32
        %dma_start3A_198 = tpu.memref_slice %arg2[%dma_start3A_196, %dma_start3A_197] : memref<1048576x16xf32, #tpu.memory_space<hbm>> -> memref<1048576x16xf32, #tpu.memory_space<hbm>>
        tpu.enqueue_indirect_dma source(%dma_start3A_198 : memref<1048576x16xf32, #tpu.memory_space<hbm>>) target(%dma_start3A_192 : memref<256x16xf32, #tpu.memory_space<vmem>>) offsets(%dma_start3A_195 : memref<256xi32, #tpu.memory_space<vmem>>) semaphore(%arg10 : memref<!tpu.dma_semaphore, #tpu.memory_space<semaphore_mem>>)
      }
      %scan3A_173 = arith.constant 9 : i32
      %scan3A_174 = arith.constant 0 : i32
      %scan3A_175 = arith.constant 9 : i32
      %scan3A_176 = arith.addi %scan3A_174, %scan3A_175 : i32
      %scan3A_177 = arith.constant 1 : i32
      scf.for %scan3A_184 = %scan3A_174 to %scan3A_176 step %scan3A_177  : i32 {
        %mul3A_185 = arith.constant 1 : i32
        %mul3A_186 = arith.muli %scan3A_184, %mul3A_185 : i32
        %add3A_187 = arith.constant 0 : i32
        %add3A_188 = arith.addi %add3A_187, %mul3A_186 : i32
        %dma_wait3A_189 = arith.constant 0 : i32
        %dma_wait3A_190 = arith.constant 0 : i32
        %dma_wait3A_191 = arith.constant 0 : i32
        %dma_wait3A_192 = tpu.memref_slice %arg8[%add3A_188, %dma_wait3A_190, %dma_wait3A_191] : memref<27x256x16xf32, #tpu.memory_space<vmem>> -> memref<1x256x16xf32, #tpu.memory_space<vmem>>
        %dma_wait3A_193 = tpu.memref_squeeze %dma_wait3A_192 : memref<1x256x16xf32, #tpu.memory_space<vmem>> -> memref<256x16xf32, #tpu.memory_space<vmem>>
        %dma_wait3A_194 = arith.constant 0 : i32
        %dma_wait3A_195 = tpu.memref_slice %arg4[%dma_wait3A_189, %add3A, %dma_wait3A_194] : memref<27x409600x16xf32, #tpu.memory_space<hbm>> -> memref<1x256x16xf32, #tpu.memory_space<hbm>>
        %dma_wait3A_196 = tpu.memref_squeeze %dma_wait3A_195 : memref<1x256x16xf32, #tpu.memory_space<hbm>> -> memref<256x16xf32, #tpu.memory_space<hbm>>
        %dma_wait3A_197 = arith.constant 0 : i32
        %dma_wait3A_198 = arith.constant 0 : i32
        %dma_wait3A_199 = tpu.memref_slice %arg8[%add3A_188, %dma_wait3A_197, %dma_wait3A_198] : memref<27x256x16xf32, #tpu.memory_space<vmem>> -> memref<1x256x16xf32, #tpu.memory_space<vmem>>
        %dma_wait3A_200 = tpu.memref_squeeze %dma_wait3A_199 : memref<1x256x16xf32, #tpu.memory_space<vmem>> -> memref<256x16xf32, #tpu.memory_space<vmem>>
        %dma_wait3A_201 = arith.constant 0 : i32
        %dma_wait3A_202 = tpu.memref_slice %arg4[%dma_wait3A_189, %add3A, %dma_wait3A_201] : memref<27x409600x16xf32, #tpu.memory_space<hbm>> -> memref<1x256x16xf32, #tpu.memory_space<hbm>>
        %dma_wait3A_203 = tpu.memref_squeeze %dma_wait3A_202 : memref<1x256x16xf32, #tpu.memory_space<hbm>> -> memref<256x16xf32, #tpu.memory_space<hbm>>
        tpu.wait_dma2 semaphore(%arg10 : memref<!tpu.dma_semaphore, #tpu.memory_space<semaphore_mem>>) src(%dma_wait3A_203 : memref<256x16xf32, #tpu.memory_space<hbm>>) dst(%dma_wait3A_200 : memref<256x16xf32, #tpu.memory_space<vmem>>)
      }
      %scan3A_178 = arith.constant 9 : i32
      %scan3A_179 = arith.constant 0 : i32
      %scan3A_180 = arith.constant 9 : i32
      %scan3A_181 = arith.addi %scan3A_179, %scan3A_180 : i32
      %scan3A_182 = arith.constant 1 : i32
      scf.for %scan3A_184 = %scan3A_179 to %scan3A_181 step %scan3A_182  : i32 {
        %mul3A_185 = arith.constant 1 : i32
        %mul3A_186 = arith.muli %scan3A_184, %mul3A_185 : i32
        %add3A_187 = arith.constant 18 : i32
        %add3A_188 = arith.addi %add3A_187, %mul3A_186 : i32
        %dma_start3A_189 = arith.constant 0 : i32
        %dma_start3A_190 = arith.constant 0 : i32
        %dma_start3A_191 = tpu.memref_slice %arg8[%add3A_188, %dma_start3A_189, %dma_start3A_190] : memref<27x256x16xf32, #tpu.memory_space<vmem>> -> memref<1x256x16xf32, #tpu.memory_space<vmem>>
        %dma_start3A_192 = tpu.memref_squeeze %dma_start3A_191 : memref<1x256x16xf32, #tpu.memory_space<vmem>> -> memref<256x16xf32, #tpu.memory_space<vmem>>
        %dma_start3A_193 = arith.constant 0 : i32
        %dma_start3A_194 = tpu.memref_slice %arg4[%add3A_188, %add3A_105, %dma_start3A_193] : memref<27x409600x16xf32, #tpu.memory_space<hbm>> -> memref<1x256x16xf32, #tpu.memory_space<hbm>>
        %dma_start3A_195 = tpu.memref_squeeze %dma_start3A_194 : memref<1x256x16xf32, #tpu.memory_space<hbm>> -> memref<256x16xf32, #tpu.memory_space<hbm>>
        %dma_start3A_196 = arith.constant 0 : i32
        %dma_start3A_197 = tpu.memref_slice %arg4[%add3A_188, %add3A_105, %dma_start3A_196] : memref<27x409600x16xf32, #tpu.memory_space<hbm>> -> memref<1x256x16xf32, #tpu.memory_space<hbm>>
        %dma_start3A_198 = tpu.memref_squeeze %dma_start3A_197 : memref<1x256x16xf32, #tpu.memory_space<hbm>> -> memref<256x16xf32, #tpu.memory_space<hbm>>
        %dma_start3A_199 = arith.constant 0 : i32
        %dma_start3A_200 = arith.constant 0 : i32
        %dma_start3A_201 = tpu.memref_slice %arg8[%add3A_188, %dma_start3A_199, %dma_start3A_200] : memref<27x256x16xf32, #tpu.memory_space<vmem>> -> memref<1x256x16xf32, #tpu.memory_space<vmem>>
        %dma_start3A_202 = tpu.memref_squeeze %dma_start3A_201 : memref<1x256x16xf32, #tpu.memory_space<vmem>> -> memref<256x16xf32, #tpu.memory_space<vmem>>
        tpu.enqueue_dma source(%dma_start3A_202 : memref<256x16xf32, #tpu.memory_space<vmem>>) target(%dma_start3A_198 : memref<256x16xf32, #tpu.memory_space<hbm>>) target_semaphore(%arg13 : memref<!tpu.dma_semaphore, #tpu.memory_space<semaphore_mem>>)
      }
      %scan3A_183 = arith.constant 9 : i32
    }
    %scan3A_85 = arith.constant 0 : i32
    %scan3A_86 = arith.constant 9 : i32
    %scan3A_87 = arith.addi %scan3A_85, %scan3A_86 : i32
    %scan3A_88 = arith.constant 1 : i32
    scf.for %scan3A_100 = %scan3A_85 to %scan3A_87 step %scan3A_88  : i32 {
      %mul3A_101 = arith.constant 1 : i32
      %mul3A_102 = arith.muli %scan3A_100, %mul3A_101 : i32
      %add3A_103 = arith.constant 0 : i32
      %add3A_104 = arith.addi %add3A_103, %mul3A_102 : i32
      %dma_wait3A_105 = arith.constant 0 : i32
      %dma_wait3A_106 = arith.constant 0 : i32
      %dma_wait3A_107 = arith.constant 0 : i32
      %dma_wait3A_108 = tpu.memref_slice %arg8[%add3A_104, %dma_wait3A_106, %dma_wait3A_107] : memref<27x256x16xf32, #tpu.memory_space<vmem>> -> memref<1x256x16xf32, #tpu.memory_space<vmem>>
      %dma_wait3A_109 = tpu.memref_squeeze %dma_wait3A_108 : memref<1x256x16xf32, #tpu.memory_space<vmem>> -> memref<256x16xf32, #tpu.memory_space<vmem>>
      %dma_wait3A_110 = arith.constant 0 : i32
      %dma_wait3A_111 = tpu.memref_slice %arg4[%dma_wait3A_105, %add3A, %dma_wait3A_110] : memref<27x409600x16xf32, #tpu.memory_space<hbm>> -> memref<1x256x16xf32, #tpu.memory_space<hbm>>
      %dma_wait3A_112 = tpu.memref_squeeze %dma_wait3A_111 : memref<1x256x16xf32, #tpu.memory_space<hbm>> -> memref<256x16xf32, #tpu.memory_space<hbm>>
      %dma_wait3A_113 = arith.constant 0 : i32
      %dma_wait3A_114 = arith.constant 0 : i32
      %dma_wait3A_115 = tpu.memref_slice %arg8[%add3A_104, %dma_wait3A_113, %dma_wait3A_114] : memref<27x256x16xf32, #tpu.memory_space<vmem>> -> memref<1x256x16xf32, #tpu.memory_space<vmem>>
      %dma_wait3A_116 = tpu.memref_squeeze %dma_wait3A_115 : memref<1x256x16xf32, #tpu.memory_space<vmem>> -> memref<256x16xf32, #tpu.memory_space<vmem>>
      %dma_wait3A_117 = arith.constant 0 : i32
      %dma_wait3A_118 = tpu.memref_slice %arg4[%dma_wait3A_105, %add3A, %dma_wait3A_117] : memref<27x409600x16xf32, #tpu.memory_space<hbm>> -> memref<1x256x16xf32, #tpu.memory_space<hbm>>
      %dma_wait3A_119 = tpu.memref_squeeze %dma_wait3A_118 : memref<1x256x16xf32, #tpu.memory_space<hbm>> -> memref<256x16xf32, #tpu.memory_space<hbm>>
      tpu.wait_dma2 semaphore(%arg11 : memref<!tpu.dma_semaphore, #tpu.memory_space<semaphore_mem>>) src(%dma_wait3A_119 : memref<256x16xf32, #tpu.memory_space<hbm>>) dst(%dma_wait3A_116 : memref<256x16xf32, #tpu.memory_space<vmem>>)
    }
    %scan3A_89 = arith.constant 9 : i32
    %scan3A_90 = arith.constant 0 : i32
    %scan3A_91 = arith.constant 9 : i32
    %scan3A_92 = arith.addi %scan3A_90, %scan3A_91 : i32
    %scan3A_93 = arith.constant 1 : i32
    scf.for %scan3A_100 = %scan3A_90 to %scan3A_92 step %scan3A_93  : i32 {
      %mul3A_101 = arith.constant 1 : i32
      %mul3A_102 = arith.muli %scan3A_100, %mul3A_101 : i32
      %add3A_103 = arith.constant 0 : i32
      %add3A_104 = arith.addi %add3A_103, %mul3A_102 : i32
      %dma_wait3A_105 = arith.constant 0 : i32
      %dma_wait3A_106 = arith.constant 0 : i32
      %dma_wait3A_107 = arith.constant 0 : i32
      %dma_wait3A_108 = tpu.memref_slice %arg8[%add3A_104, %dma_wait3A_106, %dma_wait3A_107] : memref<27x256x16xf32, #tpu.memory_space<vmem>> -> memref<1x256x16xf32, #tpu.memory_space<vmem>>
      %dma_wait3A_109 = tpu.memref_squeeze %dma_wait3A_108 : memref<1x256x16xf32, #tpu.memory_space<vmem>> -> memref<256x16xf32, #tpu.memory_space<vmem>>
      %dma_wait3A_110 = arith.constant 0 : i32
      %dma_wait3A_111 = tpu.memref_slice %arg4[%dma_wait3A_105, %add3A, %dma_wait3A_110] : memref<27x409600x16xf32, #tpu.memory_space<hbm>> -> memref<1x256x16xf32, #tpu.memory_space<hbm>>
      %dma_wait3A_112 = tpu.memref_squeeze %dma_wait3A_111 : memref<1x256x16xf32, #tpu.memory_space<hbm>> -> memref<256x16xf32, #tpu.memory_space<hbm>>
      %dma_wait3A_113 = arith.constant 0 : i32
      %dma_wait3A_114 = arith.constant 0 : i32
      %dma_wait3A_115 = tpu.memref_slice %arg8[%add3A_104, %dma_wait3A_113, %dma_wait3A_114] : memref<27x256x16xf32, #tpu.memory_space<vmem>> -> memref<1x256x16xf32, #tpu.memory_space<vmem>>
      %dma_wait3A_116 = tpu.memref_squeeze %dma_wait3A_115 : memref<1x256x16xf32, #tpu.memory_space<vmem>> -> memref<256x16xf32, #tpu.memory_space<vmem>>
      %dma_wait3A_117 = arith.constant 0 : i32
      %dma_wait3A_118 = tpu.memref_slice %arg4[%dma_wait3A_105, %add3A, %dma_wait3A_117] : memref<27x409600x16xf32, #tpu.memory_space<hbm>> -> memref<1x256x16xf32, #tpu.memory_space<hbm>>
      %dma_wait3A_119 = tpu.memref_squeeze %dma_wait3A_118 : memref<1x256x16xf32, #tpu.memory_space<hbm>> -> memref<256x16xf32, #tpu.memory_space<hbm>>
      tpu.wait_dma2 semaphore(%arg12 : memref<!tpu.dma_semaphore, #tpu.memory_space<semaphore_mem>>) src(%dma_wait3A_119 : memref<256x16xf32, #tpu.memory_space<hbm>>) dst(%dma_wait3A_116 : memref<256x16xf32, #tpu.memory_space<vmem>>)
    }
    %scan3A_94 = arith.constant 9 : i32
    %scan3A_95 = arith.constant 0 : i32
    %scan3A_96 = arith.constant 9 : i32
    %scan3A_97 = arith.addi %scan3A_95, %scan3A_96 : i32
    %scan3A_98 = arith.constant 1 : i32
    scf.for %scan3A_100 = %scan3A_95 to %scan3A_97 step %scan3A_98  : i32 {
      %mul3A_101 = arith.constant 1 : i32
      %mul3A_102 = arith.muli %scan3A_100, %mul3A_101 : i32
      %add3A_103 = arith.constant 0 : i32
      %add3A_104 = arith.addi %add3A_103, %mul3A_102 : i32
      %dma_wait3A_105 = arith.constant 0 : i32
      %dma_wait3A_106 = arith.constant 0 : i32
      %dma_wait3A_107 = arith.constant 0 : i32
      %dma_wait3A_108 = tpu.memref_slice %arg8[%add3A_104, %dma_wait3A_106, %dma_wait3A_107] : memref<27x256x16xf32, #tpu.memory_space<vmem>> -> memref<1x256x16xf32, #tpu.memory_space<vmem>>
      %dma_wait3A_109 = tpu.memref_squeeze %dma_wait3A_108 : memref<1x256x16xf32, #tpu.memory_space<vmem>> -> memref<256x16xf32, #tpu.memory_space<vmem>>
      %dma_wait3A_110 = arith.constant 0 : i32
      %dma_wait3A_111 = tpu.memref_slice %arg4[%dma_wait3A_105, %add3A, %dma_wait3A_110] : memref<27x409600x16xf32, #tpu.memory_space<hbm>> -> memref<1x256x16xf32, #tpu.memory_space<hbm>>
      %dma_wait3A_112 = tpu.memref_squeeze %dma_wait3A_111 : memref<1x256x16xf32, #tpu.memory_space<hbm>> -> memref<256x16xf32, #tpu.memory_space<hbm>>
      %dma_wait3A_113 = arith.constant 0 : i32
      %dma_wait3A_114 = arith.constant 0 : i32
      %dma_wait3A_115 = tpu.memref_slice %arg8[%add3A_104, %dma_wait3A_113, %dma_wait3A_114] : memref<27x256x16xf32, #tpu.memory_space<vmem>> -> memref<1x256x16xf32, #tpu.memory_space<vmem>>
      %dma_wait3A_116 = tpu.memref_squeeze %dma_wait3A_115 : memref<1x256x16xf32, #tpu.memory_space<vmem>> -> memref<256x16xf32, #tpu.memory_space<vmem>>
      %dma_wait3A_117 = arith.constant 0 : i32
      %dma_wait3A_118 = tpu.memref_slice %arg4[%dma_wait3A_105, %add3A, %dma_wait3A_117] : memref<27x409600x16xf32, #tpu.memory_space<hbm>> -> memref<1x256x16xf32, #tpu.memory_space<hbm>>
      %dma_wait3A_119 = tpu.memref_squeeze %dma_wait3A_118 : memref<1x256x16xf32, #tpu.memory_space<hbm>> -> memref<256x16xf32, #tpu.memory_space<hbm>>
      tpu.wait_dma2 semaphore(%arg13 : memref<!tpu.dma_semaphore, #tpu.memory_space<semaphore_mem>>) src(%dma_wait3A_119 : memref<256x16xf32, #tpu.memory_space<hbm>>) dst(%dma_wait3A_116 : memref<256x16xf32, #tpu.memory_space<vmem>>)
    }
    %scan3A_99 = arith.constant 9 : i32
    return
  }
}

module attributes {stable_mosaic.version = 14 : i64} {
  func.func @_tc_body(%arg0: i32, %arg1: memref<27x256x128xf32, #tpu.memory_space<vmem>>, %arg2: memref<3x256x8xf32, #tpu.memory_space<vmem>>, %arg3: memref<27x128x128xf32, #tpu.memory_space<vmem>>, %arg4: memref<1x128xf32, #tpu.memory_space<vmem>>, %arg5: memref<256x128xf32, #tpu.memory_space<vmem>>) attributes {dimension_semantics = [#tpu.dimension_semantics<arbitrary>], iteration_bounds = array<i64: 200>, scalar_prefetch = 0 : i64, scratch_operands = 0 : i64, tpu.core_type = #tpu.core_type<tc>, window_params = [{transform_indices = @transform_0, window_bounds = array<i64: 27, 256, 128>}, {transform_indices = @transform_1, window_bounds = array<i64: 3, 256, 8>}, {pipeline_mode = #tpu.pipeline_mode<synchronous>, transform_indices = @transform_2, window_bounds = array<i64: 27, 128, 128>}, {pipeline_mode = #tpu.pipeline_mode<synchronous>, transform_indices = @transform_3, window_bounds = array<i64: 1, 128>}, {transform_indices = @transform_4, window_bounds = array<i64: 256, 128>}]} {
    %iota3A = tpu.iota {dimensions = array<i32: 1>} : vector<8x128xi32>
    %jit3A = arith.constant 16 : i32
    %div3A = vector.broadcast %jit3A : i32 to vector<8x128xi32>
    %div3A_0 = arith.divsi %iota3A, %div3A : vector<8x128xi32>
    %sign3A = arith.constant 0 : i32
    %sign3A_1 = vector.broadcast %sign3A : i32 to vector<8x128xi32>
    %sign3A_2 = arith.cmpi sgt, %iota3A, %sign3A_1 : vector<8x128xi32>
    %sign3A_3 = arith.extui %sign3A_2 : vector<8x128xi1> to vector<8x128xi32>
    %sign3A_4 = arith.constant 0 : i32
    %sign3A_5 = vector.broadcast %sign3A_4 : i32 to vector<8x128xi32>
    %sign3A_6 = arith.cmpi slt, %iota3A, %sign3A_5 : vector<8x128xi32>
    %sign3A_7 = arith.extui %sign3A_6 : vector<8x128xi1> to vector<8x128xi32>
    %sign3A_8 = arith.subi %sign3A_3, %sign3A_7 : vector<8x128xi32>
    %sign3A_9 = arith.constant 0 : i32
    %sign3A_10 = arith.cmpi sgt, %jit3A, %sign3A_9 : i32
    %sign3A_11 = arith.extui %sign3A_10 : i1 to i32
    %sign3A_12 = arith.constant 0 : i32
    %sign3A_13 = arith.cmpi slt, %jit3A, %sign3A_12 : i32
    %sign3A_14 = arith.extui %sign3A_13 : i1 to i32
    %sign3A_15 = arith.subi %sign3A_11, %sign3A_14 : i32
    %ne3A = vector.broadcast %sign3A_15 : i32 to vector<8x128xi32>
    %ne3A_16 = arith.cmpi ne, %sign3A_8, %ne3A : vector<8x128xi32>
    %rem3A = vector.broadcast %jit3A : i32 to vector<8x128xi32>
    %rem3A_17 = arith.remsi %iota3A, %rem3A : vector<8x128xi32>
    %ne3A_18 = arith.constant 0 : i32
    %ne3A_19 = vector.broadcast %ne3A_18 : i32 to vector<8x128xi32>
    %ne3A_20 = arith.cmpi ne, %rem3A_17, %ne3A_19 : vector<8x128xi32>
    %and3A = arith.andi %ne3A_16, %ne3A_20 : vector<8x128xi1>
    %sub3A = arith.constant 1 : i32
    %sub3A_21 = vector.broadcast %sub3A : i32 to vector<8x128xi32>
    %sub3A_22 = arith.subi %div3A_0, %sub3A_21 : vector<8x128xi32>
    %select_n3A = arith.select %and3A, %sub3A_22, %div3A_0 : vector<8x128xi1>, vector<8x128xi32>
    %iota3A_23 = tpu.iota {dimensions = array<i32: 0>} : vector<8x128xi32>
    %eq3A = arith.cmpi eq, %select_n3A, %iota3A_23 : vector<8x128xi32>
    %convert_element_type3A = arith.extui %eq3A : vector<8x128xi1> to vector<8x128xi32>
    %convert_element_type3A_24 = arith.sitofp %convert_element_type3A : vector<8x128xi32> to vector<8x128xf32>
    %get3A = arith.constant 0 : index
    %get3A_25 = arith.constant 0 : index
    %get3A_26 = arith.constant 0 : index
    %get3A_27 = vector.load %arg2[%get3A, %get3A_25, %get3A_26] : memref<3x256x8xf32, #tpu.memory_space<vmem>>, vector<1x256x8xf32>
    %get3A_28 = vector.shape_cast %get3A_27 : vector<1x256x8xf32> to vector<256x8xf32>
    %dot_general3A = arith.constant dense<0.000000e+00> : vector<256x128xf32>
    %dot_general3A_29 = tpu.matmul %get3A_28, %convert_element_type3A_24, %dot_general3A {dimension_numbers = #tpu.dot_dimension_numbers<[1], [0], [0], [1], [0, 0, 1, 1], [], []>, precision = #tpu.contract_precision<fp32>, transpose_lhs_hint = false} : vector<256x8xf32>, vector<8x128xf32>, vector<256x128xf32> -> vector<256x128xf32>
    %add3A = arith.constant 5.000000e-01 : f32
    %add3A_30 = vector.broadcast %add3A : f32 to vector<256x128xf32>
    %add3A_31 = arith.addf %dot_general3A_29, %add3A_30 : vector<256x128xf32>
    %mul3A = arith.constant 3.200000e+01 : f32
    %mul3A_32 = vector.broadcast %mul3A : f32 to vector<256x128xf32>
    %mul3A_33 = arith.mulf %add3A_31, %mul3A_32 : vector<256x128xf32>
    %floor3A = math.floor %mul3A_33 : vector<256x128xf32>
    %sub3A_34 = arith.subf %mul3A_33, %floor3A : vector<256x128xf32>
    %sub3A_35 = arith.constant 5.000000e-01 : f32
    %sub3A_36 = vector.broadcast %sub3A_35 : f32 to vector<256x128xf32>
    %sub3A_37 = arith.subf %sub3A_34, %sub3A_36 : vector<256x128xf32>
    %sub3A_38 = arith.constant 5.000000e-01 : f32
    %sub3A_39 = vector.broadcast %sub3A_38 : f32 to vector<256x128xf32>
    %sub3A_40 = arith.subf %sub3A_39, %sub3A_37 : vector<256x128xf32>
    %integer_pow3A = arith.mulf %sub3A_40, %sub3A_40 : vector<256x128xf32>
    %mul3A_41 = arith.constant 5.000000e-01 : f32
    %mul3A_42 = vector.broadcast %mul3A_41 : f32 to vector<256x128xf32>
    %mul3A_43 = arith.mulf %mul3A_42, %integer_pow3A : vector<256x128xf32>
    %mul3A_44 = arith.mulf %sub3A_37, %sub3A_37 : vector<256x128xf32>
    %sub3A_45 = arith.constant 7.500000e-01 : f32
    %sub3A_46 = vector.broadcast %sub3A_45 : f32 to vector<256x128xf32>
    %sub3A_47 = arith.subf %sub3A_46, %mul3A_44 : vector<256x128xf32>
    %add3A_48 = arith.constant 5.000000e-01 : f32
    %add3A_49 = vector.broadcast %add3A_48 : f32 to vector<256x128xf32>
    %add3A_50 = arith.addf %add3A_49, %sub3A_37 : vector<256x128xf32>
    %integer_pow3A_51 = arith.mulf %add3A_50, %add3A_50 : vector<256x128xf32>
    %mul3A_52 = arith.constant 5.000000e-01 : f32
    %mul3A_53 = vector.broadcast %mul3A_52 : f32 to vector<256x128xf32>
    %mul3A_54 = arith.mulf %mul3A_53, %integer_pow3A_51 : vector<256x128xf32>
    %get3A_55 = arith.constant 1 : index
    %get3A_56 = arith.constant 0 : index
    %get3A_57 = arith.constant 0 : index
    %get3A_58 = vector.load %arg2[%get3A_55, %get3A_56, %get3A_57] : memref<3x256x8xf32, #tpu.memory_space<vmem>>, vector<1x256x8xf32>
    %get3A_59 = vector.shape_cast %get3A_58 : vector<1x256x8xf32> to vector<256x8xf32>
    %dot_general3A_60 = arith.constant dense<0.000000e+00> : vector<256x128xf32>
    %dot_general3A_61 = tpu.matmul %get3A_59, %convert_element_type3A_24, %dot_general3A_60 {dimension_numbers = #tpu.dot_dimension_numbers<[1], [0], [0], [1], [0, 0, 1, 1], [], []>, precision = #tpu.contract_precision<fp32>, transpose_lhs_hint = false} : vector<256x8xf32>, vector<8x128xf32>, vector<256x128xf32> -> vector<256x128xf32>
    %add3A_62 = arith.constant 5.000000e-01 : f32
    %add3A_63 = vector.broadcast %add3A_62 : f32 to vector<256x128xf32>
    %add3A_64 = arith.addf %dot_general3A_61, %add3A_63 : vector<256x128xf32>
    %mul3A_65 = arith.constant 3.200000e+01 : f32
    %mul3A_66 = vector.broadcast %mul3A_65 : f32 to vector<256x128xf32>
    %mul3A_67 = arith.mulf %add3A_64, %mul3A_66 : vector<256x128xf32>
    %floor3A_68 = math.floor %mul3A_67 : vector<256x128xf32>
    %sub3A_69 = arith.subf %mul3A_67, %floor3A_68 : vector<256x128xf32>
    %sub3A_70 = arith.constant 5.000000e-01 : f32
    %sub3A_71 = vector.broadcast %sub3A_70 : f32 to vector<256x128xf32>
    %sub3A_72 = arith.subf %sub3A_69, %sub3A_71 : vector<256x128xf32>
    %sub3A_73 = arith.constant 5.000000e-01 : f32
    %sub3A_74 = vector.broadcast %sub3A_73 : f32 to vector<256x128xf32>
    %sub3A_75 = arith.subf %sub3A_74, %sub3A_72 : vector<256x128xf32>
    %integer_pow3A_76 = arith.mulf %sub3A_75, %sub3A_75 : vector<256x128xf32>
    %mul3A_77 = arith.constant 5.000000e-01 : f32
    %mul3A_78 = vector.broadcast %mul3A_77 : f32 to vector<256x128xf32>
    %mul3A_79 = arith.mulf %mul3A_78, %integer_pow3A_76 : vector<256x128xf32>
    %mul3A_80 = arith.mulf %sub3A_72, %sub3A_72 : vector<256x128xf32>
    %sub3A_81 = arith.constant 7.500000e-01 : f32
    %sub3A_82 = vector.broadcast %sub3A_81 : f32 to vector<256x128xf32>
    %sub3A_83 = arith.subf %sub3A_82, %mul3A_80 : vector<256x128xf32>
    %add3A_84 = arith.constant 5.000000e-01 : f32
    %add3A_85 = vector.broadcast %add3A_84 : f32 to vector<256x128xf32>
    %add3A_86 = arith.addf %add3A_85, %sub3A_72 : vector<256x128xf32>
    %integer_pow3A_87 = arith.mulf %add3A_86, %add3A_86 : vector<256x128xf32>
    %mul3A_88 = arith.constant 5.000000e-01 : f32
    %mul3A_89 = vector.broadcast %mul3A_88 : f32 to vector<256x128xf32>
    %mul3A_90 = arith.mulf %mul3A_89, %integer_pow3A_87 : vector<256x128xf32>
    %get3A_91 = arith.constant 2 : index
    %get3A_92 = arith.constant 0 : index
    %get3A_93 = arith.constant 0 : index
    %get3A_94 = vector.load %arg2[%get3A_91, %get3A_92, %get3A_93] : memref<3x256x8xf32, #tpu.memory_space<vmem>>, vector<1x256x8xf32>
    %get3A_95 = vector.shape_cast %get3A_94 : vector<1x256x8xf32> to vector<256x8xf32>
    %dot_general3A_96 = arith.constant dense<0.000000e+00> : vector<256x128xf32>
    %dot_general3A_97 = tpu.matmul %get3A_95, %convert_element_type3A_24, %dot_general3A_96 {dimension_numbers = #tpu.dot_dimension_numbers<[1], [0], [0], [1], [0, 0, 1, 1], [], []>, precision = #tpu.contract_precision<fp32>, transpose_lhs_hint = false} : vector<256x8xf32>, vector<8x128xf32>, vector<256x128xf32> -> vector<256x128xf32>
    %add3A_98 = arith.constant 5.000000e-01 : f32
    %add3A_99 = vector.broadcast %add3A_98 : f32 to vector<256x128xf32>
    %add3A_100 = arith.addf %dot_general3A_97, %add3A_99 : vector<256x128xf32>
    %mul3A_101 = arith.constant 3.200000e+01 : f32
    %mul3A_102 = vector.broadcast %mul3A_101 : f32 to vector<256x128xf32>
    %mul3A_103 = arith.mulf %add3A_100, %mul3A_102 : vector<256x128xf32>
    %floor3A_104 = math.floor %mul3A_103 : vector<256x128xf32>
    %sub3A_105 = arith.subf %mul3A_103, %floor3A_104 : vector<256x128xf32>
    %sub3A_106 = arith.constant 5.000000e-01 : f32
    %sub3A_107 = vector.broadcast %sub3A_106 : f32 to vector<256x128xf32>
    %sub3A_108 = arith.subf %sub3A_105, %sub3A_107 : vector<256x128xf32>
    %sub3A_109 = arith.constant 5.000000e-01 : f32
    %sub3A_110 = vector.broadcast %sub3A_109 : f32 to vector<256x128xf32>
    %sub3A_111 = arith.subf %sub3A_110, %sub3A_108 : vector<256x128xf32>
    %integer_pow3A_112 = arith.mulf %sub3A_111, %sub3A_111 : vector<256x128xf32>
    %mul3A_113 = arith.constant 5.000000e-01 : f32
    %mul3A_114 = vector.broadcast %mul3A_113 : f32 to vector<256x128xf32>
    %mul3A_115 = arith.mulf %mul3A_114, %integer_pow3A_112 : vector<256x128xf32>
    %mul3A_116 = arith.mulf %sub3A_108, %sub3A_108 : vector<256x128xf32>
    %sub3A_117 = arith.constant 7.500000e-01 : f32
    %sub3A_118 = vector.broadcast %sub3A_117 : f32 to vector<256x128xf32>
    %sub3A_119 = arith.subf %sub3A_118, %mul3A_116 : vector<256x128xf32>
    %add3A_120 = arith.constant 5.000000e-01 : f32
    %add3A_121 = vector.broadcast %add3A_120 : f32 to vector<256x128xf32>
    %add3A_122 = arith.addf %add3A_121, %sub3A_108 : vector<256x128xf32>
    %integer_pow3A_123 = arith.mulf %add3A_122, %add3A_122 : vector<256x128xf32>
    %mul3A_124 = arith.constant 5.000000e-01 : f32
    %mul3A_125 = vector.broadcast %mul3A_124 : f32 to vector<256x128xf32>
    %mul3A_126 = arith.mulf %mul3A_125, %integer_pow3A_123 : vector<256x128xf32>
    %get3A_127 = arith.constant 0 : index
    %get3A_128 = arith.constant 0 : index
    %get3A_129 = vector.load %arg4[%get3A_127, %get3A_128] : memref<1x128xf32, #tpu.memory_space<vmem>>, vector<1x128xf32>
    %get3A_130 = vector.shape_cast %get3A_129 : vector<1x128xf32> to vector<128xf32>
    %broadcast_in_dim3A = vector.shape_cast %get3A_130 : vector<128xf32> to vector<1x128xf32>
    %broadcast_in_dim3A_131 = vector.broadcast %broadcast_in_dim3A : vector<1x128xf32> to vector<256x128xf32>
    %mul3A_132 = arith.mulf %mul3A_43, %mul3A_79 : vector<256x128xf32>
    %mul3A_133 = arith.mulf %mul3A_132, %mul3A_115 : vector<256x128xf32>
    %get3A_134 = arith.constant 0 : index
    %get3A_135 = arith.constant 0 : index
    %get3A_136 = arith.constant 0 : index
    %get3A_137 = vector.load %arg1[%get3A_134, %get3A_135, %get3A_136] : memref<27x256x128xf32, #tpu.memory_space<vmem>>, vector<1x256x128xf32>
    %get3A_138 = vector.shape_cast %get3A_137 : vector<1x256x128xf32> to vector<256x128xf32>
    %get3A_139 = arith.constant 0 : index
    %get3A_140 = arith.constant 0 : index
    %get3A_141 = arith.constant 0 : index
    %get3A_142 = vector.load %arg3[%get3A_139, %get3A_140, %get3A_141] : memref<27x128x128xf32, #tpu.memory_space<vmem>>, vector<1x128x128xf32>
    %get3A_143 = vector.shape_cast %get3A_142 : vector<1x128x128xf32> to vector<128x128xf32>
    %dot_general3A_144 = arith.constant dense<0.000000e+00> : vector<256x128xf32>
    %dot_general3A_145 = tpu.matmul %get3A_138, %get3A_143, %dot_general3A_144 {dimension_numbers = #tpu.dot_dimension_numbers<[1], [0], [0], [1], [0, 0, 1, 1], [], []>, transpose_lhs_hint = false} : vector<256x128xf32>, vector<128x128xf32>, vector<256x128xf32> -> vector<256x128xf32>
    %mul3A_146 = arith.mulf %mul3A_133, %dot_general3A_145 : vector<256x128xf32>
    %add3A_147 = arith.addf %broadcast_in_dim3A_131, %mul3A_146 : vector<256x128xf32>
    %mul3A_148 = arith.mulf %mul3A_43, %mul3A_79 : vector<256x128xf32>
    %mul3A_149 = arith.mulf %mul3A_148, %sub3A_119 : vector<256x128xf32>
    %get3A_150 = arith.constant 1 : index
    %get3A_151 = arith.constant 0 : index
    %get3A_152 = arith.constant 0 : index
    %get3A_153 = vector.load %arg1[%get3A_150, %get3A_151, %get3A_152] : memref<27x256x128xf32, #tpu.memory_space<vmem>>, vector<1x256x128xf32>
    %get3A_154 = vector.shape_cast %get3A_153 : vector<1x256x128xf32> to vector<256x128xf32>
    %get3A_155 = arith.constant 1 : index
    %get3A_156 = arith.constant 0 : index
    %get3A_157 = arith.constant 0 : index
    %get3A_158 = vector.load %arg3[%get3A_155, %get3A_156, %get3A_157] : memref<27x128x128xf32, #tpu.memory_space<vmem>>, vector<1x128x128xf32>
    %get3A_159 = vector.shape_cast %get3A_158 : vector<1x128x128xf32> to vector<128x128xf32>
    %dot_general3A_160 = arith.constant dense<0.000000e+00> : vector<256x128xf32>
    %dot_general3A_161 = tpu.matmul %get3A_154, %get3A_159, %dot_general3A_160 {dimension_numbers = #tpu.dot_dimension_numbers<[1], [0], [0], [1], [0, 0, 1, 1], [], []>, transpose_lhs_hint = false} : vector<256x128xf32>, vector<128x128xf32>, vector<256x128xf32> -> vector<256x128xf32>
    %mul3A_162 = arith.mulf %mul3A_149, %dot_general3A_161 : vector<256x128xf32>
    %add3A_163 = arith.addf %add3A_147, %mul3A_162 : vector<256x128xf32>
    %mul3A_164 = arith.mulf %mul3A_43, %mul3A_79 : vector<256x128xf32>
    %mul3A_165 = arith.mulf %mul3A_164, %mul3A_126 : vector<256x128xf32>
    %get3A_166 = arith.constant 2 : index
    %get3A_167 = arith.constant 0 : index
    %get3A_168 = arith.constant 0 : index
    %get3A_169 = vector.load %arg1[%get3A_166, %get3A_167, %get3A_168] : memref<27x256x128xf32, #tpu.memory_space<vmem>>, vector<1x256x128xf32>
    %get3A_170 = vector.shape_cast %get3A_169 : vector<1x256x128xf32> to vector<256x128xf32>
    %get3A_171 = arith.constant 2 : index
    %get3A_172 = arith.constant 0 : index
    %get3A_173 = arith.constant 0 : index
    %get3A_174 = vector.load %arg3[%get3A_171, %get3A_172, %get3A_173] : memref<27x128x128xf32, #tpu.memory_space<vmem>>, vector<1x128x128xf32>
    %get3A_175 = vector.shape_cast %get3A_174 : vector<1x128x128xf32> to vector<128x128xf32>
    %dot_general3A_176 = arith.constant dense<0.000000e+00> : vector<256x128xf32>
    %dot_general3A_177 = tpu.matmul %get3A_170, %get3A_175, %dot_general3A_176 {dimension_numbers = #tpu.dot_dimension_numbers<[1], [0], [0], [1], [0, 0, 1, 1], [], []>, transpose_lhs_hint = false} : vector<256x128xf32>, vector<128x128xf32>, vector<256x128xf32> -> vector<256x128xf32>
    %mul3A_178 = arith.mulf %mul3A_165, %dot_general3A_177 : vector<256x128xf32>
    %add3A_179 = arith.addf %add3A_163, %mul3A_178 : vector<256x128xf32>
    %mul3A_180 = arith.mulf %mul3A_43, %sub3A_83 : vector<256x128xf32>
    %mul3A_181 = arith.mulf %mul3A_180, %mul3A_115 : vector<256x128xf32>
    %get3A_182 = arith.constant 3 : index
    %get3A_183 = arith.constant 0 : index
    %get3A_184 = arith.constant 0 : index
    %get3A_185 = vector.load %arg1[%get3A_182, %get3A_183, %get3A_184] : memref<27x256x128xf32, #tpu.memory_space<vmem>>, vector<1x256x128xf32>
    %get3A_186 = vector.shape_cast %get3A_185 : vector<1x256x128xf32> to vector<256x128xf32>
    %get3A_187 = arith.constant 3 : index
    %get3A_188 = arith.constant 0 : index
    %get3A_189 = arith.constant 0 : index
    %get3A_190 = vector.load %arg3[%get3A_187, %get3A_188, %get3A_189] : memref<27x128x128xf32, #tpu.memory_space<vmem>>, vector<1x128x128xf32>
    %get3A_191 = vector.shape_cast %get3A_190 : vector<1x128x128xf32> to vector<128x128xf32>
    %dot_general3A_192 = arith.constant dense<0.000000e+00> : vector<256x128xf32>
    %dot_general3A_193 = tpu.matmul %get3A_186, %get3A_191, %dot_general3A_192 {dimension_numbers = #tpu.dot_dimension_numbers<[1], [0], [0], [1], [0, 0, 1, 1], [], []>, transpose_lhs_hint = false} : vector<256x128xf32>, vector<128x128xf32>, vector<256x128xf32> -> vector<256x128xf32>
    %mul3A_194 = arith.mulf %mul3A_181, %dot_general3A_193 : vector<256x128xf32>
    %add3A_195 = arith.addf %add3A_179, %mul3A_194 : vector<256x128xf32>
    %mul3A_196 = arith.mulf %mul3A_43, %sub3A_83 : vector<256x128xf32>
    %mul3A_197 = arith.mulf %mul3A_196, %sub3A_119 : vector<256x128xf32>
    %get3A_198 = arith.constant 4 : index
    %get3A_199 = arith.constant 0 : index
    %get3A_200 = arith.constant 0 : index
    %get3A_201 = vector.load %arg1[%get3A_198, %get3A_199, %get3A_200] : memref<27x256x128xf32, #tpu.memory_space<vmem>>, vector<1x256x128xf32>
    %get3A_202 = vector.shape_cast %get3A_201 : vector<1x256x128xf32> to vector<256x128xf32>
    %get3A_203 = arith.constant 4 : index
    %get3A_204 = arith.constant 0 : index
    %get3A_205 = arith.constant 0 : index
    %get3A_206 = vector.load %arg3[%get3A_203, %get3A_204, %get3A_205] : memref<27x128x128xf32, #tpu.memory_space<vmem>>, vector<1x128x128xf32>
    %get3A_207 = vector.shape_cast %get3A_206 : vector<1x128x128xf32> to vector<128x128xf32>
    %dot_general3A_208 = arith.constant dense<0.000000e+00> : vector<256x128xf32>
    %dot_general3A_209 = tpu.matmul %get3A_202, %get3A_207, %dot_general3A_208 {dimension_numbers = #tpu.dot_dimension_numbers<[1], [0], [0], [1], [0, 0, 1, 1], [], []>, transpose_lhs_hint = false} : vector<256x128xf32>, vector<128x128xf32>, vector<256x128xf32> -> vector<256x128xf32>
    %mul3A_210 = arith.mulf %mul3A_197, %dot_general3A_209 : vector<256x128xf32>
    %add3A_211 = arith.addf %add3A_195, %mul3A_210 : vector<256x128xf32>
    %mul3A_212 = arith.mulf %mul3A_43, %sub3A_83 : vector<256x128xf32>
    %mul3A_213 = arith.mulf %mul3A_212, %mul3A_126 : vector<256x128xf32>
    %get3A_214 = arith.constant 5 : index
    %get3A_215 = arith.constant 0 : index
    %get3A_216 = arith.constant 0 : index
    %get3A_217 = vector.load %arg1[%get3A_214, %get3A_215, %get3A_216] : memref<27x256x128xf32, #tpu.memory_space<vmem>>, vector<1x256x128xf32>
    %get3A_218 = vector.shape_cast %get3A_217 : vector<1x256x128xf32> to vector<256x128xf32>
    %get3A_219 = arith.constant 5 : index
    %get3A_220 = arith.constant 0 : index
    %get3A_221 = arith.constant 0 : index
    %get3A_222 = vector.load %arg3[%get3A_219, %get3A_220, %get3A_221] : memref<27x128x128xf32, #tpu.memory_space<vmem>>, vector<1x128x128xf32>
    %get3A_223 = vector.shape_cast %get3A_222 : vector<1x128x128xf32> to vector<128x128xf32>
    %dot_general3A_224 = arith.constant dense<0.000000e+00> : vector<256x128xf32>
    %dot_general3A_225 = tpu.matmul %get3A_218, %get3A_223, %dot_general3A_224 {dimension_numbers = #tpu.dot_dimension_numbers<[1], [0], [0], [1], [0, 0, 1, 1], [], []>, transpose_lhs_hint = false} : vector<256x128xf32>, vector<128x128xf32>, vector<256x128xf32> -> vector<256x128xf32>
    %mul3A_226 = arith.mulf %mul3A_213, %dot_general3A_225 : vector<256x128xf32>
    %add3A_227 = arith.addf %add3A_211, %mul3A_226 : vector<256x128xf32>
    %mul3A_228 = arith.mulf %mul3A_43, %mul3A_90 : vector<256x128xf32>
    %mul3A_229 = arith.mulf %mul3A_228, %mul3A_115 : vector<256x128xf32>
    %get3A_230 = arith.constant 6 : index
    %get3A_231 = arith.constant 0 : index
    %get3A_232 = arith.constant 0 : index
    %get3A_233 = vector.load %arg1[%get3A_230, %get3A_231, %get3A_232] : memref<27x256x128xf32, #tpu.memory_space<vmem>>, vector<1x256x128xf32>
    %get3A_234 = vector.shape_cast %get3A_233 : vector<1x256x128xf32> to vector<256x128xf32>
    %get3A_235 = arith.constant 6 : index
    %get3A_236 = arith.constant 0 : index
    %get3A_237 = arith.constant 0 : index
    %get3A_238 = vector.load %arg3[%get3A_235, %get3A_236, %get3A_237] : memref<27x128x128xf32, #tpu.memory_space<vmem>>, vector<1x128x128xf32>
    %get3A_239 = vector.shape_cast %get3A_238 : vector<1x128x128xf32> to vector<128x128xf32>
    %dot_general3A_240 = arith.constant dense<0.000000e+00> : vector<256x128xf32>
    %dot_general3A_241 = tpu.matmul %get3A_234, %get3A_239, %dot_general3A_240 {dimension_numbers = #tpu.dot_dimension_numbers<[1], [0], [0], [1], [0, 0, 1, 1], [], []>, transpose_lhs_hint = false} : vector<256x128xf32>, vector<128x128xf32>, vector<256x128xf32> -> vector<256x128xf32>
    %mul3A_242 = arith.mulf %mul3A_229, %dot_general3A_241 : vector<256x128xf32>
    %add3A_243 = arith.addf %add3A_227, %mul3A_242 : vector<256x128xf32>
    %mul3A_244 = arith.mulf %mul3A_43, %mul3A_90 : vector<256x128xf32>
    %mul3A_245 = arith.mulf %mul3A_244, %sub3A_119 : vector<256x128xf32>
    %get3A_246 = arith.constant 7 : index
    %get3A_247 = arith.constant 0 : index
    %get3A_248 = arith.constant 0 : index
    %get3A_249 = vector.load %arg1[%get3A_246, %get3A_247, %get3A_248] : memref<27x256x128xf32, #tpu.memory_space<vmem>>, vector<1x256x128xf32>
    %get3A_250 = vector.shape_cast %get3A_249 : vector<1x256x128xf32> to vector<256x128xf32>
    %get3A_251 = arith.constant 7 : index
    %get3A_252 = arith.constant 0 : index
    %get3A_253 = arith.constant 0 : index
    %get3A_254 = vector.load %arg3[%get3A_251, %get3A_252, %get3A_253] : memref<27x128x128xf32, #tpu.memory_space<vmem>>, vector<1x128x128xf32>
    %get3A_255 = vector.shape_cast %get3A_254 : vector<1x128x128xf32> to vector<128x128xf32>
    %dot_general3A_256 = arith.constant dense<0.000000e+00> : vector<256x128xf32>
    %dot_general3A_257 = tpu.matmul %get3A_250, %get3A_255, %dot_general3A_256 {dimension_numbers = #tpu.dot_dimension_numbers<[1], [0], [0], [1], [0, 0, 1, 1], [], []>, transpose_lhs_hint = false} : vector<256x128xf32>, vector<128x128xf32>, vector<256x128xf32> -> vector<256x128xf32>
    %mul3A_258 = arith.mulf %mul3A_245, %dot_general3A_257 : vector<256x128xf32>
    %add3A_259 = arith.addf %add3A_243, %mul3A_258 : vector<256x128xf32>
    %mul3A_260 = arith.mulf %mul3A_43, %mul3A_90 : vector<256x128xf32>
    %mul3A_261 = arith.mulf %mul3A_260, %mul3A_126 : vector<256x128xf32>
    %get3A_262 = arith.constant 8 : index
    %get3A_263 = arith.constant 0 : index
    %get3A_264 = arith.constant 0 : index
    %get3A_265 = vector.load %arg1[%get3A_262, %get3A_263, %get3A_264] : memref<27x256x128xf32, #tpu.memory_space<vmem>>, vector<1x256x128xf32>
    %get3A_266 = vector.shape_cast %get3A_265 : vector<1x256x128xf32> to vector<256x128xf32>
    %get3A_267 = arith.constant 8 : index
    %get3A_268 = arith.constant 0 : index
    %get3A_269 = arith.constant 0 : index
    %get3A_270 = vector.load %arg3[%get3A_267, %get3A_268, %get3A_269] : memref<27x128x128xf32, #tpu.memory_space<vmem>>, vector<1x128x128xf32>
    %get3A_271 = vector.shape_cast %get3A_270 : vector<1x128x128xf32> to vector<128x128xf32>
    %dot_general3A_272 = arith.constant dense<0.000000e+00> : vector<256x128xf32>
    %dot_general3A_273 = tpu.matmul %get3A_266, %get3A_271, %dot_general3A_272 {dimension_numbers = #tpu.dot_dimension_numbers<[1], [0], [0], [1], [0, 0, 1, 1], [], []>, transpose_lhs_hint = false} : vector<256x128xf32>, vector<128x128xf32>, vector<256x128xf32> -> vector<256x128xf32>
    %mul3A_274 = arith.mulf %mul3A_261, %dot_general3A_273 : vector<256x128xf32>
    %add3A_275 = arith.addf %add3A_259, %mul3A_274 : vector<256x128xf32>
    %mul3A_276 = arith.mulf %sub3A_47, %mul3A_79 : vector<256x128xf32>
    %mul3A_277 = arith.mulf %mul3A_276, %mul3A_115 : vector<256x128xf32>
    %get3A_278 = arith.constant 9 : index
    %get3A_279 = arith.constant 0 : index
    %get3A_280 = arith.constant 0 : index
    %get3A_281 = vector.load %arg1[%get3A_278, %get3A_279, %get3A_280] : memref<27x256x128xf32, #tpu.memory_space<vmem>>, vector<1x256x128xf32>
    %get3A_282 = vector.shape_cast %get3A_281 : vector<1x256x128xf32> to vector<256x128xf32>
    %get3A_283 = arith.constant 9 : index
    %get3A_284 = arith.constant 0 : index
    %get3A_285 = arith.constant 0 : index
    %get3A_286 = vector.load %arg3[%get3A_283, %get3A_284, %get3A_285] : memref<27x128x128xf32, #tpu.memory_space<vmem>>, vector<1x128x128xf32>
    %get3A_287 = vector.shape_cast %get3A_286 : vector<1x128x128xf32> to vector<128x128xf32>
    %dot_general3A_288 = arith.constant dense<0.000000e+00> : vector<256x128xf32>
    %dot_general3A_289 = tpu.matmul %get3A_282, %get3A_287, %dot_general3A_288 {dimension_numbers = #tpu.dot_dimension_numbers<[1], [0], [0], [1], [0, 0, 1, 1], [], []>, transpose_lhs_hint = false} : vector<256x128xf32>, vector<128x128xf32>, vector<256x128xf32> -> vector<256x128xf32>
    %mul3A_290 = arith.mulf %mul3A_277, %dot_general3A_289 : vector<256x128xf32>
    %add3A_291 = arith.addf %add3A_275, %mul3A_290 : vector<256x128xf32>
    %mul3A_292 = arith.mulf %sub3A_47, %mul3A_79 : vector<256x128xf32>
    %mul3A_293 = arith.mulf %mul3A_292, %sub3A_119 : vector<256x128xf32>
    %get3A_294 = arith.constant 10 : index
    %get3A_295 = arith.constant 0 : index
    %get3A_296 = arith.constant 0 : index
    %get3A_297 = vector.load %arg1[%get3A_294, %get3A_295, %get3A_296] : memref<27x256x128xf32, #tpu.memory_space<vmem>>, vector<1x256x128xf32>
    %get3A_298 = vector.shape_cast %get3A_297 : vector<1x256x128xf32> to vector<256x128xf32>
    %get3A_299 = arith.constant 10 : index
    %get3A_300 = arith.constant 0 : index
    %get3A_301 = arith.constant 0 : index
    %get3A_302 = vector.load %arg3[%get3A_299, %get3A_300, %get3A_301] : memref<27x128x128xf32, #tpu.memory_space<vmem>>, vector<1x128x128xf32>
    %get3A_303 = vector.shape_cast %get3A_302 : vector<1x128x128xf32> to vector<128x128xf32>
    %dot_general3A_304 = arith.constant dense<0.000000e+00> : vector<256x128xf32>
    %dot_general3A_305 = tpu.matmul %get3A_298, %get3A_303, %dot_general3A_304 {dimension_numbers = #tpu.dot_dimension_numbers<[1], [0], [0], [1], [0, 0, 1, 1], [], []>, transpose_lhs_hint = false} : vector<256x128xf32>, vector<128x128xf32>, vector<256x128xf32> -> vector<256x128xf32>
    %mul3A_306 = arith.mulf %mul3A_293, %dot_general3A_305 : vector<256x128xf32>
    %add3A_307 = arith.addf %add3A_291, %mul3A_306 : vector<256x128xf32>
    %mul3A_308 = arith.mulf %sub3A_47, %mul3A_79 : vector<256x128xf32>
    %mul3A_309 = arith.mulf %mul3A_308, %mul3A_126 : vector<256x128xf32>
    %get3A_310 = arith.constant 11 : index
    %get3A_311 = arith.constant 0 : index
    %get3A_312 = arith.constant 0 : index
    %get3A_313 = vector.load %arg1[%get3A_310, %get3A_311, %get3A_312] : memref<27x256x128xf32, #tpu.memory_space<vmem>>, vector<1x256x128xf32>
    %get3A_314 = vector.shape_cast %get3A_313 : vector<1x256x128xf32> to vector<256x128xf32>
    %get3A_315 = arith.constant 11 : index
    %get3A_316 = arith.constant 0 : index
    %get3A_317 = arith.constant 0 : index
    %get3A_318 = vector.load %arg3[%get3A_315, %get3A_316, %get3A_317] : memref<27x128x128xf32, #tpu.memory_space<vmem>>, vector<1x128x128xf32>
    %get3A_319 = vector.shape_cast %get3A_318 : vector<1x128x128xf32> to vector<128x128xf32>
    %dot_general3A_320 = arith.constant dense<0.000000e+00> : vector<256x128xf32>
    %dot_general3A_321 = tpu.matmul %get3A_314, %get3A_319, %dot_general3A_320 {dimension_numbers = #tpu.dot_dimension_numbers<[1], [0], [0], [1], [0, 0, 1, 1], [], []>, transpose_lhs_hint = false} : vector<256x128xf32>, vector<128x128xf32>, vector<256x128xf32> -> vector<256x128xf32>
    %mul3A_322 = arith.mulf %mul3A_309, %dot_general3A_321 : vector<256x128xf32>
    %add3A_323 = arith.addf %add3A_307, %mul3A_322 : vector<256x128xf32>
    %mul3A_324 = arith.mulf %sub3A_47, %sub3A_83 : vector<256x128xf32>
    %mul3A_325 = arith.mulf %mul3A_324, %mul3A_115 : vector<256x128xf32>
    %get3A_326 = arith.constant 12 : index
    %get3A_327 = arith.constant 0 : index
    %get3A_328 = arith.constant 0 : index
    %get3A_329 = vector.load %arg1[%get3A_326, %get3A_327, %get3A_328] : memref<27x256x128xf32, #tpu.memory_space<vmem>>, vector<1x256x128xf32>
    %get3A_330 = vector.shape_cast %get3A_329 : vector<1x256x128xf32> to vector<256x128xf32>
    %get3A_331 = arith.constant 12 : index
    %get3A_332 = arith.constant 0 : index
    %get3A_333 = arith.constant 0 : index
    %get3A_334 = vector.load %arg3[%get3A_331, %get3A_332, %get3A_333] : memref<27x128x128xf32, #tpu.memory_space<vmem>>, vector<1x128x128xf32>
    %get3A_335 = vector.shape_cast %get3A_334 : vector<1x128x128xf32> to vector<128x128xf32>
    %dot_general3A_336 = arith.constant dense<0.000000e+00> : vector<256x128xf32>
    %dot_general3A_337 = tpu.matmul %get3A_330, %get3A_335, %dot_general3A_336 {dimension_numbers = #tpu.dot_dimension_numbers<[1], [0], [0], [1], [0, 0, 1, 1], [], []>, transpose_lhs_hint = false} : vector<256x128xf32>, vector<128x128xf32>, vector<256x128xf32> -> vector<256x128xf32>
    %mul3A_338 = arith.mulf %mul3A_325, %dot_general3A_337 : vector<256x128xf32>
    %add3A_339 = arith.addf %add3A_323, %mul3A_338 : vector<256x128xf32>
    %mul3A_340 = arith.mulf %sub3A_47, %sub3A_83 : vector<256x128xf32>
    %mul3A_341 = arith.mulf %mul3A_340, %sub3A_119 : vector<256x128xf32>
    %get3A_342 = arith.constant 13 : index
    %get3A_343 = arith.constant 0 : index
    %get3A_344 = arith.constant 0 : index
    %get3A_345 = vector.load %arg1[%get3A_342, %get3A_343, %get3A_344] : memref<27x256x128xf32, #tpu.memory_space<vmem>>, vector<1x256x128xf32>
    %get3A_346 = vector.shape_cast %get3A_345 : vector<1x256x128xf32> to vector<256x128xf32>
    %get3A_347 = arith.constant 13 : index
    %get3A_348 = arith.constant 0 : index
    %get3A_349 = arith.constant 0 : index
    %get3A_350 = vector.load %arg3[%get3A_347, %get3A_348, %get3A_349] : memref<27x128x128xf32, #tpu.memory_space<vmem>>, vector<1x128x128xf32>
    %get3A_351 = vector.shape_cast %get3A_350 : vector<1x128x128xf32> to vector<128x128xf32>
    %dot_general3A_352 = arith.constant dense<0.000000e+00> : vector<256x128xf32>
    %dot_general3A_353 = tpu.matmul %get3A_346, %get3A_351, %dot_general3A_352 {dimension_numbers = #tpu.dot_dimension_numbers<[1], [0], [0], [1], [0, 0, 1, 1], [], []>, transpose_lhs_hint = false} : vector<256x128xf32>, vector<128x128xf32>, vector<256x128xf32> -> vector<256x128xf32>
    %mul3A_354 = arith.mulf %mul3A_341, %dot_general3A_353 : vector<256x128xf32>
    %add3A_355 = arith.addf %add3A_339, %mul3A_354 : vector<256x128xf32>
    %mul3A_356 = arith.mulf %sub3A_47, %sub3A_83 : vector<256x128xf32>
    %mul3A_357 = arith.mulf %mul3A_356, %mul3A_126 : vector<256x128xf32>
    %get3A_358 = arith.constant 14 : index
    %get3A_359 = arith.constant 0 : index
    %get3A_360 = arith.constant 0 : index
    %get3A_361 = vector.load %arg1[%get3A_358, %get3A_359, %get3A_360] : memref<27x256x128xf32, #tpu.memory_space<vmem>>, vector<1x256x128xf32>
    %get3A_362 = vector.shape_cast %get3A_361 : vector<1x256x128xf32> to vector<256x128xf32>
    %get3A_363 = arith.constant 14 : index
    %get3A_364 = arith.constant 0 : index
    %get3A_365 = arith.constant 0 : index
    %get3A_366 = vector.load %arg3[%get3A_363, %get3A_364, %get3A_365] : memref<27x128x128xf32, #tpu.memory_space<vmem>>, vector<1x128x128xf32>
    %get3A_367 = vector.shape_cast %get3A_366 : vector<1x128x128xf32> to vector<128x128xf32>
    %dot_general3A_368 = arith.constant dense<0.000000e+00> : vector<256x128xf32>
    %dot_general3A_369 = tpu.matmul %get3A_362, %get3A_367, %dot_general3A_368 {dimension_numbers = #tpu.dot_dimension_numbers<[1], [0], [0], [1], [0, 0, 1, 1], [], []>, transpose_lhs_hint = false} : vector<256x128xf32>, vector<128x128xf32>, vector<256x128xf32> -> vector<256x128xf32>
    %mul3A_370 = arith.mulf %mul3A_357, %dot_general3A_369 : vector<256x128xf32>
    %add3A_371 = arith.addf %add3A_355, %mul3A_370 : vector<256x128xf32>
    %mul3A_372 = arith.mulf %sub3A_47, %mul3A_90 : vector<256x128xf32>
    %mul3A_373 = arith.mulf %mul3A_372, %mul3A_115 : vector<256x128xf32>
    %get3A_374 = arith.constant 15 : index
    %get3A_375 = arith.constant 0 : index
    %get3A_376 = arith.constant 0 : index
    %get3A_377 = vector.load %arg1[%get3A_374, %get3A_375, %get3A_376] : memref<27x256x128xf32, #tpu.memory_space<vmem>>, vector<1x256x128xf32>
    %get3A_378 = vector.shape_cast %get3A_377 : vector<1x256x128xf32> to vector<256x128xf32>
    %get3A_379 = arith.constant 15 : index
    %get3A_380 = arith.constant 0 : index
    %get3A_381 = arith.constant 0 : index
    %get3A_382 = vector.load %arg3[%get3A_379, %get3A_380, %get3A_381] : memref<27x128x128xf32, #tpu.memory_space<vmem>>, vector<1x128x128xf32>
    %get3A_383 = vector.shape_cast %get3A_382 : vector<1x128x128xf32> to vector<128x128xf32>
    %dot_general3A_384 = arith.constant dense<0.000000e+00> : vector<256x128xf32>
    %dot_general3A_385 = tpu.matmul %get3A_378, %get3A_383, %dot_general3A_384 {dimension_numbers = #tpu.dot_dimension_numbers<[1], [0], [0], [1], [0, 0, 1, 1], [], []>, transpose_lhs_hint = false} : vector<256x128xf32>, vector<128x128xf32>, vector<256x128xf32> -> vector<256x128xf32>
    %mul3A_386 = arith.mulf %mul3A_373, %dot_general3A_385 : vector<256x128xf32>
    %add3A_387 = arith.addf %add3A_371, %mul3A_386 : vector<256x128xf32>
    %mul3A_388 = arith.mulf %sub3A_47, %mul3A_90 : vector<256x128xf32>
    %mul3A_389 = arith.mulf %mul3A_388, %sub3A_119 : vector<256x128xf32>
    %get3A_390 = arith.constant 16 : index
    %get3A_391 = arith.constant 0 : index
    %get3A_392 = arith.constant 0 : index
    %get3A_393 = vector.load %arg1[%get3A_390, %get3A_391, %get3A_392] : memref<27x256x128xf32, #tpu.memory_space<vmem>>, vector<1x256x128xf32>
    %get3A_394 = vector.shape_cast %get3A_393 : vector<1x256x128xf32> to vector<256x128xf32>
    %get3A_395 = arith.constant 16 : index
    %get3A_396 = arith.constant 0 : index
    %get3A_397 = arith.constant 0 : index
    %get3A_398 = vector.load %arg3[%get3A_395, %get3A_396, %get3A_397] : memref<27x128x128xf32, #tpu.memory_space<vmem>>, vector<1x128x128xf32>
    %get3A_399 = vector.shape_cast %get3A_398 : vector<1x128x128xf32> to vector<128x128xf32>
    %dot_general3A_400 = arith.constant dense<0.000000e+00> : vector<256x128xf32>
    %dot_general3A_401 = tpu.matmul %get3A_394, %get3A_399, %dot_general3A_400 {dimension_numbers = #tpu.dot_dimension_numbers<[1], [0], [0], [1], [0, 0, 1, 1], [], []>, transpose_lhs_hint = false} : vector<256x128xf32>, vector<128x128xf32>, vector<256x128xf32> -> vector<256x128xf32>
    %mul3A_402 = arith.mulf %mul3A_389, %dot_general3A_401 : vector<256x128xf32>
    %add3A_403 = arith.addf %add3A_387, %mul3A_402 : vector<256x128xf32>
    %mul3A_404 = arith.mulf %sub3A_47, %mul3A_90 : vector<256x128xf32>
    %mul3A_405 = arith.mulf %mul3A_404, %mul3A_126 : vector<256x128xf32>
    %get3A_406 = arith.constant 17 : index
    %get3A_407 = arith.constant 0 : index
    %get3A_408 = arith.constant 0 : index
    %get3A_409 = vector.load %arg1[%get3A_406, %get3A_407, %get3A_408] : memref<27x256x128xf32, #tpu.memory_space<vmem>>, vector<1x256x128xf32>
    %get3A_410 = vector.shape_cast %get3A_409 : vector<1x256x128xf32> to vector<256x128xf32>
    %get3A_411 = arith.constant 17 : index
    %get3A_412 = arith.constant 0 : index
    %get3A_413 = arith.constant 0 : index
    %get3A_414 = vector.load %arg3[%get3A_411, %get3A_412, %get3A_413] : memref<27x128x128xf32, #tpu.memory_space<vmem>>, vector<1x128x128xf32>
    %get3A_415 = vector.shape_cast %get3A_414 : vector<1x128x128xf32> to vector<128x128xf32>
    %dot_general3A_416 = arith.constant dense<0.000000e+00> : vector<256x128xf32>
    %dot_general3A_417 = tpu.matmul %get3A_410, %get3A_415, %dot_general3A_416 {dimension_numbers = #tpu.dot_dimension_numbers<[1], [0], [0], [1], [0, 0, 1, 1], [], []>, transpose_lhs_hint = false} : vector<256x128xf32>, vector<128x128xf32>, vector<256x128xf32> -> vector<256x128xf32>
    %mul3A_418 = arith.mulf %mul3A_405, %dot_general3A_417 : vector<256x128xf32>
    %add3A_419 = arith.addf %add3A_403, %mul3A_418 : vector<256x128xf32>
    %mul3A_420 = arith.mulf %mul3A_54, %mul3A_79 : vector<256x128xf32>
    %mul3A_421 = arith.mulf %mul3A_420, %mul3A_115 : vector<256x128xf32>
    %get3A_422 = arith.constant 18 : index
    %get3A_423 = arith.constant 0 : index
    %get3A_424 = arith.constant 0 : index
    %get3A_425 = vector.load %arg1[%get3A_422, %get3A_423, %get3A_424] : memref<27x256x128xf32, #tpu.memory_space<vmem>>, vector<1x256x128xf32>
    %get3A_426 = vector.shape_cast %get3A_425 : vector<1x256x128xf32> to vector<256x128xf32>
    %get3A_427 = arith.constant 18 : index
    %get3A_428 = arith.constant 0 : index
    %get3A_429 = arith.constant 0 : index
    %get3A_430 = vector.load %arg3[%get3A_427, %get3A_428, %get3A_429] : memref<27x128x128xf32, #tpu.memory_space<vmem>>, vector<1x128x128xf32>
    %get3A_431 = vector.shape_cast %get3A_430 : vector<1x128x128xf32> to vector<128x128xf32>
    %dot_general3A_432 = arith.constant dense<0.000000e+00> : vector<256x128xf32>
    %dot_general3A_433 = tpu.matmul %get3A_426, %get3A_431, %dot_general3A_432 {dimension_numbers = #tpu.dot_dimension_numbers<[1], [0], [0], [1], [0, 0, 1, 1], [], []>, transpose_lhs_hint = false} : vector<256x128xf32>, vector<128x128xf32>, vector<256x128xf32> -> vector<256x128xf32>
    %mul3A_434 = arith.mulf %mul3A_421, %dot_general3A_433 : vector<256x128xf32>
    %add3A_435 = arith.addf %add3A_419, %mul3A_434 : vector<256x128xf32>
    %mul3A_436 = arith.mulf %mul3A_54, %mul3A_79 : vector<256x128xf32>
    %mul3A_437 = arith.mulf %mul3A_436, %sub3A_119 : vector<256x128xf32>
    %get3A_438 = arith.constant 19 : index
    %get3A_439 = arith.constant 0 : index
    %get3A_440 = arith.constant 0 : index
    %get3A_441 = vector.load %arg1[%get3A_438, %get3A_439, %get3A_440] : memref<27x256x128xf32, #tpu.memory_space<vmem>>, vector<1x256x128xf32>
    %get3A_442 = vector.shape_cast %get3A_441 : vector<1x256x128xf32> to vector<256x128xf32>
    %get3A_443 = arith.constant 19 : index
    %get3A_444 = arith.constant 0 : index
    %get3A_445 = arith.constant 0 : index
    %get3A_446 = vector.load %arg3[%get3A_443, %get3A_444, %get3A_445] : memref<27x128x128xf32, #tpu.memory_space<vmem>>, vector<1x128x128xf32>
    %get3A_447 = vector.shape_cast %get3A_446 : vector<1x128x128xf32> to vector<128x128xf32>
    %dot_general3A_448 = arith.constant dense<0.000000e+00> : vector<256x128xf32>
    %dot_general3A_449 = tpu.matmul %get3A_442, %get3A_447, %dot_general3A_448 {dimension_numbers = #tpu.dot_dimension_numbers<[1], [0], [0], [1], [0, 0, 1, 1], [], []>, transpose_lhs_hint = false} : vector<256x128xf32>, vector<128x128xf32>, vector<256x128xf32> -> vector<256x128xf32>
    %mul3A_450 = arith.mulf %mul3A_437, %dot_general3A_449 : vector<256x128xf32>
    %add3A_451 = arith.addf %add3A_435, %mul3A_450 : vector<256x128xf32>
    %mul3A_452 = arith.mulf %mul3A_54, %mul3A_79 : vector<256x128xf32>
    %mul3A_453 = arith.mulf %mul3A_452, %mul3A_126 : vector<256x128xf32>
    %get3A_454 = arith.constant 20 : index
    %get3A_455 = arith.constant 0 : index
    %get3A_456 = arith.constant 0 : index
    %get3A_457 = vector.load %arg1[%get3A_454, %get3A_455, %get3A_456] : memref<27x256x128xf32, #tpu.memory_space<vmem>>, vector<1x256x128xf32>
    %get3A_458 = vector.shape_cast %get3A_457 : vector<1x256x128xf32> to vector<256x128xf32>
    %get3A_459 = arith.constant 20 : index
    %get3A_460 = arith.constant 0 : index
    %get3A_461 = arith.constant 0 : index
    %get3A_462 = vector.load %arg3[%get3A_459, %get3A_460, %get3A_461] : memref<27x128x128xf32, #tpu.memory_space<vmem>>, vector<1x128x128xf32>
    %get3A_463 = vector.shape_cast %get3A_462 : vector<1x128x128xf32> to vector<128x128xf32>
    %dot_general3A_464 = arith.constant dense<0.000000e+00> : vector<256x128xf32>
    %dot_general3A_465 = tpu.matmul %get3A_458, %get3A_463, %dot_general3A_464 {dimension_numbers = #tpu.dot_dimension_numbers<[1], [0], [0], [1], [0, 0, 1, 1], [], []>, transpose_lhs_hint = false} : vector<256x128xf32>, vector<128x128xf32>, vector<256x128xf32> -> vector<256x128xf32>
    %mul3A_466 = arith.mulf %mul3A_453, %dot_general3A_465 : vector<256x128xf32>
    %add3A_467 = arith.addf %add3A_451, %mul3A_466 : vector<256x128xf32>
    %mul3A_468 = arith.mulf %mul3A_54, %sub3A_83 : vector<256x128xf32>
    %mul3A_469 = arith.mulf %mul3A_468, %mul3A_115 : vector<256x128xf32>
    %get3A_470 = arith.constant 21 : index
    %get3A_471 = arith.constant 0 : index
    %get3A_472 = arith.constant 0 : index
    %get3A_473 = vector.load %arg1[%get3A_470, %get3A_471, %get3A_472] : memref<27x256x128xf32, #tpu.memory_space<vmem>>, vector<1x256x128xf32>
    %get3A_474 = vector.shape_cast %get3A_473 : vector<1x256x128xf32> to vector<256x128xf32>
    %get3A_475 = arith.constant 21 : index
    %get3A_476 = arith.constant 0 : index
    %get3A_477 = arith.constant 0 : index
    %get3A_478 = vector.load %arg3[%get3A_475, %get3A_476, %get3A_477] : memref<27x128x128xf32, #tpu.memory_space<vmem>>, vector<1x128x128xf32>
    %get3A_479 = vector.shape_cast %get3A_478 : vector<1x128x128xf32> to vector<128x128xf32>
    %dot_general3A_480 = arith.constant dense<0.000000e+00> : vector<256x128xf32>
    %dot_general3A_481 = tpu.matmul %get3A_474, %get3A_479, %dot_general3A_480 {dimension_numbers = #tpu.dot_dimension_numbers<[1], [0], [0], [1], [0, 0, 1, 1], [], []>, transpose_lhs_hint = false} : vector<256x128xf32>, vector<128x128xf32>, vector<256x128xf32> -> vector<256x128xf32>
    %mul3A_482 = arith.mulf %mul3A_469, %dot_general3A_481 : vector<256x128xf32>
    %add3A_483 = arith.addf %add3A_467, %mul3A_482 : vector<256x128xf32>
    %mul3A_484 = arith.mulf %mul3A_54, %sub3A_83 : vector<256x128xf32>
    %mul3A_485 = arith.mulf %mul3A_484, %sub3A_119 : vector<256x128xf32>
    %get3A_486 = arith.constant 22 : index
    %get3A_487 = arith.constant 0 : index
    %get3A_488 = arith.constant 0 : index
    %get3A_489 = vector.load %arg1[%get3A_486, %get3A_487, %get3A_488] : memref<27x256x128xf32, #tpu.memory_space<vmem>>, vector<1x256x128xf32>
    %get3A_490 = vector.shape_cast %get3A_489 : vector<1x256x128xf32> to vector<256x128xf32>
    %get3A_491 = arith.constant 22 : index
    %get3A_492 = arith.constant 0 : index
    %get3A_493 = arith.constant 0 : index
    %get3A_494 = vector.load %arg3[%get3A_491, %get3A_492, %get3A_493] : memref<27x128x128xf32, #tpu.memory_space<vmem>>, vector<1x128x128xf32>
    %get3A_495 = vector.shape_cast %get3A_494 : vector<1x128x128xf32> to vector<128x128xf32>
    %dot_general3A_496 = arith.constant dense<0.000000e+00> : vector<256x128xf32>
    %dot_general3A_497 = tpu.matmul %get3A_490, %get3A_495, %dot_general3A_496 {dimension_numbers = #tpu.dot_dimension_numbers<[1], [0], [0], [1], [0, 0, 1, 1], [], []>, transpose_lhs_hint = false} : vector<256x128xf32>, vector<128x128xf32>, vector<256x128xf32> -> vector<256x128xf32>
    %mul3A_498 = arith.mulf %mul3A_485, %dot_general3A_497 : vector<256x128xf32>
    %add3A_499 = arith.addf %add3A_483, %mul3A_498 : vector<256x128xf32>
    %mul3A_500 = arith.mulf %mul3A_54, %sub3A_83 : vector<256x128xf32>
    %mul3A_501 = arith.mulf %mul3A_500, %mul3A_126 : vector<256x128xf32>
    %get3A_502 = arith.constant 23 : index
    %get3A_503 = arith.constant 0 : index
    %get3A_504 = arith.constant 0 : index
    %get3A_505 = vector.load %arg1[%get3A_502, %get3A_503, %get3A_504] : memref<27x256x128xf32, #tpu.memory_space<vmem>>, vector<1x256x128xf32>
    %get3A_506 = vector.shape_cast %get3A_505 : vector<1x256x128xf32> to vector<256x128xf32>
    %get3A_507 = arith.constant 23 : index
    %get3A_508 = arith.constant 0 : index
    %get3A_509 = arith.constant 0 : index
    %get3A_510 = vector.load %arg3[%get3A_507, %get3A_508, %get3A_509] : memref<27x128x128xf32, #tpu.memory_space<vmem>>, vector<1x128x128xf32>
    %get3A_511 = vector.shape_cast %get3A_510 : vector<1x128x128xf32> to vector<128x128xf32>
    %dot_general3A_512 = arith.constant dense<0.000000e+00> : vector<256x128xf32>
    %dot_general3A_513 = tpu.matmul %get3A_506, %get3A_511, %dot_general3A_512 {dimension_numbers = #tpu.dot_dimension_numbers<[1], [0], [0], [1], [0, 0, 1, 1], [], []>, transpose_lhs_hint = false} : vector<256x128xf32>, vector<128x128xf32>, vector<256x128xf32> -> vector<256x128xf32>
    %mul3A_514 = arith.mulf %mul3A_501, %dot_general3A_513 : vector<256x128xf32>
    %add3A_515 = arith.addf %add3A_499, %mul3A_514 : vector<256x128xf32>
    %mul3A_516 = arith.mulf %mul3A_54, %mul3A_90 : vector<256x128xf32>
    %mul3A_517 = arith.mulf %mul3A_516, %mul3A_115 : vector<256x128xf32>
    %get3A_518 = arith.constant 24 : index
    %get3A_519 = arith.constant 0 : index
    %get3A_520 = arith.constant 0 : index
    %get3A_521 = vector.load %arg1[%get3A_518, %get3A_519, %get3A_520] : memref<27x256x128xf32, #tpu.memory_space<vmem>>, vector<1x256x128xf32>
    %get3A_522 = vector.shape_cast %get3A_521 : vector<1x256x128xf32> to vector<256x128xf32>
    %get3A_523 = arith.constant 24 : index
    %get3A_524 = arith.constant 0 : index
    %get3A_525 = arith.constant 0 : index
    %get3A_526 = vector.load %arg3[%get3A_523, %get3A_524, %get3A_525] : memref<27x128x128xf32, #tpu.memory_space<vmem>>, vector<1x128x128xf32>
    %get3A_527 = vector.shape_cast %get3A_526 : vector<1x128x128xf32> to vector<128x128xf32>
    %dot_general3A_528 = arith.constant dense<0.000000e+00> : vector<256x128xf32>
    %dot_general3A_529 = tpu.matmul %get3A_522, %get3A_527, %dot_general3A_528 {dimension_numbers = #tpu.dot_dimension_numbers<[1], [0], [0], [1], [0, 0, 1, 1], [], []>, transpose_lhs_hint = false} : vector<256x128xf32>, vector<128x128xf32>, vector<256x128xf32> -> vector<256x128xf32>
    %mul3A_530 = arith.mulf %mul3A_517, %dot_general3A_529 : vector<256x128xf32>
    %add3A_531 = arith.addf %add3A_515, %mul3A_530 : vector<256x128xf32>
    %mul3A_532 = arith.mulf %mul3A_54, %mul3A_90 : vector<256x128xf32>
    %mul3A_533 = arith.mulf %mul3A_532, %sub3A_119 : vector<256x128xf32>
    %get3A_534 = arith.constant 25 : index
    %get3A_535 = arith.constant 0 : index
    %get3A_536 = arith.constant 0 : index
    %get3A_537 = vector.load %arg1[%get3A_534, %get3A_535, %get3A_536] : memref<27x256x128xf32, #tpu.memory_space<vmem>>, vector<1x256x128xf32>
    %get3A_538 = vector.shape_cast %get3A_537 : vector<1x256x128xf32> to vector<256x128xf32>
    %get3A_539 = arith.constant 25 : index
    %get3A_540 = arith.constant 0 : index
    %get3A_541 = arith.constant 0 : index
    %get3A_542 = vector.load %arg3[%get3A_539, %get3A_540, %get3A_541] : memref<27x128x128xf32, #tpu.memory_space<vmem>>, vector<1x128x128xf32>
    %get3A_543 = vector.shape_cast %get3A_542 : vector<1x128x128xf32> to vector<128x128xf32>
    %dot_general3A_544 = arith.constant dense<0.000000e+00> : vector<256x128xf32>
    %dot_general3A_545 = tpu.matmul %get3A_538, %get3A_543, %dot_general3A_544 {dimension_numbers = #tpu.dot_dimension_numbers<[1], [0], [0], [1], [0, 0, 1, 1], [], []>, transpose_lhs_hint = false} : vector<256x128xf32>, vector<128x128xf32>, vector<256x128xf32> -> vector<256x128xf32>
    %mul3A_546 = arith.mulf %mul3A_533, %dot_general3A_545 : vector<256x128xf32>
    %add3A_547 = arith.addf %add3A_531, %mul3A_546 : vector<256x128xf32>
    %mul3A_548 = arith.mulf %mul3A_54, %mul3A_90 : vector<256x128xf32>
    %mul3A_549 = arith.mulf %mul3A_548, %mul3A_126 : vector<256x128xf32>
    %get3A_550 = arith.constant 26 : index
    %get3A_551 = arith.constant 0 : index
    %get3A_552 = arith.constant 0 : index
    %get3A_553 = vector.load %arg1[%get3A_550, %get3A_551, %get3A_552] : memref<27x256x128xf32, #tpu.memory_space<vmem>>, vector<1x256x128xf32>
    %get3A_554 = vector.shape_cast %get3A_553 : vector<1x256x128xf32> to vector<256x128xf32>
    %get3A_555 = arith.constant 26 : index
    %get3A_556 = arith.constant 0 : index
    %get3A_557 = arith.constant 0 : index
    %get3A_558 = vector.load %arg3[%get3A_555, %get3A_556, %get3A_557] : memref<27x128x128xf32, #tpu.memory_space<vmem>>, vector<1x128x128xf32>
    %get3A_559 = vector.shape_cast %get3A_558 : vector<1x128x128xf32> to vector<128x128xf32>
    %dot_general3A_560 = arith.constant dense<0.000000e+00> : vector<256x128xf32>
    %dot_general3A_561 = tpu.matmul %get3A_554, %get3A_559, %dot_general3A_560 {dimension_numbers = #tpu.dot_dimension_numbers<[1], [0], [0], [1], [0, 0, 1, 1], [], []>, transpose_lhs_hint = false} : vector<256x128xf32>, vector<128x128xf32>, vector<256x128xf32> -> vector<256x128xf32>
    %mul3A_562 = arith.mulf %mul3A_549, %dot_general3A_561 : vector<256x128xf32>
    %add3A_563 = arith.addf %add3A_547, %mul3A_562 : vector<256x128xf32>
    %swap3A = arith.constant 0 : index
    %swap3A_564 = arith.constant 0 : index
    %swap3A_565 = vector.load %arg5[%swap3A, %swap3A_564] : memref<256x128xf32, #tpu.memory_space<vmem>>, vector<256x128xf32>
    tpu.vector_store %arg5[%swap3A, %swap3A_564], %add3A_563 {strides = array<i32>} : memref<256x128xf32, #tpu.memory_space<vmem>>, vector<256x128xf32>,
    return
  }
  func.func @transform_0(%arg0: i32) -> (i32, i32, i32) {
    %c0_i32 = arith.constant 0 : i32
    %c0_i32_0 = arith.constant 0 : i32
    %c0_i32_1 = arith.constant 0 : i32
    return %c0_i32, %arg0, %c0_i32_0 : i32, i32, i32
  }
  func.func @transform_1(%arg0: i32) -> (i32, i32, i32) {
    %c0_i32 = arith.constant 0 : i32
    %c0_i32_0 = arith.constant 0 : i32
    %c0_i32_1 = arith.constant 0 : i32
    return %c0_i32, %arg0, %c0_i32_0 : i32, i32, i32
  }
  func.func @transform_2(%arg0: i32) -> (i32, i32, i32) {
    %c0_i32 = arith.constant 0 : i32
    %c0_i32_0 = arith.constant 0 : i32
    %c0_i32_1 = arith.constant 0 : i32
    %c0_i32_2 = arith.constant 0 : i32
    return %c0_i32, %c0_i32_0, %c0_i32_1 : i32, i32, i32
  }
  func.func @transform_3(%arg0: i32) -> (i32, i32) {
    %c0_i32 = arith.constant 0 : i32
    %c0_i32_0 = arith.constant 0 : i32
    %c0_i32_1 = arith.constant 0 : i32
    return %c0_i32, %c0_i32_0 : i32, i32
  }
  func.func @transform_4(%arg0: i32) -> (i32, i32) {
    %c0_i32 = arith.constant 0 : i32
    %c0_i32_0 = arith.constant 0 : i32
    return %arg0, %c0_i32 : i32, i32
  }
}

</mosaic_0001>

<sc_bundles>
// kernel: kernel.5.cloned.1.call-start
scs
__scs_entry_jumppad:
0x0: {  	(pc) =	sbr.rel $0x88, $3  }
0x1: {  	(tag) =	ssettag $0x0;
	lr =	simm.s32 $0x1  }
0x2: {  	[smem:$0x3F9D] =	sst lr;
	_ =	strace $0xD0000000  }
0x3: {  	_ = 	snop  }
0x4: {  	_ = 	snop  }
0x5: {  	_ = 	snop  }
0x6: {  	_ = 	snop  }
0x7: {  	_ = 	snop  }
__scs_overlays_trampoline_lowered:
0x8: {  	[smem:$0x3FAC] =	sst s0  }
0x9: {  	[smem:$0x3FAD] =	sst s1  }
0xa: {  	[smem:$0x3FAE] =	sst s2  }
0xb: {  	[smem:$0x3FAF] =	sst s3  }
0xc: {  	[smem:$0x3FB0] =	sst s4  }
0xd: {  	[smem:$0x3FB1] =	sst s5  }
0xe: {  	[smem:$0x3FB2] =	sst s6  }
0xf: {  	[smem:$0x3FB3] =	sst s7  }
0x10: {  	[smem:$0x3FB4] =	sst s8  }
0x11: {  	[smem:$0x3FB5] =	sst s9;
	s0 =	simm.s32 @!p0 $0x0  }
0x12: {  	s1 =	sld [smem:$0x3F9B];
	s0 =	simm.s32 @p0 $0x1  }
0x13: {  	[smem:$0x3FB6] =	sst s0;
	s0 =	simm.s32 @!p1 $0x0  }
0x14: {  	s2 =	sld [smem:$0x3F9A];
	s0 =	simm.s32 @p1 $0x1  }
0x15: {  	[smem:$0x3FB7] =	sst s0;
	s0 =	simm.s32 @!p2 $0x0  }
0x16: {  	s3 =	sld [smem:$0x3FDB];
	s0 =	simm.s32 @p2 $0x1  }
0x17: {  	s4 =	simm.s32 $0x1BF5;
	[smem:$0x3FB9] =	sst s0  }
0x18: {  	s0 =	sld [smem:$0x3F9C];
	_ =	swait.ge [sflag:s4], $0x0  }
0x19: {  	s7 =	sld [smem:$0x3F9D]  }
0x1a: {  	s8 =	sadd.s32 $0xFFFFE003, lr  }
0x1b: {  	s9 =	sadd.s32 $0xFFFFFEF7, lr;
	s5 =	simm.s32 $0xFFFFFFFF;
	p2 =	slt.u32 s8, $0xFFFFF086  }
0x1c: {  	p1 =	slt.u32 s9, $0xF7A;
	s5 =	simm.s32 @!p2 $0x0  }
0x1d: {  	s5 =	simm.s32 @p1 $0x1;
	p0 =	seq.s32 s7, s2  }
0x1e: {  	s7 =	smul.u32 @!p0 $0xF7A, s2;
	p2 =	seq.s32 @!p0 s5, $0x0  }
0x1f: {  	s9 =	smul.u32 $0xF7A, s1;
	s8 =	simm.s32 @!p0 $0x1BF5;
	p2 =	por !p2, p0  }
0x20: {  	[sflag:s8] =	ssyncset.s32 @!p0 $0xFFFFF086;
	s6 =	sadd.s32 @!p0 s3, s7;
	s7 =	simm.s32 @!p0 $0x108  }
0x21: {  	s3 =	sadd.s32 s3, s9;
	s6 =	sadd.s32 @!p0 $0x88, s6;
	s7 =	simm.s32 @p2 $0x1082  }
0x22: {  	[simem:s7], [sflag:s8] =	dma.local @!p0 [hbm:s6], $0xF7A  }
0x23: {  	s9 =	sor.u32 $0xD0000000, s2;
	s6 =	simm.s32 $0x108;
	_ =	swait.ge @!p0 [sflag:s8], $0x0  }
0x24: {  	s3 =	sadd.s32 $0x88, s3;
	s6 =	simm.s32 @!p1 $0x1082;
	[sflag:s4] =	ssyncset.s32 $0xFFFFF086  }
0x25: {  	[simem:s6], [sflag:s4] =	dma.local [hbm:s3], $0xF7A  }
0x26: {  	[smem:$0x3F9D] =	sst s1;
	(tag) =	ssettag s2;
	_ =	strace s9  }
0x27: {  	s1 =	sld [smem:$0x3FAD]  }
0x28: {  	s2 =	sld [smem:$0x3FAE]  }
0x29: {  	s4 =	sld [smem:$0x3FB0]  }
0x2a: {  	p0 =	seq.s32 s5, $0x0;
	s5 =	sld [smem:$0x3FB1]  }
0x2b: {  	s6 =	sld [smem:$0x3FB2]  }
0x2c: {  	s7 =	sld [smem:$0x3FB3]  }
0x2d: {  	s3 =	simm.s32 $0x108;
	s8 =	sld [smem:$0x3FB4]  }
0x2e: {  	s3 =	simm.s32 @!p0 $0x1082;
	s9 =	sld [smem:$0x3FB5]  }
0x2f: {  	lr =	sadd.s32 s0, s3;
	s0 =	sld [smem:$0x3FAC]  }
0x30: {  	s3 =	sld [smem:$0x3FAF]  }
0x31: {  	[smem:$0x3FB8] =	sst s10  }
0x32: {  	s10 =	sld [smem:$0x3FB6];
	_ =	sdelay $0x3  }
0x33: {  	p0 =	seq.s32 s10, $0x1;
	s10 =	sld [smem:$0x3FB8];
	_ =	sdelay $0x3  }
0x34: {  	[smem:$0x3FB8] =	sst s10  }
0x35: {  	s10 =	sld [smem:$0x3FB7];
	_ =	sdelay $0x3  }
0x36: {  	p1 =	seq.s32 s10, $0x1;
	s10 =	sld [smem:$0x3FB8];
	_ =	sdelay $0x3  }
0x37: {  	[smem:$0x3FB8] =	sst s10  }
0x38: {  	s10 =	sld [smem:$0x3FB9]  }
0x39: {  	_ = 	snop;
	(pc) =	sbr.ind lr, $3  }
0x3a: {  	_ = 	snop  }
0x3b: {  	_ = 	snop  }
0x3c: {  	p2 =	seq.s32 s10, $0x1;
	s10 =	sld [smem:$0x3FB8]  }
0x3d: {  	_ =	shalt  }
0x3e: {  	_ =	shalt  }
0x3f: {  	_ =	shalt  }
0x40: {  	_ =	shalt  }
0x41: {  	_ =	shalt  }
0x42: {  	_ =	shalt  }
0x43: {  	_ =	shalt  }
0x44: {  	_ =	shalt  }
0x45: {  	_ =	shalt  }
0x46: {  	_ =	shalt  }
0x47: {  	_ =	shalt  }
0x48: {  	_ =	shalt  }
0x49: {  	_ =	shalt  }
0x4a: {  	_ =	shalt  }
0x4b: {  	_ =	shalt  }
0x4c: {  	_ =	shalt  }
0x4d: {  	_ =	shalt  }
0x4e: {  	_ =	shalt  }
0x4f: {  	_ =	shalt  }
0x50: {  	_ =	shalt  }
0x51: {  	_ =	shalt  }
0x52: {  	_ =	shalt  }
0x53: {  	_ =	shalt  }
0x54: {  	_ =	shalt  }
0x55: {  	_ =	shalt  }
0x56: {  	_ =	shalt  }
0x57: {  	_ =	shalt  }
0x58: {  	_ =	shalt  }
0x59: {  	_ =	shalt  }
0x5a: {  	_ =	shalt  }
0x5b: {  	_ =	shalt  }
0x5c: {  	_ =	shalt  }
0x5d: {  	_ =	shalt  }
0x5e: {  	_ =	shalt  }
0x5f: {  	_ =	shalt  }
0x60: {  	_ =	shalt  }
0x61: {  	_ =	shalt  }
0x62: {  	_ =	shalt  }
0x63: {  	_ =	shalt  }
0x64: {  	_ =	shalt  }
0x65: {  	_ =	shalt  }
0x66: {  	_ =	shalt  }
0x67: {  	_ =	shalt  }
0x68: {  	_ =	shalt  }
0x69: {  	_ =	shalt  }
0x6a: {  	_ =	shalt  }
0x6b: {  	_ =	shalt  }
0x6c: {  	_ =	shalt  }
0x6d: {  	_ =	shalt  }
0x6e: {  	_ =	shalt  }
0x6f: {  	_ =	shalt  }
0x70: {  	_ =	shalt  }
0x71: {  	_ =	shalt  }
0x72: {  	_ =	shalt  }
0x73: {  	_ =	shalt  }
0x74: {  	_ =	shalt  }
0x75: {  	_ =	shalt  }
0x76: {  	_ =	shalt  }
0x77: {  	_ =	shalt  }
0x78: {  	_ =	shalt  }
0x79: {  	_ =	shalt  }
0x7a: {  	_ =	shalt  }
0x7b: {  	_ =	shalt  }
0x7c: {  	_ =	shalt  }
0x7d: {  	_ =	shalt  }
0x7e: {  	_ =	shalt  }
0x7f: {  	_ =	shalt  }
0x80: {  	_ =	shalt  }
0x81: {  	_ =	shalt  }
0x82: {  	_ =	shalt  }
0x83: {  	_ =	shalt  }
0x84: {  	_ =	shalt  }
0x85: {  	_ =	shalt  }
0x86: {  	_ =	shalt  }
0x87: {  	_ =	shalt  }
.Lfunc_end0:
.L_simem_size_0:
called_computation.1_lowered:
.L_overlay_start_0:
0x88: {  	s2 =	sld [smem:$0x3FD9]  }
0x89: {  	s3 =	sld [smem:$0x3FFE];
	_ =	sdelay $0x1  }
0x8a: {  	s1 =	srdreg.scid  }
0x8b: {  	s0 =	sand.u32 $0x1, s1  }
0x8c: {  	s17 =	sshll.u32 s0, $0xA;
	s2 =	sadd.s32 s3, s2  }
0x8d: {  	s2 =	sadd.s32 s2, s17  }
0x8e: {  	[smem:$0x3FC4] =	sst s2  }
0x8f: {  	_ = 	snop  }
0x90: {  	s2 =	sld [smem:$0x3FD0];
	(tm) =	ssettm $0x1  }
0x91: {  	s18 =	sld [smem:$0x3FFB];
	_ =	sdelay $0x3  }
0x92: {  	_ =	strace s18  }
0x93: {  	s3 =	sld [smem:$0x3FFC];
	_ =	sdelay $0x3  }
0x94: {  	_ =	strace s3  }
0x95: {  	s3 =	sld [smem:$0x3FFD];
	_ =	sdelay $0x3  }
0x96: {  	_ =	strace s3  }
0x97: {  	_ =	strace $0x8FFFFFFF  }
0x98: {  	s19 =	sld [smem:$0x3FDB];
	_ =	sdelay $0x1  }
0x99: {  	s4 =	simm.s32 $_scs_section_size  }
0x9a: {  	s5 =	simm.s32 $_size__tile_overlayer_lowered;
	s6 =	simm.s32 $_tile_overlayer_lowered  }
0x9b: {  	s22 =	simm.s32 $0x1BFF;
	s21 =	sshll.u32 s6, $0x1;
	s3 =	sadd.s32 s4, s19  }
0x9c: {  	s7 =	simm.s32 $0x0;
	s20 =	sshll.u32 s5, $0x1;
	s5 =	sadd.s32 s21, s3  }
0x9d: {  	[timem:s7], [sflag:s22] =	dma.local [hbm:s5], s20  }
0x9e: {  	_ =	swait.ge [sflag:s22], s20  }
0x9f: {  	s4 =	ssub.s32 $0x0, s20;
	[sflag:s22] =	ssyncset.done $0x0  }
0xa0: {  	[sflag:s22] =	ssyncadd.s32 s4;
	_ =	sdelay $0x1  }
0xa1: {  	s23 =	simm.s32 $0x1B8B  }
0xa2: {  	_ =	swait.ge [sflag:s23], $0x1  }
0xa3: {  	[sflag:s23] =	ssyncset.done $0x0  }
0xa4: {  	s25 =	simm.s32 $0x1B8E;
	s24 =	sld [smem:$0x3FFE];
	[sflag:s23] =	ssyncadd.s32 $0xFFFFFFFF  }
0xa5: {  	s26 =	simm.s32 $execute0_lowered;
	[smem:$0x3FD2] =	sst s25  }
0xa6: {  	s5 =	sshll.u32 s26, $0x1;
	_ =	strace $0x80000049;
	[dreg:$0x1] =	wrdreg $0xFFFFFFFF  }
0xa7: {  	s28 =	simm.s32 $_size_execute0_lowered;
	s3 =	sadd.s32 s3, s5;
	[dreg:$0x0] =	wrdreg $0x0  }
0xa8: {  	s5 =	sshll.u32 s28, $0x1;
	[dreg:$0x2] =	wrdreg s3  }
0xa9: {  	[dreg:$0x3] =	wrdreg s5  }
0xaa: {  	[dreg:$0x4] =	wrdreg $0xC0  }
0xab: {  	_ =	task [dreg:s7], $0x5FFFF  }
0xac: {  	[dreg:$0x1] =	wrdreg $0xFFFFFFFF  }
0xad: {  	[dreg:$0x0] =	wrdreg $0x60  }
0xae: {  	[dreg:$0x2] =	wrdreg s24  }
0xaf: {  	[dreg:$0x3] =	wrdreg s2  }
0xb0: {  	[dreg:$0x4] =	wrdreg $0x9  }
0xb1: {  	_ =	task.clear_ibuf [dreg:s7], $0x5FFFF;
	_ =	strace $0x90000049  }
0xb2: {  	s29 =	simm.s32 $0x9;
	_ =	strace $0x8000004B  }
0xb3: {  	_ =	swait.ge [sflag:s29], $0x1  }
0xb4: {  	[sflag:s29] =	ssyncadd.s32 $0xFFFFFFFF  }
0xb5: {  	_ =	strace $0x9000004B  }
0xb6: {  	_ =	sfence  }
0xb7: {  	s30 =	sld [smem:$0x0];
	_ =	sdelay $0x2  }
0xb8: {  	s31 =	sshll.u32 s1, $0xD;
	s1 =	sshrl.u32 s1, $0x2  }
0xb9: {  	s3 =	sand.u32 $0x4000, s31;
	s1 =	sadd.s32 s1, s30  }
0xba: {  	s0 =	sor.u32 s3, s0;
	s1 =	sshll.u32 s1, $0x11  }
0xbb: {  	s0 =	sor.u32 s1, s0  }
0xbc: {  	s0 =	sadd.s32 $0x8F2B, s0  }
0xbd: {  	[sflag:s0] =	ssyncadd.remote.s32 $0x1  }
0xbe: {  	_ =	sfence.sel $0xFFFF  }
0xbf: {  	[dreg:$0x0] =	wrdreg $0xFFFFFFFF;
	(pc) =	sbr.abs _section_cstart, $3  }
0xc0: {  	[dreg:$0x1] =	wrdreg $0xFFFFFFFF  }
0xc1: {  	_ =	task.clear_ibuf [dreg:s7], $0x2FFFF;
	_ =	strace $0x9FFFFFFF  }
0xc2: {  	(tm) =	ssettm $0x7FFFFFFF  }
0xc3: {  	_ =	shalt  }
tec
execute0_lowered:
.L_overlay_start_1:
0x0: {  	(tag) =	ssettag $0x1  }
0x1: {  	s0 =	rddreg [dreg:$0x0]  }
0x2: {  	s8 =	rddreg [dreg:$0x1]  }
0x3: {  	s1 =	srdreg.scid;
	s2 =	stileid.u32  }
0x4: {  	s3 =	simm.s32 $0x0;
	s1 =	sand.u32 $0x1, s1;
	s2 =	smul.u32 $0x6400, s2  }
0x5: {  	[smem:$0x7FF] =	sst s3;
	s4 =	sadd.s32 $0x1033400, s0;
	s6 =	smul.u32 $0x4600, s1  }
0x6: {  	s5 =	sadd.s32 $0x1233400, s0;
	s7 =	ssub.s32 $0x2, s1;
	s1 =	smul.u32 $0xFFFFFFD8, s1  }
0x7: {  	_ =	strace $0x8000004A;
	s24 =	sshrl.u32 s7, $0x1;
	s6 =	sadd.s32 s6, s2  }
0x8: {  	s0 =	ssub.s32 s7, s24;
	s17 =	sadd.s32 $0x44, s1;
	[dreg:$0x3] =	wrdreg s6  }
0x9: {  	s2 =	sshrl.u32 s6, $0x3;
	s0 =	smax.u32 s0, $0x1;
	[dreg:$0x16] =	wrdreg s17  }
0xa: {  	s6 =	sshll.u32 s6, $0x1;
	s2 =	sadd.s32 s8, s2;
	[dreg:$0x6] =	wrdreg s0  }
0xb: {  	[dreg:$0x4] =	wrdreg s2;
	s2 =	sadd.s32 s5, s6  }
0xc: {  	s25 =	sadd.s32 $0xC8000, s2;
	[dreg:$0x5] =	wrdreg s2  }
0xd: {  	s26 =	sadd.s32 $0x190000, s2;
	[dreg:$0x7] =	wrdreg s25  }
0xe: {  	s29 =	sadd.s32 $0x258000, s2;
	[dreg:$0x8] =	wrdreg s26  }
0xf: {  	s30 =	sadd.s32 $0x320000, s2;
	[dreg:$0x9] =	wrdreg s29  }
0x10: {  	s6 =	sadd.s32 $0x3E8000, s2;
	[dreg:$0xa] =	wrdreg s30  }
0x11: {  	s7 =	sadd.s32 $0x4B0000, s2;
	[dreg:$0xb] =	wrdreg s6  }
0x12: {  	s8 =	sadd.s32 $0x578000, s2;
	[dreg:$0xc] =	wrdreg s7  }
0x13: {  	s9 =	sadd.s32 $0x640000, s2;
	[dreg:$0xd] =	wrdreg s8  }
0x14: {  	s10 =	sadd.s32 $0x708000, s2;
	[dreg:$0xe] =	wrdreg s9  }
0x15: {  	s11 =	sadd.s32 $0x7D0000, s2;
	[dreg:$0xf] =	wrdreg s10  }
0x16: {  	s12 =	sadd.s32 $0x898000, s2;
	[dreg:$0x10] =	wrdreg s11  }
0x17: {  	s13 =	sadd.s32 $0x960000, s2;
	[dreg:$0x11] =	wrdreg s12  }
0x18: {  	s14 =	sadd.s32 $0xA28000, s2;
	[dreg:$0x12] =	wrdreg s13  }
0x19: {  	s15 =	sadd.s32 $0xAF0000, s2;
	[dreg:$0x13] =	wrdreg s14  }
0x1a: {  	s16 =	sadd.s32 $0xBB8000, s2;
	[dreg:$0x14] =	wrdreg s15  }
0x1b: {  	s18 =	sadd.s32 $0xC80000, s2;
	[dreg:$0x15] =	wrdreg s16  }
0x1c: {  	s19 =	sadd.s32 $0xD48000, s2;
	[dreg:$0x17] =	wrdreg s18  }
0x1d: {  	s20 =	sadd.s32 $0xE10000, s2;
	[dreg:$0x18] =	wrdreg s19  }
0x1e: {  	s21 =	sadd.s32 $0xED8000, s2;
	[dreg:$0x19] =	wrdreg s20  }
0x1f: {  	s31 =	simm.s32 $0x18000;
	s22 =	sadd.s32 $0xFA0000, s2;
	[dreg:$0x1a] =	wrdreg s21  }
0x20: {  	s28 =	simm.s32 $0x0;
	s23 =	sadd.s32 $0x1068000, s2;
	[dreg:$0x1b] =	wrdreg s22  }
0x21: {  	s1 =	simm.s32 $0x0;
	s24 =	sadd.s32 $0x1130000, s2;
	[dreg:$0x1c] =	wrdreg s23  }
0x22: {  	[dreg:$0x1d] =	wrdreg s24;
	s25 =	sadd.s32 $0x11F8000, s2;
	s26 =	sadd.s32 $0x12C0000, s2  }
0x23: {  	s29 =	sadd.s32 $0x1388000, s2;
	s30 =	sadd.s32 $0x1450000, s2;
	s12 =	simm.s32 $0x100  }
0x24: {  	s14 =	simm.s32 $0x1;
	s9 =	simm.s32 $0x2;
	s21 =	simm.s32 $0x16000  }
0x25: {  	s13 =	simm.s32 $0x17000;
	s6 =	simm.s32 $0x19000;
	[dreg:$0x1e] =	wrdreg s25  }
0x26: {  	s16 =	simm.s32 $0x1B000;
	s18 =	simm.s32 $0x1C000;
	[dreg:$0x1f] =	wrdreg s26  }
0x27: {  	s20 =	simm.s32 $0x3;
	s22 =	simm.s32 $0x4;
	[smem:$0x7FC] =	sst s29  }
0x28: {  	s24 =	simm.s32 $0x5;
	[smem:$0x7FD] =	sst s30;
	s25 =	simm.s32 $0x1A000  }
.LBB2_1:
0x29: {  	[smem:$0x7FB] =	sst s1  }
0x2a: {  	s0 =	rddreg [dreg:$0x4];
	s30 =	simm.s32 $0x64000  }
0x2b: {  	[tilespmem:s3], [sflag:$0x1] =	stream.strided.gather [hbm4b:s0+s12], $0x400, s30, s12, $0x38;
	[tilespmem:$0x1D000] =	vst v63  }
0x2c: {  	_ =	swait.ge [sflag:s14], $0x400  }
0x2d: {  	[sflag:s14] =	ssyncset.done $0x0  }
0x2e: {  	s7 =	simm.s32 $0x0;
	[sflag:s14] =	ssyncadd.s32 $0xFFFFFC00  }
0x2f: {  	v0 =	vld [tilespmem:s7+$0x0];
	_ =	sdelay $0x1  }
0x30: {  	v1 =	vld [tilespmem:s7+$0x100];
	_ =	sdelay $0x1  }
0x31: {  	v2 =	vld [tilespmem:s7+$0x200]  }
0x32: {  	v3 =	vld [tilespmem:s7+$0x300];
	v0 =	vadd.f32 $5.000000000e-01, v0  }
0x33: {  	s0 =	simm.s32 $0x10  }
0x34: {  	v4 =	vld [tilespmem:s0+$0x100];
	v1 =	vadd.f32 $5.000000000e-01, v1;
	v0 =	vmul.f32 $3.200000000e+01, v0  }
0x35: {  	v5 =	vld [tilespmem:s0+$0x0]  }
0x36: {  	v2 =	vadd.f32 $5.000000000e-01, v2;
	v1 =	vmul.f32 $3.200000000e+01, v1;
	v0 =	vtrunc.f32 v0  }
0x37: {  	v6 =	vtrunc.f32 v3;
	v8 =	vcvt.f32.s32 v0;
	v0 =	vld [tilespmem:s0+$0x200]  }
0x38: {  	v7 =	vmul.f32 $3.200000000e+01, v2;
	v2 =	vld [tilespmem:s0+$0x300];
	v1 =	vtrunc.f32 v1  }
0x39: {  	v3 =	vadd.f32 $5.000000000e-01, v4;
	v6 =	vcvt.f32.s32 v6;
	v9 =	vcvt.f32.s32 v1  }
0x3a: {  	s2 =	simm.s32 $0x20;
	v4 =	vadd.f32 $5.000000000e-01, v5;
	v5 =	vtrunc.f32 v7;
	v7 =	vshll.u32 v8, $0xC  }
0x3b: {  	s11 =	simm.s32 $0xC0;
	v1 =	vld [tilespmem:s2+$0x100];
	v5 =	vcvt.f32.s32 v5;
	v6 =	vadd.s32 v6, v7;
	v7 =	vshll.u32 v9, $0x6  }
.LBB2_2:
0x3c: {  	p0 =	sne.s32 s11, $0x3C0;
	v8 =	vld [tilespmem:s2+$0x0];
	v4 =	vmul.f32 $3.200000000e+01, v4;
	v9 =	vadd.f32 $5.000000000e-01, v0;
	v0 =	vadd.s32 v7, v6  }
0x3d: {  	v3 =	vmul.f32 $3.200000000e+01, v3;
	v6 =	vtrunc.f32 v2;
	v2 =	vadd.s32 v5, v0  }
.Ltmp0:
0x3e: {  	v0 =	vld [tilespmem:s2+$0x200];
	v4 =	vtrunc.f32 v4;
	v5 =	vmul.f32 $3.200000000e+01, v9;
	[tilespmem:s7+$0x400] =	vst v2;
	s7 =	smov.u32 s0;
	s0 =	smov.u32 s2;
	(pc) =	sbr.rel @p0 .LBB2_2-.Ltmp0, $4  }
0x3f: {  	v2 =	vld [tilespmem:s0+$0x300];
	v7 =	vcvt.f32.s32 v4;
	v4 =	vtrunc.f32 v3  }
0x40: {  	v6 =	vcvt.f32.s32 v6;
	v3 =	vadd.f32 $5.000000000e-01, v1;
	v9 =	vcvt.f32.s32 v4  }
0x41: {  	s2 =	sshra.s32 s11, $0x2;
	v5 =	vtrunc.f32 v5;
	v4 =	vadd.f32 $5.000000000e-01, v8;
	v7 =	vshll.u32 v7, $0xC  }
0x42: {  	s11 =	sadd.s32 $0x40, s11;
	v5 =	vcvt.f32.s32 v5;
	v1 =	vld [tilespmem:s2+$0x100];
	v6 =	vadd.s32 v6, v7;
	v7 =	vshll.u32 v9, $0x6  }
0x43: {  	v8 =	vld [tilespmem:s2+$0x0]  }
0x44: {  	v6 =	vadd.s32 v7, v6;
	v4 =	vmul.f32 $3.200000000e+01, v4;
	v61 =	vld [tilespmem:s2+$0x200];
	v0 =	vadd.f32 $5.000000000e-01, v0  }
0x45: {  	v3 =	vmul.f32 $3.200000000e+01, v3;
	v5 =	vadd.s32 v5, v6;
	v2 =	vtrunc.f32 v2  }
0x46: {  	[tilespmem:s7+$0x400] =	vst v5;
	v4 =	vtrunc.f32 v4;
	v0 =	vmul.f32 $3.200000000e+01, v0  }
0x47: {  	v3 =	vtrunc.f32 v3;
	v2 =	vcvt.f32.s32 v2;
	v5 =	vld [tilespmem:s2+$0x300]  }
0x48: {  	v4 =	vcvt.f32.s32 v4;
	v3 =	vcvt.f32.s32 v3;
	v62 =	vadd.f32 $5.000000000e-01, v8  }
0x49: {  	v1 =	vadd.f32 $5.000000000e-01, v1;
	v0 =	vtrunc.f32 v0;
	v6 =	vadd.f32 $5.000000000e-01, v61  }
0x4a: {  	v0 =	vcvt.f32.s32 v0;
	v7 =	vmul.f32 $3.200000000e+01, v62  }
0x4b: {  	v1 =	vmul.f32 $3.200000000e+01, v1;
	v6 =	vmul.f32 $3.200000000e+01, v6  }
0x4c: {  	s26 =	simm.s32 $0x0;
	v4 =	vshll.u32 v4, $0xC;
	v5 =	vtrunc.f32 v5;
	v7 =	vtrunc.f32 v7  }
0x4d: {  	s11 =	smul.u32 $0xAB, s26;
	v3 =	vshll.u32 v3, $0x6;
	v1 =	vtrunc.f32 v1;
	v63 =	vcvt.f32.s32 v7  }
0x4e: {  	v2 =	vadd.s32 v2, v4;
	v1 =	vcvt.f32.s32 v1;
	v5 =	vcvt.f32.s32 v5  }
0x4f: {  	s11 =	sshrl.u32 s11, $0x9;
	v2 =	vadd.s32 v3, v2;
	v3 =	vtrunc.f32 v6;
	v4 =	vshll.u32 v63, $0xC  }
0x50: {  	s15 =	sand.u32 $0x7F, s11;
	v3 =	vcvt.f32.s32 v3;
	v1 =	vshll.u32 v1, $0x6;
	v4 =	vadd.s32 v5, v4  }
0x51: {  	s19 =	smul.u32 $0x56, s15;
	v0 =	vadd.s32 v0, v2;
	v1 =	vadd.s32 v1, v4  }
0x52: {  	s29 =	smul.u32 $0x3, s15;
	[tilespmem:s0+$0x400] =	vst v0;
	v0 =	vadd.s32 v3, v1  }
0x53: {  	s7 =	smul.u32 $0x1C8, s26;
	s30 =	sshrl.u32 s19, $0x8;
	[tilespmem:s2+$0x400] =	vst v0  }
0x54: {  	s0 =	ssub.s32 $0x0, s29;
	s2 =	sadd.s32 s30, s11;
	v0 =	vld [tilespmem:$0x400]  }
0x55: {  	s7 =	sand.u32 $0x7F000, s7;
	s0 =	sand.u32 $0xFF, s0;
	s2 =	sshll.u32 s2, $0x6  }
0x56: {  	s0 =	sor.u32 s7, s0;
	s2 =	sand.u32 $0xC0, s2  }
0x57: {  	s0 =	sor.u32 s2, s0  }
0x58: {  	s7 =	sadd.s32 $0xFFFFEFBF, s0  }
0x59: {  	s0 =	simm.s32 $0x580;
	v0 =	vadd.s32 s7, v0  }
0x5a: {  	[tilespmem:s0+$0xFFFFFF80] =	vst v0  }
0x5b: {  	v0 =	vld [tilespmem:$0x410];
	_ =	sdelay $0x4  }
0x5c: {  	v0 =	vadd.s32 s7, v0  }
0x5d: {  	[tilespmem:s0+$0xFFFFFF90] =	vst v0  }
0x5e: {  	v0 =	vld [tilespmem:$0x420];
	_ =	sdelay $0x4  }
0x5f: {  	v0 =	vadd.s32 s7, v0  }
0x60: {  	[tilespmem:s0+$0xFFFFFFA0] =	vst v0  }
0x61: {  	v0 =	vld [tilespmem:$0x430];
	_ =	sdelay $0x4  }
0x62: {  	v0 =	vadd.s32 s7, v0  }
0x63: {  	[tilespmem:s0+$0xFFFFFFB0] =	vst v0  }
0x64: {  	v0 =	vld [tilespmem:$0x440];
	_ =	sdelay $0x4  }
0x65: {  	v0 =	vadd.s32 s7, v0  }
0x66: {  	[tilespmem:s0+$0xFFFFFFC0] =	vst v0  }
0x67: {  	v0 =	vld [tilespmem:$0x450];
	_ =	sdelay $0x4  }
0x68: {  	v0 =	vadd.s32 s7, v0  }
0x69: {  	[tilespmem:s0+$0xFFFFFFD0] =	vst v0  }
0x6a: {  	v0 =	vld [tilespmem:$0x460];
	_ =	sdelay $0x4  }
0x6b: {  	v0 =	vadd.s32 s7, v0  }
0x6c: {  	[tilespmem:s0+$0xFFFFFFE0] =	vst v0  }
0x6d: {  	v0 =	vld [tilespmem:$0x470];
	_ =	sdelay $0x4  }
0x6e: {  	v0 =	vadd.s32 s7, v0  }
0x6f: {  	[tilespmem:s0+$0xFFFFFFF0] =	vst v0  }
0x70: {  	v0 =	vld [tilespmem:$0x480];
	_ =	sdelay $0x4  }
0x71: {  	v0 =	vadd.s32 s7, v0  }
0x72: {  	[tilespmem:s0+$0x0] =	vst v0  }
0x73: {  	v0 =	vld [tilespmem:$0x490];
	_ =	sdelay $0x4  }
0x74: {  	v0 =	vadd.s32 s7, v0  }
0x75: {  	[tilespmem:s0+$0x10] =	vst v0  }
0x76: {  	v0 =	vld [tilespmem:$0x4A0];
	_ =	sdelay $0x4  }
0x77: {  	v0 =	vadd.s32 s7, v0  }
0x78: {  	[tilespmem:s0+$0x20] =	vst v0  }
0x79: {  	v0 =	vld [tilespmem:$0x4B0];
	_ =	sdelay $0x4  }
0x7a: {  	v0 =	vadd.s32 s7, v0  }
0x7b: {  	[tilespmem:s0+$0x30] =	vst v0  }
0x7c: {  	v0 =	vld [tilespmem:$0x4C0];
	_ =	sdelay $0x4  }
0x7d: {  	v0 =	vadd.s32 s7, v0  }
0x7e: {  	[tilespmem:s0+$0x40] =	vst v0  }
0x7f: {  	v0 =	vld [tilespmem:$0x4D0];
	_ =	sdelay $0x4  }
0x80: {  	v0 =	vadd.s32 s7, v0  }
0x81: {  	[tilespmem:s0+$0x50] =	vst v0  }
0x82: {  	v0 =	vld [tilespmem:$0x4E0];
	_ =	sdelay $0x4  }
0x83: {  	v0 =	vadd.s32 s7, v0  }
0x84: {  	s2 =	simm.s32 $0x1;
	[tilespmem:s0+$0x60] =	vst v0  }
0x85: {  	s11 =	simm.s32 $0x2;
	s15 =	smul.u32 $0xAB, s2;
	v0 =	vld [tilespmem:$0x4F0]  }
.LBB2_4:
0x86: {  	p0 =	sne.s32 s11, $0x1A  }
0x87: {  	s15 =	sshrl.u32 s15, $0x9  }
0x88: {  	s19 =	sand.u32 $0x7F, s15  }
0x89: {  	s23 =	smul.u32 $0x56, s19  }
0x8a: {  	s19 =	smul.u32 $0x3, s19;
	v0 =	vadd.s32 s7, v0  }
0x8b: {  	s7 =	sshrl.u32 s23, $0x8;
	s23 =	smul.u32 $0x1C8, s2;
	[tilespmem:s0+$0x70] =	vst v0  }
0x8c: {  	s19 =	ssub.s32 s2, s19;
	s2 =	smov.u32 s11;
	s7 =	sadd.s32 s7, s15;
	v0 =	vld [tilespmem:$0x400]  }
0x8d: {  	s15 =	sand.u32 $0xFF, s19;
	s19 =	sand.u32 $0x7F000, s23;
	s7 =	sshll.u32 s7, $0x6  }
0x8e: {  	s7 =	sand.u32 $0xC0, s7;
	s15 =	sor.u32 s19, s15  }
0x8f: {  	s7 =	sor.u32 s7, s15  }
0x90: {  	s7 =	sadd.s32 $0xFFFFEFBF, s7  }
0x91: {  	s0 =	sadd.s32 $0x100, s0;
	v0 =	vadd.s32 s7, v0  }
0x92: {  	[tilespmem:s0+$0xFFFFFF80] =	vst v0  }
0x93: {  	v0 =	vld [tilespmem:$0x410];
	_ =	sdelay $0x4  }
0x94: {  	v0 =	vadd.s32 s7, v0  }
0x95: {  	[tilespmem:s0+$0xFFFFFF90] =	vst v0  }
0x96: {  	v0 =	vld [tilespmem:$0x420];
	_ =	sdelay $0x4  }
0x97: {  	v0 =	vadd.s32 s7, v0  }
0x98: {  	[tilespmem:s0+$0xFFFFFFA0] =	vst v0  }
0x99: {  	v0 =	vld [tilespmem:$0x430];
	_ =	sdelay $0x4  }
0x9a: {  	v0 =	vadd.s32 s7, v0  }
0x9b: {  	[tilespmem:s0+$0xFFFFFFB0] =	vst v0  }
0x9c: {  	v0 =	vld [tilespmem:$0x440];
	_ =	sdelay $0x4  }
0x9d: {  	v0 =	vadd.s32 s7, v0  }
0x9e: {  	[tilespmem:s0+$0xFFFFFFC0] =	vst v0  }
0x9f: {  	v0 =	vld [tilespmem:$0x450];
	_ =	sdelay $0x4  }
0xa0: {  	v0 =	vadd.s32 s7, v0  }
0xa1: {  	[tilespmem:s0+$0xFFFFFFD0] =	vst v0  }
0xa2: {  	v0 =	vld [tilespmem:$0x460];
	_ =	sdelay $0x4  }
0xa3: {  	v0 =	vadd.s32 s7, v0  }
0xa4: {  	[tilespmem:s0+$0xFFFFFFE0] =	vst v0  }
0xa5: {  	v0 =	vld [tilespmem:$0x470];
	_ =	sdelay $0x4  }
0xa6: {  	v0 =	vadd.s32 s7, v0  }
0xa7: {  	[tilespmem:s0+$0xFFFFFFF0] =	vst v0  }
0xa8: {  	v0 =	vld [tilespmem:$0x480];
	_ =	sdelay $0x4  }
0xa9: {  	v0 =	vadd.s32 s7, v0  }
0xaa: {  	[tilespmem:s0+$0x0] =	vst v0  }
0xab: {  	v0 =	vld [tilespmem:$0x490];
	_ =	sdelay $0x4  }
0xac: {  	v0 =	vadd.s32 s7, v0  }
0xad: {  	[tilespmem:s0+$0x10] =	vst v0  }
0xae: {  	v0 =	vld [tilespmem:$0x4A0];
	_ =	sdelay $0x4  }
0xaf: {  	v0 =	vadd.s32 s7, v0  }
0xb0: {  	[tilespmem:s0+$0x20] =	vst v0  }
0xb1: {  	v0 =	vld [tilespmem:$0x4B0];
	_ =	sdelay $0x4  }
0xb2: {  	v0 =	vadd.s32 s7, v0  }
0xb3: {  	[tilespmem:s0+$0x30] =	vst v0  }
0xb4: {  	v0 =	vld [tilespmem:$0x4C0];
	_ =	sdelay $0x4  }
0xb5: {  	v0 =	vadd.s32 s7, v0  }
0xb6: {  	[tilespmem:s0+$0x40] =	vst v0  }
0xb7: {  	v0 =	vld [tilespmem:$0x4D0];
	_ =	sdelay $0x4  }
0xb8: {  	v0 =	vadd.s32 s7, v0  }
0xb9: {  	[tilespmem:s0+$0x50] =	vst v0  }
0xba: {  	v0 =	vld [tilespmem:$0x4E0];
	_ =	sdelay $0x2  }
.Ltmp1:
0xbb: {  	(pc) =	sbr.rel @p0 .LBB2_4-.Ltmp1, $4  }
0xbc: {  	_ = 	snop  }
0xbd: {  	v0 =	vadd.s32 s7, v0  }
0xbe: {  	[tilespmem:s0+$0x60] =	vst v0  }
0xbf: {  	s11 =	sadd.s32 $0x1, s11;
	s15 =	smul.u32 $0xAB, s2;
	v0 =	vld [tilespmem:$0x4F0]  }
0xc0: {  	_ = 	snop  }
0xc1: {  	s11 =	sshrl.u32 s15, $0x9  }
0xc2: {  	s15 =	sand.u32 $0x7F, s11  }
0xc3: {  	s19 =	smul.u32 $0x56, s15  }
0xc4: {  	s15 =	smul.u32 $0x3, s15;
	v0 =	vadd.s32 s7, v0  }
0xc5: {  	s8 =	smul.u32 $0x1C8, s2;
	s1 =	sshrl.u32 s19, $0x8;
	[tilespmem:s0+$0x70] =	vst v0  }
0xc6: {  	s10 =	ssub.s32 s2, s15;
	s7 =	sadd.s32 s1, s11;
	v0 =	vld [tilespmem:$0x400]  }
0xc7: {  	s15 =	sand.u32 $0x7F000, s8;
	s2 =	sand.u32 $0xFF, s10;
	s7 =	sshll.u32 s7, $0x6  }
0xc8: {  	s2 =	sor.u32 s15, s2;
	s7 =	sand.u32 $0xC0, s7  }
0xc9: {  	s2 =	sor.u32 s7, s2  }
0xca: {  	s2 =	sadd.s32 $0xFFFFEFBF, s2  }
0xcb: {  	s17 =	sadd.s32 $0x100, s0;
	v0 =	vadd.s32 s2, v0  }
0xcc: {  	[tilespmem:s17+$0xFFFFFF80] =	vst v0  }
0xcd: {  	v0 =	vld [tilespmem:$0x410];
	_ =	sdelay $0x4  }
0xce: {  	v0 =	vadd.s32 s2, v0  }
0xcf: {  	[tilespmem:s17+$0xFFFFFF90] =	vst v0  }
0xd0: {  	v0 =	vld [tilespmem:$0x420];
	_ =	sdelay $0x4  }
0xd1: {  	v0 =	vadd.s32 s2, v0  }
0xd2: {  	[tilespmem:s17+$0xFFFFFFA0] =	vst v0  }
0xd3: {  	v0 =	vld [tilespmem:$0x430];
	_ =	sdelay $0x4  }
0xd4: {  	v0 =	vadd.s32 s2, v0  }
0xd5: {  	[tilespmem:s17+$0xFFFFFFB0] =	vst v0  }
0xd6: {  	v0 =	vld [tilespmem:$0x440];
	_ =	sdelay $0x4  }
0xd7: {  	v0 =	vadd.s32 s2, v0  }
0xd8: {  	[tilespmem:s17+$0xFFFFFFC0] =	vst v0  }
0xd9: {  	v0 =	vld [tilespmem:$0x450];
	_ =	sdelay $0x4  }
0xda: {  	v0 =	vadd.s32 s2, v0  }
0xdb: {  	[tilespmem:s17+$0xFFFFFFD0] =	vst v0  }
0xdc: {  	v0 =	vld [tilespmem:$0x460];
	_ =	sdelay $0x4  }
0xdd: {  	v0 =	vadd.s32 s2, v0  }
0xde: {  	[tilespmem:s17+$0xFFFFFFE0] =	vst v0  }
0xdf: {  	v0 =	vld [tilespmem:$0x470];
	_ =	sdelay $0x4  }
0xe0: {  	v0 =	vadd.s32 s2, v0  }
0xe1: {  	[tilespmem:s17+$0xFFFFFFF0] =	vst v0  }
0xe2: {  	v0 =	vld [tilespmem:$0x480];
	_ =	sdelay $0x4  }
0xe3: {  	v0 =	vadd.s32 s2, v0  }
0xe4: {  	[tilespmem:s17+$0x0] =	vst v0  }
0xe5: {  	v0 =	vld [tilespmem:$0x490];
	_ =	sdelay $0x4  }
0xe6: {  	v0 =	vadd.s32 s2, v0  }
0xe7: {  	[tilespmem:s17+$0x10] =	vst v0  }
0xe8: {  	v0 =	vld [tilespmem:$0x4A0];
	_ =	sdelay $0x4  }
0xe9: {  	v0 =	vadd.s32 s2, v0  }
0xea: {  	[tilespmem:s17+$0x20] =	vst v0  }
0xeb: {  	v0 =	vld [tilespmem:$0x4B0];
	_ =	sdelay $0x4  }
0xec: {  	v0 =	vadd.s32 s2, v0  }
0xed: {  	[tilespmem:s17+$0x30] =	vst v0  }
0xee: {  	v0 =	vld [tilespmem:$0x4C0];
	_ =	sdelay $0x4  }
0xef: {  	v0 =	vadd.s32 s2, v0  }
0xf0: {  	[tilespmem:s17+$0x40] =	vst v0  }
0xf1: {  	v0 =	vld [tilespmem:$0x4D0];
	_ =	sdelay $0x4  }
0xf2: {  	v0 =	vadd.s32 s2, v0  }
0xf3: {  	[tilespmem:s17+$0x50] =	vst v0  }
0xf4: {  	v0 =	vld [tilespmem:$0x4E0];
	_ =	sdelay $0x4  }
0xf5: {  	v0 =	vadd.s32 s2, v0  }
0xf6: {  	[tilespmem:s17+$0x60] =	vst v0  }
0xf7: {  	v0 =	vld [tilespmem:$0x4F0];
	_ =	sdelay $0x4  }
0xf8: {  	v0 =	vadd.s32 s2, v0  }
0xf9: {  	s19 =	simm.s32 $0x500;
	s1 =	simm.s32 $0x2000;
	[tilespmem:s17+$0x70] =	vst v0  }
0xfa: {  	[tilespmem:s1], [sflag:$0x2] =	stream.indirect.gather [hbm4b:s4+s12], $0x10, s19, s12, $0xb8;
	[tilespmem:$0x1D000] =	vst v63  }
0xfb: {  	s23 =	simm.s32 $0x600;
	s2 =	simm.s32 $0x3000  }
0xfc: {  	[tilespmem:s2], [sflag:$0x2] =	stream.indirect.gather [hbm4b:s4+s12], $0x10, s23, s12, $0xb8;
	[tilespmem:$0x1D000] =	vst v63  }
0xfd: {  	s26 =	simm.s32 $0x700;
	s7 =	simm.s32 $0x4000  }
0xfe: {  	[tilespmem:s7], [sflag:$0x2] =	stream.indirect.gather [hbm4b:s4+s12], $0x10, s26, s12, $0xb8;
	[tilespmem:$0x1D000] =	vst v63  }
0xff: {  	s29 =	simm.s32 $0x800;
	s11 =	simm.s32 $0x5000  }
0x100: {  	[tilespmem:s11], [sflag:$0x2] =	stream.indirect.gather [hbm4b:s4+s12], $0x10, s29, s12, $0xb8;
	[tilespmem:$0x1D000] =	vst v63  }
0x101: {  	s8 =	simm.s32 $0x900;
	s15 =	simm.s32 $0x6000  }
0x102: {  	[tilespmem:s15], [sflag:$0x2] =	stream.indirect.gather [hbm4b:s4+s12], $0x10, s8, s12, $0xb8;
	[tilespmem:$0x1D000] =	vst v63  }
0x103: {  	s10 =	simm.s32 $0xA00;
	s19 =	simm.s32 $0x7000  }
0x104: {  	[tilespmem:s19], [sflag:$0x2] =	stream.indirect.gather [hbm4b:s4+s12], $0x10, s10, s12, $0xb8;
	[tilespmem:$0x1D000] =	vst v63  }
0x105: {  	s17 =	simm.s32 $0xB00;
	s8 =	simm.s32 $0x8000  }
0x106: {  	[tilespmem:s8], [sflag:$0x2] =	stream.indirect.gather [hbm4b:s4+s12], $0x10, s17, s12, $0xb8;
	[tilespmem:$0x1D000] =	vst v63  }
0x107: {  	s23 =	simm.s32 $0xC00;
	s17 =	simm.s32 $0x9000  }
0x108: {  	[tilespmem:s17], [sflag:$0x2] =	stream.indirect.gather [hbm4b:s4+s12], $0x10, s23, s12, $0xb8;
	[tilespmem:$0x1D000] =	vst v63  }
0x109: {  	s26 =	simm.s32 $0xD00;
	s23 =	simm.s32 $0xA000  }
0x10a: {  	[tilespmem:s23], [sflag:$0x2] =	stream.indirect.gather [hbm4b:s4+s12], $0x10, s26, s12, $0xb8;
	[tilespmem:$0x1D000] =	vst v63  }
0x10b: {  	_ =	swait.ge [sflag:s9], $0x1000  }
0x10c: {  	[sflag:s9] =	ssyncset.done $0x0  }
0x10d: {  	[sflag:s9] =	ssyncadd.s32 $0xFFFFF000  }
0x10e: {  	_ =	swait.ge [sflag:s9], $0x1000  }
0x10f: {  	[sflag:s9] =	ssyncset.done $0x0  }
0x110: {  	[sflag:s9] =	ssyncadd.s32 $0xFFFFF000  }
0x111: {  	_ =	swait.ge [sflag:s9], $0x1000  }
0x112: {  	[sflag:s9] =	ssyncset.done $0x0  }
0x113: {  	[sflag:s9] =	ssyncadd.s32 $0xFFFFF000  }
0x114: {  	_ =	swait.ge [sflag:s9], $0x1000  }
0x115: {  	[sflag:s9] =	ssyncset.done $0x0  }
0x116: {  	[sflag:s9] =	ssyncadd.s32 $0xFFFFF000  }
0x117: {  	_ =	swait.ge [sflag:s9], $0x1000  }
0x118: {  	[sflag:s9] =	ssyncset.done $0x0  }
0x119: {  	[sflag:s9] =	ssyncadd.s32 $0xFFFFF000  }
0x11a: {  	_ =	swait.ge [sflag:s9], $0x1000  }
0x11b: {  	[sflag:s9] =	ssyncset.done $0x0  }
0x11c: {  	[sflag:s9] =	ssyncadd.s32 $0xFFFFF000  }
0x11d: {  	_ =	swait.ge [sflag:s9], $0x1000  }
0x11e: {  	[sflag:s9] =	ssyncset.done $0x0  }
0x11f: {  	[sflag:s9] =	ssyncadd.s32 $0xFFFFF000  }
0x120: {  	_ =	swait.ge [sflag:s9], $0x1000  }
0x121: {  	[sflag:s9] =	ssyncset.done $0x0  }
0x122: {  	[sflag:s9] =	ssyncadd.s32 $0xFFFFF000  }
0x123: {  	_ =	swait.ge [sflag:s9], $0x1000  }
0x124: {  	[sflag:s9] =	ssyncset.done $0x0  }
0x125: {  	s29 =	rddreg [dreg:$0x5];
	[sflag:s9] =	ssyncadd.s32 $0xFFFFF000  }
0x126: {  	[hbm4b:s29+s28] =	stream.linear.scatter [tilespmem:s1], [sflag:$0x3], $0x1000, $0x38;
	[tilespmem:$0x1D000] =	vst v63  }
0x127: {  	s1 =	rddreg [dreg:$0x7]  }
0x128: {  	[hbm4b:s1+s28] =	stream.linear.scatter [tilespmem:s2], [sflag:$0x3], $0x1000, $0x38;
	[tilespmem:$0x1D000] =	vst v63  }
0x129: {  	s2 =	rddreg [dreg:$0x8]  }
0x12a: {  	[hbm4b:s2+s28] =	stream.linear.scatter [tilespmem:s7], [sflag:$0x3], $0x1000, $0x38;
	[tilespmem:$0x1D000] =	vst v63  }
0x12b: {  	s10 =	rddreg [dreg:$0x9]  }
0x12c: {  	[hbm4b:s10+s28] =	stream.linear.scatter [tilespmem:s11], [sflag:$0x3], $0x1000, $0x38;
	[tilespmem:$0x1D000] =	vst v63  }
0x12d: {  	s11 =	rddreg [dreg:$0xa]  }
0x12e: {  	[hbm4b:s11+s28] =	stream.linear.scatter [tilespmem:s15], [sflag:$0x3], $0x1000, $0x38;
	[tilespmem:$0x1D000] =	vst v63  }
0x12f: {  	s26 =	rddreg [dreg:$0xb]  }
0x130: {  	[hbm4b:s26+s28] =	stream.linear.scatter [tilespmem:s19], [sflag:$0x3], $0x1000, $0x38;
	[tilespmem:$0x1D000] =	vst v63  }
0x131: {  	s29 =	rddreg [dreg:$0xc]  }
0x132: {  	[hbm4b:s29+s28] =	stream.linear.scatter [tilespmem:s8], [sflag:$0x3], $0x1000, $0x38;
	[tilespmem:$0x1D000] =	vst v63  }
0x133: {  	s1 =	rddreg [dreg:$0xd]  }
0x134: {  	[hbm4b:s1+s28] =	stream.linear.scatter [tilespmem:s17], [sflag:$0x3], $0x1000, $0x38;
	[tilespmem:$0x1D000] =	vst v63  }
0x135: {  	s2 =	rddreg [dreg:$0xe]  }
0x136: {  	[hbm4b:s2+s28] =	stream.linear.scatter [tilespmem:s23], [sflag:$0x3], $0x1000, $0x38;
	[tilespmem:$0x1D000] =	vst v63  }
0x137: {  	s7 =	simm.s32 $0xE00;
	s1 =	simm.s32 $0xB000  }
0x138: {  	[tilespmem:s1], [sflag:$0x2] =	stream.indirect.gather [hbm4b:s4+s12], $0x10, s7, s12, $0xb8;
	[tilespmem:$0x1D000] =	vst v63  }
0x139: {  	s8 =	simm.s32 $0xF00;
	s2 =	simm.s32 $0xC000  }
0x13a: {  	[tilespmem:s2], [sflag:$0x2] =	stream.indirect.gather [hbm4b:s4+s12], $0x10, s8, s12, $0xb8;
	[tilespmem:$0x1D000] =	vst v63  }
0x13b: {  	s10 =	simm.s32 $0x1000;
	s7 =	simm.s32 $0xD000  }
0x13c: {  	[tilespmem:s7], [sflag:$0x2] =	stream.indirect.gather [hbm4b:s4+s12], $0x10, s10, s12, $0xb8;
	[tilespmem:$0x1D000] =	vst v63  }
0x13d: {  	s11 =	simm.s32 $0x1100;
	s8 =	simm.s32 $0xE000  }
0x13e: {  	[tilespmem:s8], [sflag:$0x2] =	stream.indirect.gather [hbm4b:s4+s12], $0x10, s11, s12, $0xb8;
	[tilespmem:$0x1D000] =	vst v63  }
0x13f: {  	s15 =	simm.s32 $0x1200;
	s10 =	simm.s32 $0xF000  }
0x140: {  	[tilespmem:s10], [sflag:$0x2] =	stream.indirect.gather [hbm4b:s4+s12], $0x10, s15, s12, $0xb8;
	[tilespmem:$0x1D000] =	vst v63  }
0x141: {  	s17 =	simm.s32 $0x1300;
	s11 =	simm.s32 $0x10000  }
0x142: {  	[tilespmem:s11], [sflag:$0x2] =	stream.indirect.gather [hbm4b:s4+s12], $0x10, s17, s12, $0xb8;
	[tilespmem:$0x1D000] =	vst v63  }
0x143: {  	s19 =	simm.s32 $0x1400;
	s15 =	simm.s32 $0x11000  }
0x144: {  	[tilespmem:s15], [sflag:$0x2] =	stream.indirect.gather [hbm4b:s4+s12], $0x10, s19, s12, $0xb8;
	[tilespmem:$0x1D000] =	vst v63  }
0x145: {  	s23 =	simm.s32 $0x1500;
	s17 =	simm.s32 $0x12000  }
0x146: {  	[tilespmem:s17], [sflag:$0x2] =	stream.indirect.gather [hbm4b:s4+s12], $0x10, s23, s12, $0xb8;
	[tilespmem:$0x1D000] =	vst v63  }
0x147: {  	s26 =	simm.s32 $0x1600;
	s19 =	simm.s32 $0x13000  }
0x148: {  	[tilespmem:s19], [sflag:$0x2] =	stream.indirect.gather [hbm4b:s4+s12], $0x10, s26, s12, $0xb8;
	[tilespmem:$0x1D000] =	vst v63  }
0x149: {  	_ =	swait.ge [sflag:s9], $0x1000  }
0x14a: {  	[sflag:s9] =	ssyncset.done $0x0  }
0x14b: {  	[sflag:s9] =	ssyncadd.s32 $0xFFFFF000  }
0x14c: {  	_ =	swait.ge [sflag:s9], $0x1000  }
0x14d: {  	[sflag:s9] =	ssyncset.done $0x0  }
0x14e: {  	[sflag:s9] =	ssyncadd.s32 $0xFFFFF000  }
0x14f: {  	_ =	swait.ge [sflag:s9], $0x1000  }
0x150: {  	[sflag:s9] =	ssyncset.done $0x0  }
0x151: {  	[sflag:s9] =	ssyncadd.s32 $0xFFFFF000  }
0x152: {  	_ =	swait.ge [sflag:s9], $0x1000  }
0x153: {  	[sflag:s9] =	ssyncset.done $0x0  }
0x154: {  	[sflag:s9] =	ssyncadd.s32 $0xFFFFF000  }
0x155: {  	_ =	swait.ge [sflag:s9], $0x1000  }
0x156: {  	[sflag:s9] =	ssyncset.done $0x0  }
0x157: {  	[sflag:s9] =	ssyncadd.s32 $0xFFFFF000  }
0x158: {  	_ =	swait.ge [sflag:s9], $0x1000  }
0x159: {  	[sflag:s9] =	ssyncset.done $0x0  }
0x15a: {  	[sflag:s9] =	ssyncadd.s32 $0xFFFFF000  }
0x15b: {  	_ =	swait.ge [sflag:s9], $0x1000  }
0x15c: {  	[sflag:s9] =	ssyncset.done $0x0  }
0x15d: {  	[sflag:s9] =	ssyncadd.s32 $0xFFFFF000  }
0x15e: {  	_ =	swait.ge [sflag:s9], $0x1000  }
0x15f: {  	[sflag:s9] =	ssyncset.done $0x0  }
0x160: {  	[sflag:s9] =	ssyncadd.s32 $0xFFFFF000  }
0x161: {  	_ =	swait.ge [sflag:s9], $0x1000  }
0x162: {  	[sflag:s9] =	ssyncset.done $0x0  }
0x163: {  	s29 =	rddreg [dreg:$0xf];
	[sflag:s9] =	ssyncadd.s32 $0xFFFFF000  }
0x164: {  	[hbm4b:s29+s28] =	stream.linear.scatter [tilespmem:s1], [sflag:$0x4], $0x1000, $0x38;
	[tilespmem:$0x1D000] =	vst v63  }
0x165: {  	s1 =	rddreg [dreg:$0x10]  }
0x166: {  	[hbm4b:s1+s28] =	stream.linear.scatter [tilespmem:s2], [sflag:$0x4], $0x1000, $0x38;
	[tilespmem:$0x1D000] =	vst v63  }
0x167: {  	s2 =	rddreg [dreg:$0x11]  }
0x168: {  	[hbm4b:s2+s28] =	stream.linear.scatter [tilespmem:s7], [sflag:$0x4], $0x1000, $0x38;
	[tilespmem:$0x1D000] =	vst v63  }
0x169: {  	s7 =	rddreg [dreg:$0x12]  }
0x16a: {  	[hbm4b:s7+s28] =	stream.linear.scatter [tilespmem:s8], [sflag:$0x4], $0x1000, $0x38;
	[tilespmem:$0x1D000] =	vst v63  }
0x16b: {  	s8 =	rddreg [dreg:$0x13]  }
0x16c: {  	[hbm4b:s8+s28] =	stream.linear.scatter [tilespmem:s10], [sflag:$0x4], $0x1000, $0x38;
	[tilespmem:$0x1D000] =	vst v63  }
0x16d: {  	s10 =	rddreg [dreg:$0x14]  }
0x16e: {  	[hbm4b:s10+s28] =	stream.linear.scatter [tilespmem:s11], [sflag:$0x4], $0x1000, $0x38;
	[tilespmem:$0x1D000] =	vst v63  }
0x16f: {  	s23 =	rddreg [dreg:$0x15]  }
0x170: {  	[hbm4b:s23+s28] =	stream.linear.scatter [tilespmem:s15], [sflag:$0x4], $0x1000, $0x38;
	[tilespmem:$0x1D000] =	vst v63  }
0x171: {  	s26 =	rddreg [dreg:$0x17]  }
0x172: {  	[hbm4b:s26+s28] =	stream.linear.scatter [tilespmem:s17], [sflag:$0x4], $0x1000, $0x38;
	[tilespmem:$0x1D000] =	vst v63  }
0x173: {  	s29 =	rddreg [dreg:$0x18]  }
0x174: {  	[hbm4b:s29+s28] =	stream.linear.scatter [tilespmem:s19], [sflag:$0x4], $0x1000, $0x38;
	[tilespmem:$0x1D000] =	vst v63  }
0x175: {  	s1 =	simm.s32 $0x1700;
	s2 =	simm.s32 $0x14000  }
0x176: {  	[tilespmem:s2], [sflag:$0x2] =	stream.indirect.gather [hbm4b:s4+s12], $0x10, s1, s12, $0xb8;
	[tilespmem:$0x1D000] =	vst v63  }
0x177: {  	s10 =	simm.s32 $0x1800;
	s11 =	simm.s32 $0x15000  }
0x178: {  	[tilespmem:s11], [sflag:$0x2] =	stream.indirect.gather [hbm4b:s4+s12], $0x10, s10, s12, $0xb8;
	[tilespmem:$0x1D000] =	vst v63  }
0x179: {  	s15 =	simm.s32 $0x1900  }
0x17a: {  	[tilespmem:s21], [sflag:$0x2] =	stream.indirect.gather [hbm4b:s4+s12], $0x10, s15, s12, $0xb8;
	[tilespmem:$0x1D000] =	vst v63  }
0x17b: {  	s17 =	simm.s32 $0x1A00  }
0x17c: {  	[tilespmem:s13], [sflag:$0x2] =	stream.indirect.gather [hbm4b:s4+s12], $0x10, s17, s12, $0xb8;
	[tilespmem:$0x1D000] =	vst v63  }
0x17d: {  	s19 =	simm.s32 $0x1B00  }
0x17e: {  	[tilespmem:s31], [sflag:$0x2] =	stream.indirect.gather [hbm4b:s4+s12], $0x10, s19, s12, $0xb8;
	[tilespmem:$0x1D000] =	vst v63  }
0x17f: {  	s23 =	simm.s32 $0x1C00  }
0x180: {  	[tilespmem:s6], [sflag:$0x2] =	stream.indirect.gather [hbm4b:s4+s12], $0x10, s23, s12, $0xb8;
	[tilespmem:$0x1D000] =	vst v63  }
0x181: {  	s26 =	simm.s32 $0x1D00  }
0x182: {  	[tilespmem:s25], [sflag:$0x2] =	stream.indirect.gather [hbm4b:s4+s12], $0x10, s26, s12, $0xb8;
	[tilespmem:$0x1D000] =	vst v63  }
0x183: {  	s29 =	simm.s32 $0x1E00  }
0x184: {  	[tilespmem:s16], [sflag:$0x2] =	stream.indirect.gather [hbm4b:s4+s12], $0x10, s29, s12, $0xb8;
	[tilespmem:$0x1D000] =	vst v63  }
0x185: {  	s7 =	simm.s32 $0x1F00  }
0x186: {  	[tilespmem:s18], [sflag:$0x2] =	stream.indirect.gather [hbm4b:s4+s12], $0x10, s7, s12, $0xb8;
	[tilespmem:$0x1D000] =	vst v63  }
0x187: {  	_ =	swait.ge [sflag:s9], $0x1000  }
0x188: {  	[sflag:s9] =	ssyncset.done $0x0  }
0x189: {  	[sflag:s9] =	ssyncadd.s32 $0xFFFFF000  }
0x18a: {  	_ =	swait.ge [sflag:s9], $0x1000  }
0x18b: {  	[sflag:s9] =	ssyncset.done $0x0  }
0x18c: {  	[sflag:s9] =	ssyncadd.s32 $0xFFFFF000  }
0x18d: {  	_ =	swait.ge [sflag:s9], $0x1000  }
0x18e: {  	[sflag:s9] =	ssyncset.done $0x0  }
0x18f: {  	[sflag:s9] =	ssyncadd.s32 $0xFFFFF000  }
0x190: {  	_ =	swait.ge [sflag:s9], $0x1000  }
0x191: {  	[sflag:s9] =	ssyncset.done $0x0  }
0x192: {  	[sflag:s9] =	ssyncadd.s32 $0xFFFFF000  }
0x193: {  	_ =	swait.ge [sflag:s9], $0x1000  }
0x194: {  	[sflag:s9] =	ssyncset.done $0x0  }
0x195: {  	[sflag:s9] =	ssyncadd.s32 $0xFFFFF000  }
0x196: {  	_ =	swait.ge [sflag:s9], $0x1000  }
0x197: {  	[sflag:s9] =	ssyncset.done $0x0  }
0x198: {  	[sflag:s9] =	ssyncadd.s32 $0xFFFFF000  }
0x199: {  	_ =	swait.ge [sflag:s9], $0x1000  }
0x19a: {  	[sflag:s9] =	ssyncset.done $0x0  }
0x19b: {  	[sflag:s9] =	ssyncadd.s32 $0xFFFFF000  }
0x19c: {  	_ =	swait.ge [sflag:s9], $0x1000  }
0x19d: {  	[sflag:s9] =	ssyncset.done $0x0  }
0x19e: {  	[sflag:s9] =	ssyncadd.s32 $0xFFFFF000  }
0x19f: {  	_ =	swait.ge [sflag:s9], $0x1000  }
0x1a0: {  	[sflag:s9] =	ssyncset.done $0x0;
	s8 =	rddreg [dreg:$0x19]  }
0x1a1: {  	s10 =	rddreg [dreg:$0x1a];
	[sflag:s9] =	ssyncadd.s32 $0xFFFFF000  }
0x1a2: {  	[hbm4b:s8+s28] =	stream.linear.scatter [tilespmem:s2], [sflag:$0x5], $0x1000, $0x38;
	[tilespmem:$0x1D000] =	vst v63  }
0x1a3: {  	s15 =	rddreg [dreg:$0x1c]  }
0x1a4: {  	[hbm4b:s10+s28] =	stream.linear.scatter [tilespmem:s11], [sflag:$0x5], $0x1000, $0x38;
	[tilespmem:$0x1D000] =	vst v63  }
0x1a5: {  	s11 =	rddreg [dreg:$0x1b]  }
0x1a6: {  	[hbm4b:s11+s28] =	stream.linear.scatter [tilespmem:s21], [sflag:$0x5], $0x1000, $0x38;
	[tilespmem:$0x1D000] =	vst v63  }
0x1a7: {  	s17 =	rddreg [dreg:$0x1d]  }
0x1a8: {  	[hbm4b:s15+s28] =	stream.linear.scatter [tilespmem:s13], [sflag:$0x5], $0x1000, $0x38;
	[tilespmem:$0x1D000] =	vst v63  }
0x1a9: {  	s19 =	rddreg [dreg:$0x1e]  }
0x1aa: {  	[hbm4b:s17+s28] =	stream.linear.scatter [tilespmem:s31], [sflag:$0x5], $0x1000, $0x38;
	[tilespmem:$0x1D000] =	vst v63  }
0x1ab: {  	s23 =	rddreg [dreg:$0x1f]  }
0x1ac: {  	[hbm4b:s19+s28] =	stream.linear.scatter [tilespmem:s6], [sflag:$0x5], $0x1000, $0x38;
	[tilespmem:$0x1D000] =	vst v63  }
0x1ad: {  	s26 =	sld [smem:$0x7FC]  }
0x1ae: {  	[hbm4b:s23+s28] =	stream.linear.scatter [tilespmem:s25], [sflag:$0x5], $0x1000, $0x38;
	[tilespmem:$0x1D000] =	vst v63  }
0x1af: {  	s29 =	sld [smem:$0x7FD]  }
0x1b0: {  	[hbm4b:s26+s28] =	stream.linear.scatter [tilespmem:s16], [sflag:$0x5], $0x1000, $0x38;
	[tilespmem:$0x1D000] =	vst v63  }
0x1b1: {  	s30 =	simm.s32 $0x0  }
0x1b2: {  	[hbm4b:s29+s28] =	stream.linear.scatter [tilespmem:s18], [sflag:$0x5], $0x1000, $0x38;
	[tilespmem:$0x1D000] =	vst v63  }
.LBB2_6:
0x1b3: {  	s0 =	sadd.s32 $0x1, s30  }
0x1b4: {  	s1 =	rddreg [dreg:$0x3];
	s2 =	sshll.u32 s0, $0x8  }
0x1b5: {  	s7 =	sadd.s32 s1, s2  }
0x1b6: {  	s26 =	rddreg [dreg:$0x1];
	s2 =	sshrl.u32 s7, $0x3  }
0x1b7: {  	s29 =	simm.s32 $0x64000;
	s2 =	sadd.s32 s26, s2  }
0x1b8: {  	[tilespmem:s28], [sflag:$0x1] =	stream.strided.gather [hbm4b:s2+s12], $0x400, s29, s12, $0x38;
	[tilespmem:$0x1D000] =	vst v63  }
0x1b9: {  	_ =	swait.ge [sflag:s14], $0x400  }
0x1ba: {  	[sflag:s14] =	ssyncset.done $0x0  }
0x1bb: {  	s15 =	simm.s32 $0x0;
	[sflag:s14] =	ssyncadd.s32 $0xFFFFFC00  }
0x1bc: {  	v0 =	vld [tilespmem:s15+$0x0];
	_ =	sdelay $0x1  }
0x1bd: {  	v1 =	vld [tilespmem:s15+$0x100];
	_ =	sdelay $0x1  }
0x1be: {  	v2 =	vld [tilespmem:s15+$0x200]  }
0x1bf: {  	v3 =	vld [tilespmem:s15+$0x300];
	v0 =	vadd.f32 $5.000000000e-01, v0  }
0x1c0: {  	s2 =	simm.s32 $0x10  }
0x1c1: {  	v4 =	vld [tilespmem:s2+$0x100];
	v1 =	vadd.f32 $5.000000000e-01, v1;
	v0 =	vmul.f32 $3.200000000e+01, v0  }
0x1c2: {  	v5 =	vld [tilespmem:s2+$0x0]  }
0x1c3: {  	v2 =	vadd.f32 $5.000000000e-01, v2;
	v1 =	vmul.f32 $3.200000000e+01, v1;
	v0 =	vtrunc.f32 v0  }
0x1c4: {  	v6 =	vtrunc.f32 v3;
	v8 =	vcvt.f32.s32 v0;
	v0 =	vld [tilespmem:s2+$0x200]  }
0x1c5: {  	v7 =	vmul.f32 $3.200000000e+01, v2;
	v2 =	vld [tilespmem:s2+$0x300];
	v1 =	vtrunc.f32 v1  }
0x1c6: {  	v3 =	vadd.f32 $5.000000000e-01, v4;
	v6 =	vcvt.f32.s32 v6;
	v9 =	vcvt.f32.s32 v1  }
0x1c7: {  	s11 =	simm.s32 $0x20;
	v4 =	vadd.f32 $5.000000000e-01, v5;
	v5 =	vtrunc.f32 v7;
	v7 =	vshll.u32 v8, $0xC  }
0x1c8: {  	s19 =	simm.s32 $0xC0;
	v1 =	vld [tilespmem:s11+$0x100];
	v5 =	vcvt.f32.s32 v5;
	v6 =	vadd.s32 v6, v7;
	v7 =	vshll.u32 v9, $0x6  }
.LBB2_7:
0x1c9: {  	p0 =	sne.s32 s19, $0x3C0;
	v8 =	vld [tilespmem:s11+$0x0];
	v4 =	vmul.f32 $3.200000000e+01, v4;
	v9 =	vadd.f32 $5.000000000e-01, v0;
	v0 =	vadd.s32 v7, v6  }
0x1ca: {  	v3 =	vmul.f32 $3.200000000e+01, v3;
	v6 =	vtrunc.f32 v2;
	v2 =	vadd.s32 v5, v0  }
.Ltmp2:
0x1cb: {  	v0 =	vld [tilespmem:s11+$0x200];
	v4 =	vtrunc.f32 v4;
	v5 =	vmul.f32 $3.200000000e+01, v9;
	[tilespmem:s15+$0x400] =	vst v2;
	s15 =	smov.u32 s2;
	s2 =	smov.u32 s11;
	(pc) =	sbr.rel @p0 .LBB2_7-.Ltmp2, $4  }
0x1cc: {  	v2 =	vld [tilespmem:s2+$0x300];
	v7 =	vcvt.f32.s32 v4;
	v4 =	vtrunc.f32 v3  }
0x1cd: {  	v6 =	vcvt.f32.s32 v6;
	v3 =	vadd.f32 $5.000000000e-01, v1;
	v9 =	vcvt.f32.s32 v4  }
0x1ce: {  	s11 =	sshra.s32 s19, $0x2;
	v5 =	vtrunc.f32 v5;
	v4 =	vadd.f32 $5.000000000e-01, v8;
	v7 =	vshll.u32 v7, $0xC  }
0x1cf: {  	s19 =	sadd.s32 $0x40, s19;
	v5 =	vcvt.f32.s32 v5;
	v1 =	vld [tilespmem:s11+$0x100];
	v6 =	vadd.s32 v6, v7;
	v7 =	vshll.u32 v9, $0x6  }
0x1d0: {  	v8 =	vld [tilespmem:s11+$0x0]  }
0x1d1: {  	v6 =	vadd.s32 v7, v6;
	v4 =	vmul.f32 $3.200000000e+01, v4;
	v61 =	vld [tilespmem:s11+$0x200];
	v0 =	vadd.f32 $5.000000000e-01, v0  }
0x1d2: {  	v3 =	vmul.f32 $3.200000000e+01, v3;
	v5 =	vadd.s32 v5, v6;
	v2 =	vtrunc.f32 v2  }
0x1d3: {  	[tilespmem:s15+$0x400] =	vst v5;
	v4 =	vtrunc.f32 v4;
	v0 =	vmul.f32 $3.200000000e+01, v0  }
0x1d4: {  	v3 =	vtrunc.f32 v3;
	v2 =	vcvt.f32.s32 v2;
	v5 =	vld [tilespmem:s11+$0x300]  }
0x1d5: {  	v4 =	vcvt.f32.s32 v4;
	v3 =	vcvt.f32.s32 v3;
	v62 =	vadd.f32 $5.000000000e-01, v8  }
0x1d6: {  	v1 =	vadd.f32 $5.000000000e-01, v1;
	v0 =	vtrunc.f32 v0;
	v6 =	vadd.f32 $5.000000000e-01, v61  }
0x1d7: {  	v0 =	vcvt.f32.s32 v0;
	v7 =	vmul.f32 $3.200000000e+01, v62  }
0x1d8: {  	v1 =	vmul.f32 $3.200000000e+01, v1;
	v6 =	vmul.f32 $3.200000000e+01, v6  }
0x1d9: {  	s17 =	simm.s32 $0x0;
	v4 =	vshll.u32 v4, $0xC;
	v5 =	vtrunc.f32 v5;
	v7 =	vtrunc.f32 v7  }
0x1da: {  	s19 =	smul.u32 $0xAB, s17;
	v3 =	vshll.u32 v3, $0x6;
	v1 =	vtrunc.f32 v1;
	v63 =	vcvt.f32.s32 v7  }
0x1db: {  	v2 =	vadd.s32 v2, v4;
	v1 =	vcvt.f32.s32 v1;
	v5 =	vcvt.f32.s32 v5  }
0x1dc: {  	s19 =	sshrl.u32 s19, $0x9;
	v2 =	vadd.s32 v3, v2;
	v3 =	vtrunc.f32 v6;
	v4 =	vshll.u32 v63, $0xC  }
0x1dd: {  	s23 =	sand.u32 $0x7F, s19;
	v3 =	vcvt.f32.s32 v3;
	v1 =	vshll.u32 v1, $0x6;
	v4 =	vadd.s32 v5, v4  }
0x1de: {  	s29 =	smul.u32 $0x56, s23;
	v0 =	vadd.s32 v0, v2;
	v1 =	vadd.s32 v1, v4  }
0x1df: {  	s26 =	smul.u32 $0x3, s23;
	[tilespmem:s2+$0x400] =	vst v0;
	v0 =	vadd.s32 v3, v1  }
0x1e0: {  	s15 =	smul.u32 $0x1C8, s17;
	s29 =	sshrl.u32 s29, $0x8;
	[tilespmem:s11+$0x400] =	vst v0  }
0x1e1: {  	s2 =	ssub.s32 $0x0, s26;
	s11 =	sadd.s32 s29, s19;
	v0 =	vld [tilespmem:$0x400]  }
0x1e2: {  	s15 =	sand.u32 $0x7F000, s15;
	s2 =	sand.u32 $0xFF, s2;
	s11 =	sshll.u32 s11, $0x6  }
0x1e3: {  	s2 =	sor.u32 s15, s2;
	s11 =	sand.u32 $0xC0, s11  }
0x1e4: {  	s2 =	sor.u32 s11, s2  }
0x1e5: {  	s2 =	sadd.s32 $0xFFFFEFBF, s2  }
0x1e6: {  	s11 =	simm.s32 $0x580;
	v0 =	vadd.s32 s2, v0  }
0x1e7: {  	[tilespmem:s11+$0xFFFFFF80] =	vst v0  }
0x1e8: {  	v0 =	vld [tilespmem:$0x410];
	_ =	sdelay $0x4  }
0x1e9: {  	v0 =	vadd.s32 s2, v0  }
0x1ea: {  	[tilespmem:s11+$0xFFFFFF90] =	vst v0  }
0x1eb: {  	v0 =	vld [tilespmem:$0x420];
	_ =	sdelay $0x4  }
0x1ec: {  	v0 =	vadd.s32 s2, v0  }
0x1ed: {  	[tilespmem:s11+$0xFFFFFFA0] =	vst v0  }
0x1ee: {  	v0 =	vld [tilespmem:$0x430];
	_ =	sdelay $0x4  }
0x1ef: {  	v0 =	vadd.s32 s2, v0  }
0x1f0: {  	[tilespmem:s11+$0xFFFFFFB0] =	vst v0  }
0x1f1: {  	v0 =	vld [tilespmem:$0x440];
	_ =	sdelay $0x4  }
0x1f2: {  	v0 =	vadd.s32 s2, v0  }
0x1f3: {  	[tilespmem:s11+$0xFFFFFFC0] =	vst v0  }
0x1f4: {  	v0 =	vld [tilespmem:$0x450];
	_ =	sdelay $0x4  }
0x1f5: {  	v0 =	vadd.s32 s2, v0  }
0x1f6: {  	[tilespmem:s11+$0xFFFFFFD0] =	vst v0  }
0x1f7: {  	v0 =	vld [tilespmem:$0x460];
	_ =	sdelay $0x4  }
0x1f8: {  	v0 =	vadd.s32 s2, v0  }
0x1f9: {  	[tilespmem:s11+$0xFFFFFFE0] =	vst v0  }
0x1fa: {  	v0 =	vld [tilespmem:$0x470];
	_ =	sdelay $0x4  }
0x1fb: {  	v0 =	vadd.s32 s2, v0  }
0x1fc: {  	[tilespmem:s11+$0xFFFFFFF0] =	vst v0  }
0x1fd: {  	v0 =	vld [tilespmem:$0x480];
	_ =	sdelay $0x4  }
0x1fe: {  	v0 =	vadd.s32 s2, v0  }
0x1ff: {  	[tilespmem:s11+$0x0] =	vst v0  }
0x200: {  	v0 =	vld [tilespmem:$0x490];
	_ =	sdelay $0x4  }
0x201: {  	v0 =	vadd.s32 s2, v0  }
0x202: {  	[tilespmem:s11+$0x10] =	vst v0  }
0x203: {  	v0 =	vld [tilespmem:$0x4A0];
	_ =	sdelay $0x4  }
0x204: {  	v0 =	vadd.s32 s2, v0  }
0x205: {  	[tilespmem:s11+$0x20] =	vst v0  }
0x206: {  	v0 =	vld [tilespmem:$0x4B0];
	_ =	sdelay $0x4  }
0x207: {  	v0 =	vadd.s32 s2, v0  }
0x208: {  	[tilespmem:s11+$0x30] =	vst v0  }
0x209: {  	v0 =	vld [tilespmem:$0x4C0];
	_ =	sdelay $0x4  }
0x20a: {  	v0 =	vadd.s32 s2, v0  }
0x20b: {  	[tilespmem:s11+$0x40] =	vst v0  }
0x20c: {  	v0 =	vld [tilespmem:$0x4D0];
	_ =	sdelay $0x4  }
0x20d: {  	v0 =	vadd.s32 s2, v0  }
0x20e: {  	[tilespmem:s11+$0x50] =	vst v0  }
0x20f: {  	v0 =	vld [tilespmem:$0x4E0];
	_ =	sdelay $0x4  }
0x210: {  	v0 =	vadd.s32 s2, v0  }
0x211: {  	s15 =	simm.s32 $0x1;
	[tilespmem:s11+$0x60] =	vst v0  }
0x212: {  	s23 =	smul.u32 $0xAB, s15;
	s19 =	simm.s32 $0x2;
	v0 =	vld [tilespmem:$0x4F0]  }
.LBB2_9:
0x213: {  	p0 =	sne.s32 s19, $0x1A  }
0x214: {  	s23 =	sshrl.u32 s23, $0x9  }
0x215: {  	s29 =	sand.u32 $0x7F, s23  }
0x216: {  	s1 =	smul.u32 $0x56, s29  }
0x217: {  	s29 =	smul.u32 $0x3, s29;
	v0 =	vadd.s32 s2, v0  }
0x218: {  	s2 =	smul.u32 $0x1C8, s15;
	s1 =	sshrl.u32 s1, $0x8;
	[tilespmem:s11+$0x70] =	vst v0  }
0x219: {  	s29 =	ssub.s32 s15, s29;
	s15 =	smov.u32 s19;
	s1 =	sadd.s32 s1, s23;
	v0 =	vld [tilespmem:$0x400]  }
0x21a: {  	s23 =	sand.u32 $0xFF, s29;
	s2 =	sand.u32 $0x7F000, s2;
	s1 =	sshll.u32 s1, $0x6  }
0x21b: {  	s2 =	sor.u32 s2, s23;
	s1 =	sand.u32 $0xC0, s1  }
0x21c: {  	s1 =	sor.u32 s1, s2  }
0x21d: {  	s2 =	sadd.s32 $0xFFFFEFBF, s1  }
0x21e: {  	s11 =	sadd.s32 $0x100, s11;
	v0 =	vadd.s32 s2, v0  }
0x21f: {  	[tilespmem:s11+$0xFFFFFF80] =	vst v0  }
0x220: {  	v0 =	vld [tilespmem:$0x410];
	_ =	sdelay $0x4  }
0x221: {  	v0 =	vadd.s32 s2, v0  }
0x222: {  	[tilespmem:s11+$0xFFFFFF90] =	vst v0  }
0x223: {  	v0 =	vld [tilespmem:$0x420];
	_ =	sdelay $0x4  }
0x224: {  	v0 =	vadd.s32 s2, v0  }
0x225: {  	[tilespmem:s11+$0xFFFFFFA0] =	vst v0  }
0x226: {  	v0 =	vld [tilespmem:$0x430];
	_ =	sdelay $0x4  }
0x227: {  	v0 =	vadd.s32 s2, v0  }
0x228: {  	[tilespmem:s11+$0xFFFFFFB0] =	vst v0  }
0x229: {  	v0 =	vld [tilespmem:$0x440];
	_ =	sdelay $0x4  }
0x22a: {  	v0 =	vadd.s32 s2, v0  }
0x22b: {  	[tilespmem:s11+$0xFFFFFFC0] =	vst v0  }
0x22c: {  	v0 =	vld [tilespmem:$0x450];
	_ =	sdelay $0x4  }
0x22d: {  	v0 =	vadd.s32 s2, v0  }
0x22e: {  	[tilespmem:s11+$0xFFFFFFD0] =	vst v0  }
0x22f: {  	v0 =	vld [tilespmem:$0x460];
	_ =	sdelay $0x4  }
0x230: {  	v0 =	vadd.s32 s2, v0  }
0x231: {  	[tilespmem:s11+$0xFFFFFFE0] =	vst v0  }
0x232: {  	v0 =	vld [tilespmem:$0x470];
	_ =	sdelay $0x4  }
0x233: {  	v0 =	vadd.s32 s2, v0  }
0x234: {  	[tilespmem:s11+$0xFFFFFFF0] =	vst v0  }
0x235: {  	v0 =	vld [tilespmem:$0x480];
	_ =	sdelay $0x4  }
0x236: {  	v0 =	vadd.s32 s2, v0  }
0x237: {  	[tilespmem:s11+$0x0] =	vst v0  }
0x238: {  	v0 =	vld [tilespmem:$0x490];
	_ =	sdelay $0x4  }
0x239: {  	v0 =	vadd.s32 s2, v0  }
0x23a: {  	[tilespmem:s11+$0x10] =	vst v0  }
0x23b: {  	v0 =	vld [tilespmem:$0x4A0];
	_ =	sdelay $0x4  }
0x23c: {  	v0 =	vadd.s32 s2, v0  }
0x23d: {  	[tilespmem:s11+$0x20] =	vst v0  }
0x23e: {  	v0 =	vld [tilespmem:$0x4B0];
	_ =	sdelay $0x4  }
0x23f: {  	v0 =	vadd.s32 s2, v0  }
0x240: {  	[tilespmem:s11+$0x30] =	vst v0  }
0x241: {  	v0 =	vld [tilespmem:$0x4C0];
	_ =	sdelay $0x4  }
0x242: {  	v0 =	vadd.s32 s2, v0  }
0x243: {  	[tilespmem:s11+$0x40] =	vst v0  }
0x244: {  	v0 =	vld [tilespmem:$0x4D0];
	_ =	sdelay $0x4  }
0x245: {  	v0 =	vadd.s32 s2, v0  }
0x246: {  	[tilespmem:s11+$0x50] =	vst v0  }
0x247: {  	v0 =	vld [tilespmem:$0x4E0];
	_ =	sdelay $0x2  }
.Ltmp3:
0x248: {  	(pc) =	sbr.rel @p0 .LBB2_9-.Ltmp3, $4  }
0x249: {  	_ = 	snop  }
0x24a: {  	v0 =	vadd.s32 s2, v0  }
0x24b: {  	[tilespmem:s11+$0x60] =	vst v0  }
0x24c: {  	s19 =	sadd.s32 $0x1, s19;
	s23 =	smul.u32 $0xAB, s15;
	v0 =	vld [tilespmem:$0x4F0]  }
0x24d: {  	_ = 	snop  }
0x24e: {  	s1 =	sshrl.u32 s23, $0x9  }
0x24f: {  	s19 =	sand.u32 $0x7F, s1  }
0x250: {  	s29 =	smul.u32 $0x56, s19  }
0x251: {  	s19 =	smul.u32 $0x3, s19;
	v0 =	vadd.s32 s2, v0  }
0x252: {  	s10 =	smul.u32 $0x1C8, s15;
	s8 =	sshrl.u32 s29, $0x8;
	[tilespmem:s11+$0x70] =	vst v0  }
0x253: {  	s17 =	ssub.s32 s15, s19;
	s1 =	sadd.s32 s8, s1;
	v0 =	vld [tilespmem:$0x400]  }
0x254: {  	s23 =	sand.u32 $0x7F000, s10;
	s19 =	sand.u32 $0xFF, s17;
	s1 =	sshll.u32 s1, $0x6  }
0x255: {  	s2 =	sor.u32 s23, s19;
	s1 =	sand.u32 $0xC0, s1  }
0x256: {  	s1 =	sor.u32 s1, s2  }
0x257: {  	s1 =	sadd.s32 $0xFFFFEFBF, s1  }
0x258: {  	s26 =	sadd.s32 $0x100, s11;
	v0 =	vadd.s32 s1, v0  }
0x259: {  	[tilespmem:s26+$0xFFFFFF80] =	vst v0  }
0x25a: {  	v0 =	vld [tilespmem:$0x410];
	_ =	sdelay $0x4  }
0x25b: {  	v0 =	vadd.s32 s1, v0  }
0x25c: {  	[tilespmem:s26+$0xFFFFFF90] =	vst v0  }
0x25d: {  	v0 =	vld [tilespmem:$0x420];
	_ =	sdelay $0x4  }
0x25e: {  	v0 =	vadd.s32 s1, v0  }
0x25f: {  	[tilespmem:s26+$0xFFFFFFA0] =	vst v0  }
0x260: {  	v0 =	vld [tilespmem:$0x430];
	_ =	sdelay $0x4  }
0x261: {  	v0 =	vadd.s32 s1, v0  }
0x262: {  	[tilespmem:s26+$0xFFFFFFB0] =	vst v0  }
0x263: {  	v0 =	vld [tilespmem:$0x440];
	_ =	sdelay $0x4  }
0x264: {  	v0 =	vadd.s32 s1, v0  }
0x265: {  	[tilespmem:s26+$0xFFFFFFC0] =	vst v0  }
0x266: {  	v0 =	vld [tilespmem:$0x450];
	_ =	sdelay $0x4  }
0x267: {  	v0 =	vadd.s32 s1, v0  }
0x268: {  	[tilespmem:s26+$0xFFFFFFD0] =	vst v0  }
0x269: {  	v0 =	vld [tilespmem:$0x460];
	_ =	sdelay $0x4  }
0x26a: {  	v0 =	vadd.s32 s1, v0  }
0x26b: {  	[tilespmem:s26+$0xFFFFFFE0] =	vst v0  }
0x26c: {  	v0 =	vld [tilespmem:$0x470];
	_ =	sdelay $0x4  }
0x26d: {  	v0 =	vadd.s32 s1, v0  }
0x26e: {  	[tilespmem:s26+$0xFFFFFFF0] =	vst v0  }
0x26f: {  	v0 =	vld [tilespmem:$0x480];
	_ =	sdelay $0x4  }
0x270: {  	v0 =	vadd.s32 s1, v0  }
0x271: {  	[tilespmem:s26+$0x0] =	vst v0  }
0x272: {  	v0 =	vld [tilespmem:$0x490];
	_ =	sdelay $0x4  }
0x273: {  	v0 =	vadd.s32 s1, v0  }
0x274: {  	[tilespmem:s26+$0x10] =	vst v0  }
0x275: {  	v0 =	vld [tilespmem:$0x4A0];
	_ =	sdelay $0x4  }
0x276: {  	v0 =	vadd.s32 s1, v0  }
0x277: {  	[tilespmem:s26+$0x20] =	vst v0  }
0x278: {  	v0 =	vld [tilespmem:$0x4B0];
	_ =	sdelay $0x4  }
0x279: {  	v0 =	vadd.s32 s1, v0  }
0x27a: {  	[tilespmem:s26+$0x30] =	vst v0  }
0x27b: {  	v0 =	vld [tilespmem:$0x4C0];
	_ =	sdelay $0x4  }
0x27c: {  	v0 =	vadd.s32 s1, v0  }
0x27d: {  	[tilespmem:s26+$0x40] =	vst v0  }
0x27e: {  	v0 =	vld [tilespmem:$0x4D0];
	_ =	sdelay $0x4  }
0x27f: {  	v0 =	vadd.s32 s1, v0  }
0x280: {  	[tilespmem:s26+$0x50] =	vst v0  }
0x281: {  	v0 =	vld [tilespmem:$0x4E0];
	_ =	sdelay $0x4  }
0x282: {  	v0 =	vadd.s32 s1, v0  }
0x283: {  	[tilespmem:s26+$0x60] =	vst v0  }
0x284: {  	v0 =	vld [tilespmem:$0x4F0];
	_ =	sdelay $0x4  }
0x285: {  	v0 =	vadd.s32 s1, v0  }
0x286: {  	[tilespmem:s26+$0x70] =	vst v0  }
0x287: {  	_ =	swait.ge [sflag:s20], $0x1000  }
0x288: {  	[sflag:s20] =	ssyncset.done $0x0  }
0x289: {  	[sflag:s20] =	ssyncadd.s32 $0xFFFFF000  }
0x28a: {  	_ =	swait.ge [sflag:s20], $0x1000  }
0x28b: {  	[sflag:s20] =	ssyncset.done $0x0  }
0x28c: {  	[sflag:s20] =	ssyncadd.s32 $0xFFFFF000  }
0x28d: {  	_ =	swait.ge [sflag:s20], $0x1000  }
0x28e: {  	[sflag:s20] =	ssyncset.done $0x0  }
0x28f: {  	[sflag:s20] =	ssyncadd.s32 $0xFFFFF000  }
0x290: {  	_ =	swait.ge [sflag:s20], $0x1000  }
0x291: {  	[sflag:s20] =	ssyncset.done $0x0  }
0x292: {  	[sflag:s20] =	ssyncadd.s32 $0xFFFFF000  }
0x293: {  	_ =	swait.ge [sflag:s20], $0x1000  }
0x294: {  	[sflag:s20] =	ssyncset.done $0x0  }
0x295: {  	[sflag:s20] =	ssyncadd.s32 $0xFFFFF000  }
0x296: {  	_ =	swait.ge [sflag:s20], $0x1000  }
0x297: {  	[sflag:s20] =	ssyncset.done $0x0  }
0x298: {  	[sflag:s20] =	ssyncadd.s32 $0xFFFFF000  }
0x299: {  	_ =	swait.ge [sflag:s20], $0x1000  }
0x29a: {  	[sflag:s20] =	ssyncset.done $0x0  }
0x29b: {  	[sflag:s20] =	ssyncadd.s32 $0xFFFFF000  }
0x29c: {  	_ =	swait.ge [sflag:s20], $0x1000  }
0x29d: {  	[sflag:s20] =	ssyncset.done $0x0  }
0x29e: {  	[sflag:s20] =	ssyncadd.s32 $0xFFFFF000  }
0x29f: {  	_ =	swait.ge [sflag:s20], $0x1000  }
0x2a0: {  	[sflag:s20] =	ssyncset.done $0x0  }
0x2a1: {  	s29 =	simm.s32 $0x500;
	s11 =	simm.s32 $0x2000;
	[sflag:s20] =	ssyncadd.s32 $0xFFFFF000  }
0x2a2: {  	[tilespmem:s11], [sflag:$0x2] =	stream.indirect.gather [hbm4b:s4+s12], $0x10, s29, s12, $0xb8;
	[tilespmem:$0x1D000] =	vst v63  }
0x2a3: {  	s15 =	simm.s32 $0x3000;
	s2 =	simm.s32 $0x600  }
0x2a4: {  	[tilespmem:s15], [sflag:$0x2] =	stream.indirect.gather [hbm4b:s4+s12], $0x10, s2, s12, $0xb8;
	[tilespmem:$0x1D000] =	vst v63  }
0x2a5: {  	s8 =	simm.s32 $0x700;
	s19 =	simm.s32 $0x4000  }
0x2a6: {  	[tilespmem:s19], [sflag:$0x2] =	stream.indirect.gather [hbm4b:s4+s12], $0x10, s8, s12, $0xb8;
	[tilespmem:$0x1D000] =	vst v63  }
0x2a7: {  	s10 =	simm.s32 $0x800;
	s23 =	simm.s32 $0x5000  }
0x2a8: {  	[tilespmem:s23], [sflag:$0x2] =	stream.indirect.gather [hbm4b:s4+s12], $0x10, s10, s12, $0xb8;
	[tilespmem:$0x1D000] =	vst v63  }
0x2a9: {  	s17 =	simm.s32 $0x900;
	s29 =	simm.s32 $0x6000  }
0x2aa: {  	[tilespmem:s29], [sflag:$0x2] =	stream.indirect.gather [hbm4b:s4+s12], $0x10, s17, s12, $0xb8;
	[tilespmem:$0x1D000] =	vst v63  }
0x2ab: {  	s26 =	simm.s32 $0xA00;
	s8 =	simm.s32 $0x7000  }
0x2ac: {  	[tilespmem:s8], [sflag:$0x2] =	stream.indirect.gather [hbm4b:s4+s12], $0x10, s26, s12, $0xb8;
	[tilespmem:$0x1D000] =	vst v63  }
0x2ad: {  	s2 =	simm.s32 $0xB00;
	s17 =	simm.s32 $0x8000  }
0x2ae: {  	[tilespmem:s17], [sflag:$0x2] =	stream.indirect.gather [hbm4b:s4+s12], $0x10, s2, s12, $0xb8;
	[tilespmem:$0x1D000] =	vst v63  }
0x2af: {  	s10 =	simm.s32 $0xC00;
	s26 =	simm.s32 $0x9000  }
0x2b0: {  	[tilespmem:s26], [sflag:$0x2] =	stream.indirect.gather [hbm4b:s4+s12], $0x10, s10, s12, $0xb8;
	[tilespmem:$0x1D000] =	vst v63  }
0x2b1: {  	s2 =	simm.s32 $0xD00;
	s10 =	simm.s32 $0xA000  }
0x2b2: {  	[tilespmem:s10], [sflag:$0x2] =	stream.indirect.gather [hbm4b:s4+s12], $0x10, s2, s12, $0xb8;
	[tilespmem:$0x1D000] =	vst v63  }
0x2b3: {  	_ =	swait.ge [sflag:s9], $0x1000  }
0x2b4: {  	[sflag:s9] =	ssyncset.done $0x0  }
0x2b5: {  	[sflag:s9] =	ssyncadd.s32 $0xFFFFF000  }
0x2b6: {  	_ =	swait.ge [sflag:s9], $0x1000  }
0x2b7: {  	[sflag:s9] =	ssyncset.done $0x0  }
0x2b8: {  	[sflag:s9] =	ssyncadd.s32 $0xFFFFF000  }
0x2b9: {  	_ =	swait.ge [sflag:s9], $0x1000  }
0x2ba: {  	[sflag:s9] =	ssyncset.done $0x0  }
0x2bb: {  	[sflag:s9] =	ssyncadd.s32 $0xFFFFF000  }
0x2bc: {  	_ =	swait.ge [sflag:s9], $0x1000  }
0x2bd: {  	[sflag:s9] =	ssyncset.done $0x0  }
0x2be: {  	[sflag:s9] =	ssyncadd.s32 $0xFFFFF000  }
0x2bf: {  	_ =	swait.ge [sflag:s9], $0x1000  }
0x2c0: {  	[sflag:s9] =	ssyncset.done $0x0  }
0x2c1: {  	[sflag:s9] =	ssyncadd.s32 $0xFFFFF000  }
0x2c2: {  	_ =	swait.ge [sflag:s9], $0x1000  }
0x2c3: {  	[sflag:s9] =	ssyncset.done $0x0  }
0x2c4: {  	[sflag:s9] =	ssyncadd.s32 $0xFFFFF000  }
0x2c5: {  	_ =	swait.ge [sflag:s9], $0x1000  }
0x2c6: {  	[sflag:s9] =	ssyncset.done $0x0  }
0x2c7: {  	[sflag:s9] =	ssyncadd.s32 $0xFFFFF000  }
0x2c8: {  	_ =	swait.ge [sflag:s9], $0x1000  }
0x2c9: {  	[sflag:s9] =	ssyncset.done $0x0  }
0x2ca: {  	[sflag:s9] =	ssyncadd.s32 $0xFFFFF000  }
0x2cb: {  	s2 =	sshll.u32 s7, $0x4;
	_ =	swait.ge [sflag:s9], $0x1000  }
0x2cc: {  	s7 =	sshrl.u32 s2, $0x3;
	[sflag:s9] =	ssyncset.done $0x0  }
0x2cd: {  	s1 =	sadd.s32 s5, s7;
	[sflag:s9] =	ssyncadd.s32 $0xFFFFF000  }
0x2ce: {  	[hbm4b:s1+s3] =	stream.linear.scatter [tilespmem:s11], [sflag:$0x3], $0x1000, $0x38;
	[tilespmem:$0x1D000] =	vst v63  }
0x2cf: {  	s11 =	sadd.s32 $0xC8000, s1  }
0x2d0: {  	[hbm4b:s11+s3] =	stream.linear.scatter [tilespmem:s15], [sflag:$0x3], $0x1000, $0x38;
	[tilespmem:$0x1D000] =	vst v63  }
0x2d1: {  	s15 =	sadd.s32 $0x190000, s1  }
0x2d2: {  	[hbm4b:s15+s3] =	stream.linear.scatter [tilespmem:s19], [sflag:$0x3], $0x1000, $0x38;
	[tilespmem:$0x1D000] =	vst v63  }
0x2d3: {  	s11 =	sadd.s32 $0x258000, s1  }
0x2d4: {  	[hbm4b:s11+s3] =	stream.linear.scatter [tilespmem:s23], [sflag:$0x3], $0x1000, $0x38;
	[tilespmem:$0x1D000] =	vst v63  }
0x2d5: {  	s15 =	sadd.s32 $0x320000, s1  }
0x2d6: {  	[hbm4b:s15+s3] =	stream.linear.scatter [tilespmem:s29], [sflag:$0x3], $0x1000, $0x38;
	[tilespmem:$0x1D000] =	vst v63  }
0x2d7: {  	s19 =	sadd.s32 $0x3E8000, s1  }
0x2d8: {  	[hbm4b:s19+s3] =	stream.linear.scatter [tilespmem:s8], [sflag:$0x3], $0x1000, $0x38;
	[tilespmem:$0x1D000] =	vst v63  }
0x2d9: {  	s23 =	sadd.s32 $0x4B0000, s1  }
0x2da: {  	[hbm4b:s23+s3] =	stream.linear.scatter [tilespmem:s17], [sflag:$0x3], $0x1000, $0x38;
	[tilespmem:$0x1D000] =	vst v63  }
0x2db: {  	s29 =	sadd.s32 $0x578000, s1  }
0x2dc: {  	[hbm4b:s29+s3] =	stream.linear.scatter [tilespmem:s26], [sflag:$0x3], $0x1000, $0x38;
	[tilespmem:$0x1D000] =	vst v63  }
0x2dd: {  	s1 =	sadd.s32 $0x640000, s1  }
0x2de: {  	[hbm4b:s1+s3] =	stream.linear.scatter [tilespmem:s10], [sflag:$0x3], $0x1000, $0x38;
	[tilespmem:$0x1D000] =	vst v63  }
0x2df: {  	_ =	swait.ge [sflag:s22], $0x1000  }
0x2e0: {  	[sflag:s22] =	ssyncset.done $0x0  }
0x2e1: {  	[sflag:s22] =	ssyncadd.s32 $0xFFFFF000  }
0x2e2: {  	_ =	swait.ge [sflag:s22], $0x1000  }
0x2e3: {  	[sflag:s22] =	ssyncset.done $0x0  }
0x2e4: {  	[sflag:s22] =	ssyncadd.s32 $0xFFFFF000  }
0x2e5: {  	_ =	swait.ge [sflag:s22], $0x1000  }
0x2e6: {  	[sflag:s22] =	ssyncset.done $0x0  }
0x2e7: {  	[sflag:s22] =	ssyncadd.s32 $0xFFFFF000  }
0x2e8: {  	_ =	swait.ge [sflag:s22], $0x1000  }
0x2e9: {  	[sflag:s22] =	ssyncset.done $0x0  }
0x2ea: {  	[sflag:s22] =	ssyncadd.s32 $0xFFFFF000  }
0x2eb: {  	_ =	swait.ge [sflag:s22], $0x1000  }
0x2ec: {  	[sflag:s22] =	ssyncset.done $0x0  }
0x2ed: {  	[sflag:s22] =	ssyncadd.s32 $0xFFFFF000  }
0x2ee: {  	_ =	swait.ge [sflag:s22], $0x1000  }
0x2ef: {  	[sflag:s22] =	ssyncset.done $0x0  }
0x2f0: {  	[sflag:s22] =	ssyncadd.s32 $0xFFFFF000  }
0x2f1: {  	_ =	swait.ge [sflag:s22], $0x1000  }
0x2f2: {  	[sflag:s22] =	ssyncset.done $0x0  }
0x2f3: {  	[sflag:s22] =	ssyncadd.s32 $0xFFFFF000  }
0x2f4: {  	_ =	swait.ge [sflag:s22], $0x1000  }
0x2f5: {  	[sflag:s22] =	ssyncset.done $0x0  }
0x2f6: {  	[sflag:s22] =	ssyncadd.s32 $0xFFFFF000  }
0x2f7: {  	_ =	swait.ge [sflag:s22], $0x1000  }
0x2f8: {  	[sflag:s22] =	ssyncset.done $0x0  }
0x2f9: {  	s7 =	simm.s32 $0xB000;
	s8 =	simm.s32 $0xE00;
	[sflag:s22] =	ssyncadd.s32 $0xFFFFF000  }
0x2fa: {  	[tilespmem:s7], [sflag:$0x2] =	stream.indirect.gather [hbm4b:s4+s12], $0x10, s8, s12, $0xb8;
	[tilespmem:$0x1D000] =	vst v63  }
0x2fb: {  	s10 =	simm.s32 $0xF00;
	s8 =	simm.s32 $0xC000  }
0x2fc: {  	[tilespmem:s8], [sflag:$0x2] =	stream.indirect.gather [hbm4b:s4+s12], $0x10, s10, s12, $0xb8;
	[tilespmem:$0x1D000] =	vst v63  }
0x2fd: {  	s11 =	simm.s32 $0x1000;
	s10 =	simm.s32 $0xD000  }
0x2fe: {  	[tilespmem:s10], [sflag:$0x2] =	stream.indirect.gather [hbm4b:s4+s12], $0x10, s11, s12, $0xb8;
	[tilespmem:$0x1D000] =	vst v63  }
0x2ff: {  	s15 =	simm.s32 $0x1100;
	s11 =	simm.s32 $0xE000  }
0x300: {  	[tilespmem:s11], [sflag:$0x2] =	stream.indirect.gather [hbm4b:s4+s12], $0x10, s15, s12, $0xb8;
	[tilespmem:$0x1D000] =	vst v63  }
0x301: {  	s17 =	simm.s32 $0x1200;
	s15 =	simm.s32 $0xF000  }
0x302: {  	[tilespmem:s15], [sflag:$0x2] =	stream.indirect.gather [hbm4b:s4+s12], $0x10, s17, s12, $0xb8;
	[tilespmem:$0x1D000] =	vst v63  }
0x303: {  	s19 =	simm.s32 $0x1300;
	s17 =	simm.s32 $0x10000  }
0x304: {  	[tilespmem:s17], [sflag:$0x2] =	stream.indirect.gather [hbm4b:s4+s12], $0x10, s19, s12, $0xb8;
	[tilespmem:$0x1D000] =	vst v63  }
0x305: {  	s23 =	simm.s32 $0x1400;
	s19 =	simm.s32 $0x11000  }
0x306: {  	[tilespmem:s19], [sflag:$0x2] =	stream.indirect.gather [hbm4b:s4+s12], $0x10, s23, s12, $0xb8;
	[tilespmem:$0x1D000] =	vst v63  }
0x307: {  	s26 =	simm.s32 $0x1500;
	s23 =	simm.s32 $0x12000  }
0x308: {  	[tilespmem:s23], [sflag:$0x2] =	stream.indirect.gather [hbm4b:s4+s12], $0x10, s26, s12, $0xb8;
	[tilespmem:$0x1D000] =	vst v63  }
0x309: {  	s29 =	simm.s32 $0x1600;
	s26 =	simm.s32 $0x13000  }
0x30a: {  	[tilespmem:s26], [sflag:$0x2] =	stream.indirect.gather [hbm4b:s4+s12], $0x10, s29, s12, $0xb8;
	[tilespmem:$0x1D000] =	vst v63  }
0x30b: {  	_ =	swait.ge [sflag:s9], $0x1000  }
0x30c: {  	[sflag:s9] =	ssyncset.done $0x0  }
0x30d: {  	[sflag:s9] =	ssyncadd.s32 $0xFFFFF000  }
0x30e: {  	_ =	swait.ge [sflag:s9], $0x1000  }
0x30f: {  	[sflag:s9] =	ssyncset.done $0x0  }
0x310: {  	[sflag:s9] =	ssyncadd.s32 $0xFFFFF000  }
0x311: {  	_ =	swait.ge [sflag:s9], $0x1000  }
0x312: {  	[sflag:s9] =	ssyncset.done $0x0  }
0x313: {  	[sflag:s9] =	ssyncadd.s32 $0xFFFFF000  }
0x314: {  	_ =	swait.ge [sflag:s9], $0x1000  }
0x315: {  	[sflag:s9] =	ssyncset.done $0x0  }
0x316: {  	[sflag:s9] =	ssyncadd.s32 $0xFFFFF000  }
0x317: {  	_ =	swait.ge [sflag:s9], $0x1000  }
0x318: {  	[sflag:s9] =	ssyncset.done $0x0  }
0x319: {  	[sflag:s9] =	ssyncadd.s32 $0xFFFFF000  }
0x31a: {  	_ =	swait.ge [sflag:s9], $0x1000  }
0x31b: {  	[sflag:s9] =	ssyncset.done $0x0  }
0x31c: {  	[sflag:s9] =	ssyncadd.s32 $0xFFFFF000  }
0x31d: {  	_ =	swait.ge [sflag:s9], $0x1000  }
0x31e: {  	[sflag:s9] =	ssyncset.done $0x0  }
0x31f: {  	[sflag:s9] =	ssyncadd.s32 $0xFFFFF000  }
0x320: {  	_ =	swait.ge [sflag:s9], $0x1000  }
0x321: {  	[sflag:s9] =	ssyncset.done $0x0  }
0x322: {  	[sflag:s9] =	ssyncadd.s32 $0xFFFFF000  }
0x323: {  	s29 =	sadd.s32 $0x3840000, s2;
	_ =	swait.ge [sflag:s9], $0x1000  }
0x324: {  	s1 =	sshrl.u32 s29, $0x3;
	[sflag:s9] =	ssyncset.done $0x0  }
0x325: {  	s1 =	sadd.s32 s5, s1;
	[sflag:s9] =	ssyncadd.s32 $0xFFFFF000  }
0x326: {  	[hbm4b:s1+s3] =	stream.linear.scatter [tilespmem:s7], [sflag:$0x4], $0x1000, $0x38;
	[tilespmem:$0x1D000] =	vst v63  }
0x327: {  	s7 =	sadd.s32 $0x3E80000, s2  }
0x328: {  	s1 =	sshrl.u32 s7, $0x3  }
0x329: {  	s1 =	sadd.s32 s5, s1  }
0x32a: {  	[hbm4b:s1+s3] =	stream.linear.scatter [tilespmem:s8], [sflag:$0x4], $0x1000, $0x38;
	[tilespmem:$0x1D000] =	vst v63  }
0x32b: {  	s8 =	sadd.s32 $0x44C0000, s2  }
0x32c: {  	s1 =	sshrl.u32 s8, $0x3  }
0x32d: {  	s1 =	sadd.s32 s5, s1  }
0x32e: {  	[hbm4b:s1+s3] =	stream.linear.scatter [tilespmem:s10], [sflag:$0x4], $0x1000, $0x38;
	[tilespmem:$0x1D000] =	vst v63  }
0x32f: {  	s10 =	sadd.s32 $0x4B00000, s2  }
0x330: {  	s1 =	sshrl.u32 s10, $0x3  }
0x331: {  	s1 =	sadd.s32 s5, s1  }
0x332: {  	[hbm4b:s1+s3] =	stream.linear.scatter [tilespmem:s11], [sflag:$0x4], $0x1000, $0x38;
	[tilespmem:$0x1D000] =	vst v63  }
0x333: {  	s11 =	sadd.s32 $0x5140000, s2  }
0x334: {  	s1 =	sshrl.u32 s11, $0x3  }
0x335: {  	s1 =	sadd.s32 s5, s1  }
0x336: {  	[hbm4b:s1+s3] =	stream.linear.scatter [tilespmem:s15], [sflag:$0x4], $0x1000, $0x38;
	[tilespmem:$0x1D000] =	vst v63  }
0x337: {  	s15 =	sadd.s32 $0x5780000, s2  }
0x338: {  	s1 =	sshrl.u32 s15, $0x3  }
0x339: {  	s1 =	sadd.s32 s5, s1  }
0x33a: {  	[hbm4b:s1+s3] =	stream.linear.scatter [tilespmem:s17], [sflag:$0x4], $0x1000, $0x38;
	[tilespmem:$0x1D000] =	vst v63  }
0x33b: {  	s17 =	sadd.s32 $0x5DC0000, s2  }
0x33c: {  	s1 =	sshrl.u32 s17, $0x3  }
0x33d: {  	s1 =	sadd.s32 s5, s1  }
0x33e: {  	[hbm4b:s1+s3] =	stream.linear.scatter [tilespmem:s19], [sflag:$0x4], $0x1000, $0x38;
	[tilespmem:$0x1D000] =	vst v63  }
0x33f: {  	s19 =	sadd.s32 $0x6400000, s2  }
0x340: {  	s1 =	sshrl.u32 s19, $0x3  }
0x341: {  	s1 =	sadd.s32 s5, s1  }
0x342: {  	[hbm4b:s1+s3] =	stream.linear.scatter [tilespmem:s23], [sflag:$0x4], $0x1000, $0x38;
	[tilespmem:$0x1D000] =	vst v63  }
0x343: {  	s23 =	sadd.s32 $0x6A40000, s2  }
0x344: {  	s1 =	sshrl.u32 s23, $0x3  }
0x345: {  	s1 =	sadd.s32 s5, s1  }
0x346: {  	[hbm4b:s1+s3] =	stream.linear.scatter [tilespmem:s26], [sflag:$0x4], $0x1000, $0x38;
	[tilespmem:$0x1D000] =	vst v63  }
0x347: {  	_ =	swait.ge [sflag:s24], $0x1000  }
0x348: {  	[sflag:s24] =	ssyncset.done $0x0  }
0x349: {  	[sflag:s24] =	ssyncadd.s32 $0xFFFFF000  }
0x34a: {  	_ =	swait.ge [sflag:s24], $0x1000  }
0x34b: {  	[sflag:s24] =	ssyncset.done $0x0  }
0x34c: {  	[sflag:s24] =	ssyncadd.s32 $0xFFFFF000  }
0x34d: {  	_ =	swait.ge [sflag:s24], $0x1000  }
0x34e: {  	[sflag:s24] =	ssyncset.done $0x0  }
0x34f: {  	[sflag:s24] =	ssyncadd.s32 $0xFFFFF000  }
0x350: {  	_ =	swait.ge [sflag:s24], $0x1000  }
0x351: {  	[sflag:s24] =	ssyncset.done $0x0  }
0x352: {  	[sflag:s24] =	ssyncadd.s32 $0xFFFFF000  }
0x353: {  	_ =	swait.ge [sflag:s24], $0x1000  }
0x354: {  	[sflag:s24] =	ssyncset.done $0x0  }
0x355: {  	[sflag:s24] =	ssyncadd.s32 $0xFFFFF000  }
0x356: {  	_ =	swait.ge [sflag:s24], $0x1000  }
0x357: {  	[sflag:s24] =	ssyncset.done $0x0  }
0x358: {  	[sflag:s24] =	ssyncadd.s32 $0xFFFFF000  }
0x359: {  	_ =	swait.ge [sflag:s24], $0x1000  }
0x35a: {  	[sflag:s24] =	ssyncset.done $0x0  }
0x35b: {  	[sflag:s24] =	ssyncadd.s32 $0xFFFFF000  }
0x35c: {  	_ =	swait.ge [sflag:s24], $0x1000  }
0x35d: {  	[sflag:s24] =	ssyncset.done $0x0  }
0x35e: {  	[sflag:s24] =	ssyncadd.s32 $0xFFFFF000  }
0x35f: {  	_ =	swait.ge [sflag:s24], $0x1000  }
0x360: {  	[sflag:s24] =	ssyncset.done $0x0  }
0x361: {  	s7 =	simm.s32 $0x14000;
	s26 =	simm.s32 $0x1700;
	[sflag:s24] =	ssyncadd.s32 $0xFFFFF000  }
0x362: {  	[tilespmem:s7], [sflag:$0x2] =	stream.indirect.gather [hbm4b:s4+s12], $0x10, s26, s12, $0xb8;
	[tilespmem:$0x1D000] =	vst v63  }
0x363: {  	s29 =	simm.s32 $0x1800;
	s8 =	simm.s32 $0x15000  }
0x364: {  	[tilespmem:s8], [sflag:$0x2] =	stream.indirect.gather [hbm4b:s4+s12], $0x10, s29, s12, $0xb8;
	[tilespmem:$0x1D000] =	vst v63  }
0x365: {  	s10 =	simm.s32 $0x1900  }
0x366: {  	[tilespmem:s21], [sflag:$0x2] =	stream.indirect.gather [hbm4b:s4+s12], $0x10, s10, s12, $0xb8;
	[tilespmem:$0x1D000] =	vst v63  }
0x367: {  	s11 =	simm.s32 $0x1A00  }
0x368: {  	[tilespmem:s13], [sflag:$0x2] =	stream.indirect.gather [hbm4b:s4+s12], $0x10, s11, s12, $0xb8;
	[tilespmem:$0x1D000] =	vst v63  }
0x369: {  	s15 =	simm.s32 $0x1B00  }
0x36a: {  	[tilespmem:s31], [sflag:$0x2] =	stream.indirect.gather [hbm4b:s4+s12], $0x10, s15, s12, $0xb8;
	[tilespmem:$0x1D000] =	vst v63  }
0x36b: {  	s17 =	simm.s32 $0x1C00  }
0x36c: {  	[tilespmem:s6], [sflag:$0x2] =	stream.indirect.gather [hbm4b:s4+s12], $0x10, s17, s12, $0xb8;
	[tilespmem:$0x1D000] =	vst v63  }
0x36d: {  	s19 =	simm.s32 $0x1D00  }
0x36e: {  	[tilespmem:s25], [sflag:$0x2] =	stream.indirect.gather [hbm4b:s4+s12], $0x10, s19, s12, $0xb8;
	[tilespmem:$0x1D000] =	vst v63  }
0x36f: {  	s23 =	simm.s32 $0x1E00  }
0x370: {  	[tilespmem:s16], [sflag:$0x2] =	stream.indirect.gather [hbm4b:s4+s12], $0x10, s23, s12, $0xb8;
	[tilespmem:$0x1D000] =	vst v63  }
0x371: {  	s26 =	simm.s32 $0x1F00  }
0x372: {  	[tilespmem:s18], [sflag:$0x2] =	stream.indirect.gather [hbm4b:s4+s12], $0x10, s26, s12, $0xb8;
	[tilespmem:$0x1D000] =	vst v63  }
0x373: {  	_ =	swait.ge [sflag:s9], $0x1000  }
0x374: {  	[sflag:s9] =	ssyncset.done $0x0  }
0x375: {  	[sflag:s9] =	ssyncadd.s32 $0xFFFFF000  }
0x376: {  	_ =	swait.ge [sflag:s9], $0x1000  }
0x377: {  	[sflag:s9] =	ssyncset.done $0x0  }
0x378: {  	[sflag:s9] =	ssyncadd.s32 $0xFFFFF000  }
0x379: {  	_ =	swait.ge [sflag:s9], $0x1000  }
0x37a: {  	[sflag:s9] =	ssyncset.done $0x0  }
0x37b: {  	[sflag:s9] =	ssyncadd.s32 $0xFFFFF000  }
0x37c: {  	_ =	swait.ge [sflag:s9], $0x1000  }
0x37d: {  	[sflag:s9] =	ssyncset.done $0x0  }
0x37e: {  	[sflag:s9] =	ssyncadd.s32 $0xFFFFF000  }
0x37f: {  	_ =	swait.ge [sflag:s9], $0x1000  }
0x380: {  	[sflag:s9] =	ssyncset.done $0x0  }
0x381: {  	[sflag:s9] =	ssyncadd.s32 $0xFFFFF000  }
0x382: {  	_ =	swait.ge [sflag:s9], $0x1000  }
0x383: {  	[sflag:s9] =	ssyncset.done $0x0  }
0x384: {  	[sflag:s9] =	ssyncadd.s32 $0xFFFFF000  }
0x385: {  	_ =	swait.ge [sflag:s9], $0x1000  }
0x386: {  	[sflag:s9] =	ssyncset.done $0x0  }
0x387: {  	[sflag:s9] =	ssyncadd.s32 $0xFFFFF000  }
0x388: {  	_ =	swait.ge [sflag:s9], $0x1000  }
0x389: {  	[sflag:s9] =	ssyncset.done $0x0  }
0x38a: {  	[sflag:s9] =	ssyncadd.s32 $0xFFFFF000  }
0x38b: {  	s29 =	sadd.s32 $0x7080000, s2;
	_ =	swait.ge [sflag:s9], $0x1000  }
0x38c: {  	s1 =	sshrl.u32 s29, $0x3;
	[sflag:s9] =	ssyncset.done $0x0  }
0x38d: {  	s1 =	sadd.s32 s5, s1;
	[sflag:s9] =	ssyncadd.s32 $0xFFFFF000  }
0x38e: {  	[hbm4b:s1+s3] =	stream.linear.scatter [tilespmem:s7], [sflag:$0x5], $0x1000, $0x38;
	[tilespmem:$0x1D000] =	vst v63  }
0x38f: {  	s7 =	sadd.s32 $0x76C0000, s2  }
0x390: {  	s1 =	sshrl.u32 s7, $0x3  }
0x391: {  	s10 =	sadd.s32 $0x7D00000, s2;
	s1 =	sadd.s32 s5, s1  }
0x392: {  	[hbm4b:s1+s3] =	stream.linear.scatter [tilespmem:s8], [sflag:$0x5], $0x1000, $0x38;
	[tilespmem:$0x1D000] =	vst v63  }
0x393: {  	s1 =	sshrl.u32 s10, $0x3  }
0x394: {  	s11 =	sadd.s32 $0x8340000, s2;
	s1 =	sadd.s32 s5, s1  }
0x395: {  	[hbm4b:s1+s3] =	stream.linear.scatter [tilespmem:s21], [sflag:$0x5], $0x1000, $0x38;
	[tilespmem:$0x1D000] =	vst v63  }
0x396: {  	s1 =	sshrl.u32 s11, $0x3  }
0x397: {  	s15 =	sadd.s32 $0x8980000, s2;
	s1 =	sadd.s32 s5, s1  }
0x398: {  	[hbm4b:s1+s3] =	stream.linear.scatter [tilespmem:s13], [sflag:$0x5], $0x1000, $0x38;
	[tilespmem:$0x1D000] =	vst v63  }
0x399: {  	s1 =	sshrl.u32 s15, $0x3  }
0x39a: {  	s17 =	sadd.s32 $0x8FC0000, s2;
	s1 =	sadd.s32 s5, s1  }
0x39b: {  	[hbm4b:s1+s3] =	stream.linear.scatter [tilespmem:s31], [sflag:$0x5], $0x1000, $0x38;
	[tilespmem:$0x1D000] =	vst v63  }
0x39c: {  	s1 =	sshrl.u32 s17, $0x3  }
0x39d: {  	s19 =	sadd.s32 $0x9600000, s2;
	s1 =	sadd.s32 s5, s1  }
0x39e: {  	[hbm4b:s1+s3] =	stream.linear.scatter [tilespmem:s6], [sflag:$0x5], $0x1000, $0x38;
	[tilespmem:$0x1D000] =	vst v63  }
0x39f: {  	s1 =	sshrl.u32 s19, $0x3  }
0x3a0: {  	s23 =	sadd.s32 $0x9C40000, s2;
	s29 =	rddreg [dreg:$0x16];
	s1 =	sadd.s32 s5, s1  }
0x3a1: {  	[hbm4b:s1+s3] =	stream.linear.scatter [tilespmem:s25], [sflag:$0x5], $0x1000, $0x38;
	[tilespmem:$0x1D000] =	vst v63  }
0x3a2: {  	p0 =	seq.s32 s30, s29;
	s1 =	sshrl.u32 s23, $0x3  }
.Ltmp4:
0x3a3: {  	s26 =	sadd.s32 $0xA280000, s2;
	s1 =	sadd.s32 s5, s1;
	(pc) =	sbr.rel @!p0 .LBB2_6-.Ltmp4, $4  }
0x3a4: {  	[hbm4b:s1+s3] =	stream.linear.scatter [tilespmem:s16], [sflag:$0x5], $0x1000, $0x38;
	[tilespmem:$0x1D000] =	vst v63  }
0x3a5: {  	s1 =	sshrl.u32 s26, $0x3  }
0x3a6: {  	s30 =	smov.u32 s0;
	s1 =	sadd.s32 s5, s1  }
0x3a7: {  	[hbm4b:s1+s3] =	stream.linear.scatter [tilespmem:s18], [sflag:$0x5], $0x1000, $0x38;
	[tilespmem:$0x1D000] =	vst v63  }
0x3a8: {  	_ =	swait.ge [sflag:s20], $0x1000  }
0x3a9: {  	[sflag:s20] =	ssyncset.done $0x0  }
0x3aa: {  	[sflag:s20] =	ssyncadd.s32 $0xFFFFF000  }
0x3ab: {  	_ =	swait.ge [sflag:s20], $0x1000  }
0x3ac: {  	[sflag:s20] =	ssyncset.done $0x0  }
0x3ad: {  	[sflag:s20] =	ssyncadd.s32 $0xFFFFF000  }
0x3ae: {  	_ =	swait.ge [sflag:s20], $0x1000  }
0x3af: {  	[sflag:s20] =	ssyncset.done $0x0  }
0x3b0: {  	[sflag:s20] =	ssyncadd.s32 $0xFFFFF000  }
0x3b1: {  	_ =	swait.ge [sflag:s20], $0x1000  }
0x3b2: {  	[sflag:s20] =	ssyncset.done $0x0  }
0x3b3: {  	[sflag:s20] =	ssyncadd.s32 $0xFFFFF000  }
0x3b4: {  	_ =	swait.ge [sflag:s20], $0x1000  }
0x3b5: {  	[sflag:s20] =	ssyncset.done $0x0  }
0x3b6: {  	[sflag:s20] =	ssyncadd.s32 $0xFFFFF000  }
0x3b7: {  	_ =	swait.ge [sflag:s20], $0x1000  }
0x3b8: {  	[sflag:s20] =	ssyncset.done $0x0  }
0x3b9: {  	[sflag:s20] =	ssyncadd.s32 $0xFFFFF000  }
0x3ba: {  	_ =	swait.ge [sflag:s20], $0x1000  }
0x3bb: {  	[sflag:s20] =	ssyncset.done $0x0  }
0x3bc: {  	[sflag:s20] =	ssyncadd.s32 $0xFFFFF000  }
0x3bd: {  	_ =	swait.ge [sflag:s20], $0x1000  }
0x3be: {  	[sflag:s20] =	ssyncset.done $0x0  }
0x3bf: {  	[sflag:s20] =	ssyncadd.s32 $0xFFFFF000  }
0x3c0: {  	_ =	swait.ge [sflag:s20], $0x1000  }
0x3c1: {  	[sflag:s20] =	ssyncset.done $0x0  }
0x3c2: {  	[sflag:s20] =	ssyncadd.s32 $0xFFFFF000  }
0x3c3: {  	_ =	swait.ge [sflag:s22], $0x1000  }
0x3c4: {  	[sflag:s22] =	ssyncset.done $0x0  }
0x3c5: {  	[sflag:s22] =	ssyncadd.s32 $0xFFFFF000  }
0x3c6: {  	_ =	swait.ge [sflag:s22], $0x1000  }
0x3c7: {  	[sflag:s22] =	ssyncset.done $0x0  }
0x3c8: {  	[sflag:s22] =	ssyncadd.s32 $0xFFFFF000  }
0x3c9: {  	_ =	swait.ge [sflag:s22], $0x1000  }
0x3ca: {  	[sflag:s22] =	ssyncset.done $0x0  }
0x3cb: {  	[sflag:s22] =	ssyncadd.s32 $0xFFFFF000  }
0x3cc: {  	_ =	swait.ge [sflag:s22], $0x1000  }
0x3cd: {  	[sflag:s22] =	ssyncset.done $0x0  }
0x3ce: {  	[sflag:s22] =	ssyncadd.s32 $0xFFFFF000  }
0x3cf: {  	_ =	swait.ge [sflag:s22], $0x1000  }
0x3d0: {  	[sflag:s22] =	ssyncset.done $0x0  }
0x3d1: {  	[sflag:s22] =	ssyncadd.s32 $0xFFFFF000  }
0x3d2: {  	_ =	swait.ge [sflag:s22], $0x1000  }
0x3d3: {  	[sflag:s22] =	ssyncset.done $0x0  }
0x3d4: {  	[sflag:s22] =	ssyncadd.s32 $0xFFFFF000  }
0x3d5: {  	_ =	swait.ge [sflag:s22], $0x1000  }
0x3d6: {  	[sflag:s22] =	ssyncset.done $0x0  }
0x3d7: {  	[sflag:s22] =	ssyncadd.s32 $0xFFFFF000  }
0x3d8: {  	_ =	swait.ge [sflag:s22], $0x1000  }
0x3d9: {  	[sflag:s22] =	ssyncset.done $0x0  }
0x3da: {  	[sflag:s22] =	ssyncadd.s32 $0xFFFFF000  }
0x3db: {  	_ =	swait.ge [sflag:s22], $0x1000  }
0x3dc: {  	[sflag:s22] =	ssyncset.done $0x0  }
0x3dd: {  	[sflag:s22] =	ssyncadd.s32 $0xFFFFF000  }
0x3de: {  	_ =	swait.ge [sflag:s24], $0x1000  }
0x3df: {  	[sflag:s24] =	ssyncset.done $0x0  }
0x3e0: {  	[sflag:s24] =	ssyncadd.s32 $0xFFFFF000  }
0x3e1: {  	_ =	swait.ge [sflag:s24], $0x1000  }
0x3e2: {  	[sflag:s24] =	ssyncset.done $0x0  }
0x3e3: {  	[sflag:s24] =	ssyncadd.s32 $0xFFFFF000  }
0x3e4: {  	_ =	swait.ge [sflag:s24], $0x1000  }
0x3e5: {  	[sflag:s24] =	ssyncset.done $0x0  }
0x3e6: {  	[sflag:s24] =	ssyncadd.s32 $0xFFFFF000  }
0x3e7: {  	_ =	swait.ge [sflag:s24], $0x1000  }
0x3e8: {  	[sflag:s24] =	ssyncset.done $0x0  }
0x3e9: {  	[sflag:s24] =	ssyncadd.s32 $0xFFFFF000  }
0x3ea: {  	_ =	swait.ge [sflag:s24], $0x1000  }
0x3eb: {  	[sflag:s24] =	ssyncset.done $0x0  }
0x3ec: {  	[sflag:s24] =	ssyncadd.s32 $0xFFFFF000  }
0x3ed: {  	_ =	swait.ge [sflag:s24], $0x1000  }
0x3ee: {  	[sflag:s24] =	ssyncset.done $0x0  }
0x3ef: {  	[sflag:s24] =	ssyncadd.s32 $0xFFFFF000  }
0x3f0: {  	_ =	swait.ge [sflag:s24], $0x1000  }
0x3f1: {  	[sflag:s24] =	ssyncset.done $0x0  }
0x3f2: {  	[sflag:s24] =	ssyncadd.s32 $0xFFFFF000  }
0x3f3: {  	_ =	swait.ge [sflag:s24], $0x1000  }
0x3f4: {  	[sflag:s24] =	ssyncset.done $0x0  }
0x3f5: {  	[sflag:s24] =	ssyncadd.s32 $0xFFFFF000  }
0x3f6: {  	_ =	swait.ge [sflag:s24], $0x1000  }
0x3f7: {  	s1 =	sld [smem:$0x7FB];
	_ =	sdelay $0x2  }
0x3f8: {  	s0 =	rddreg [dreg:$0x6];
	s1 =	sadd.s32 $0x1, s1  }
0x3f9: {  	p0 =	seq.s32 s1, s0  }
.Ltmp5:
0x3fa: {  	_ = 	snop;
	(pc) =	sbr.rel @!p0 .LBB2_1-.Ltmp5, $3  }
0x3fb: {  	_ =	sdelay $0x1  }
0x3fc: {  	[sflag:s24] =	ssyncset.done $0x0  }
0x3fd: {  	[sflag:s24] =	ssyncadd.s32 $0xFFFFF000  }
0x3fe: {  	_ =	sfence.sel $0x180000  }
0x3ff: {  	[bflag:$0x0] =	sbarrier.arrive $0xFFFF  }
0x400: {  	_ =	strace $0x9000004A  }
0x401: {  	s0 =	stileid.u32;
	[bflag:$0x2] =	sbarrier.arrive $0xFFFF  }
0x402: {  	p0 =	sne.s32 s0, $0x0;
	s0 =	rddreg [dreg:$0x2]  }
0x403: {  	s0 =	sadd.s32 @!p0 $0x100000, s0  }
0x404: {  	[sflag:s0] =	ssyncadd.tile.s32 @!p0 $0x1;
	_ =	shalt  }
.Lfunc_end2:
_tile_overlayer_lowered:
.L_overlay_start_2:
0x405: {  	(tag) =	ssettag $0x2  }
0x406: {  	s0 =	rddreg [dreg:$0x0];
	s2 =	stileid.u32  }
0x407: {  	s1 =	rddreg [dreg:$0x1];
	p0 =	sne.s32 s2, $0x0  }
0x408: {  	s3 =	rddreg [dreg:$0x2];
	[bflag:$0x3] =	sbarrier.arrive $0xFFFF;
	s2 =	simm.s32 @!p0 $0x1C06  }
0x409: {  	[timem:s3], [sflag:s2] =	dma.local @!p0 [hbm:s0], s1  }
0x40a: {  	s0 =	simm.s32 @!p0 $0x6  }
0x40b: {  	_ =	swait.ge @!p0 [sflag:s0], s1  }
0x40c: {  	s1 =	ssub.s32 @!p0 $0x0, s1;
	[sflag:s0] =	ssyncset.done @!p0 $0x0  }
0x40d: {  	[sflag:s0] =	ssyncadd.s32 @!p0 s1  }
0x40e: {  	[bflag:$0x3] =	sbarrier.arrive $0xFFFF  }
0x40f: {  	_ =	shalt  }

// kernel: sparse-core-data-format-call.cloned.1.call-start
scs
called_computation_lowered:
.L_overlay_start_0:
0x0: {  	s2 =	sld [smem:$0x3FD9]  }
0x1: {  	s3 =	sld [smem:$0x3FFE];
	_ =	sdelay $0x1  }
0x2: {  	s1 =	srdreg.scid  }
0x3: {  	s0 =	sand.u32 $0x1, s1  }
0x4: {  	s18 =	sshll.u32 s0, $0xA;
	s2 =	sadd.s32 s3, s2  }
0x5: {  	s2 =	sadd.s32 s2, s18  }
0x6: {  	[smem:$0x3FC4] =	sst s2  }
0x7: {  	_ = 	snop  }
0x8: {  	s2 =	sld [smem:$0x3FC9];
	(tm) =	ssettm $0x1  }
0x9: {  	s19 =	sld [smem:$0x3FFB];
	_ =	sdelay $0x3  }
0xa: {  	_ =	strace s19  }
0xb: {  	s3 =	sld [smem:$0x3FFC];
	_ =	sdelay $0x3  }
0xc: {  	_ =	strace s3  }
0xd: {  	s3 =	sld [smem:$0x3FFD];
	_ =	sdelay $0x3  }
0xe: {  	_ =	strace s3  }
0xf: {  	_ =	strace $0x8FFFFFFF  }
0x10: {  	s20 =	sld [smem:$0x3FDB];
	_ =	sdelay $0x1  }
0x11: {  	s4 =	simm.s32 $_scs_section_size  }
0x12: {  	s5 =	simm.s32 $_size__tile_overlayer_lowered;
	s6 =	simm.s32 $_tile_overlayer_lowered  }
0x13: {  	s23 =	simm.s32 $0x1BFF;
	s22 =	sshll.u32 s6, $0x1;
	s3 =	sadd.s32 s4, s20  }
0x14: {  	s7 =	simm.s32 $0x0;
	s21 =	sshll.u32 s5, $0x1;
	s5 =	sadd.s32 s22, s3  }
0x15: {  	[timem:s7], [sflag:s23] =	dma.local [hbm:s5], s21  }
0x16: {  	_ =	swait.ge [sflag:s23], s21  }
0x17: {  	s4 =	ssub.s32 $0x0, s21;
	[sflag:s23] =	ssyncset.done $0x0  }
0x18: {  	[sflag:s23] =	ssyncadd.s32 s4;
	_ =	sdelay $0x1  }
0x19: {  	s24 =	simm.s32 $0x1B8B  }
0x1a: {  	_ =	swait.ge [sflag:s24], $0x1  }
0x1b: {  	[sflag:s24] =	ssyncset.done $0x0  }
0x1c: {  	s26 =	simm.s32 $0x1B8E;
	s25 =	sld [smem:$0x3FFE];
	[sflag:s24] =	ssyncadd.s32 $0xFFFFFFFF  }
0x1d: {  	s27 =	simm.s32 $execute0_lowered;
	[smem:$0x3FD2] =	sst s26  }
0x1e: {  	s5 =	sshll.u32 s27, $0x1;
	_ =	strace $0x80000046;
	[dreg:$0x1] =	wrdreg $0xFFFFFFFF  }
0x1f: {  	s28 =	simm.s32 $_size_execute0_lowered;
	s3 =	sadd.s32 s3, s5;
	[dreg:$0x0] =	wrdreg $0x0  }
0x20: {  	s5 =	sshll.u32 s28, $0x1;
	[dreg:$0x2] =	wrdreg s3  }
0x21: {  	[dreg:$0x3] =	wrdreg s5  }
0x22: {  	[dreg:$0x4] =	wrdreg $0xC0  }
0x23: {  	_ =	task [dreg:s7], $0x5FFFF  }
0x24: {  	[dreg:$0x1] =	wrdreg $0xFFFFFFFF  }
0x25: {  	[dreg:$0x0] =	wrdreg $0x60  }
0x26: {  	[dreg:$0x2] =	wrdreg s2  }
0x27: {  	[dreg:$0x3] =	wrdreg s25  }
0x28: {  	[dreg:$0x4] =	wrdreg $0x9  }
0x29: {  	_ =	task.clear_ibuf [dreg:s7], $0x5FFFF;
	_ =	strace $0x90000046  }
0x2a: {  	s29 =	simm.s32 $0x9;
	_ =	strace $0x80000048  }
0x2b: {  	_ =	swait.ge [sflag:s29], $0x1  }
0x2c: {  	[sflag:s29] =	ssyncadd.s32 $0xFFFFFFFF  }
0x2d: {  	_ =	strace $0x90000048  }
0x2e: {  	_ =	sfence  }
0x2f: {  	s30 =	sld [smem:$0x0];
	_ =	sdelay $0x2  }
0x30: {  	s31 =	sshll.u32 s1, $0xD;
	s1 =	sshrl.u32 s1, $0x2  }
0x31: {  	s3 =	sand.u32 $0x4000, s31;
	s1 =	sadd.s32 s1, s30  }
0x32: {  	s0 =	sor.u32 s3, s0;
	s1 =	sshll.u32 s1, $0x11  }
0x33: {  	s0 =	sor.u32 s1, s0  }
0x34: {  	s0 =	sadd.s32 $0x8F2B, s0  }
0x35: {  	[sflag:s0] =	ssyncadd.remote.s32 $0x1  }
0x36: {  	_ =	sfence.sel $0xFFFF  }
0x37: {  	[dreg:$0x0] =	wrdreg $0xFFFFFFFF;
	(pc) =	sbr.abs _section_cstart, $3  }
0x38: {  	[dreg:$0x1] =	wrdreg $0xFFFFFFFF  }
0x39: {  	_ =	task.clear_ibuf [dreg:s7], $0x2FFFF;
	_ =	strace $0x9FFFFFFF  }
0x3a: {  	(tm) =	ssettm $0x7FFFFFFF  }
0x3b: {  	_ =	shalt  }
tec
execute0_lowered:
.L_overlay_start_1:
0x0: {  	(tag) =	ssettag $0x1  }
0x1: {  	s3 =	rddreg [dreg:$0x0]  }
0x2: {  	s0 =	rddreg [dreg:$0x1];
	s1 =	srdreg.scid;
	_ =	strace $0x80000047  }
0x3: {  	s2 =	stileid.u32;
	s4 =	simm.s32 $0x1;
	s21 =	simm.s32 $0x2  }
0x4: {  	s29 =	simm.s32 $0x0;
	p0 =	por $0x0, $0x0;
	s31 =	simm.s32 $0x0  }
0x5: {  	s30 =	simm.s32 $0x0;
	s27 =	simm.s32 $0x0;
	s1 =	sshll.u32 s1, $0x4  }
0x6: {  	s0 =	sadd.s32 $0x2400, s0;
	s5 =	sand.u32 $0x3, s2;
	[sflag:s4] =	ssyncpa.u1 $0x0  }
0x7: {  	s22 =	sadd.s32 $0x10000, s3;
	s23 =	sadd.s32 $0x20000, s3;
	s24 =	sadd.s32 $0x30000, s3  }
0x8: {  	s25 =	sadd.s32 $0x40000, s3;
	s26 =	sadd.s32 $0x50000, s3;
	s12 =	sadd.s32 $0x60000, s3  }
0x9: {  	s13 =	sadd.s32 $0x70000, s3;
	s14 =	sadd.s32 $0x80000, s3;
	[dreg:$0x3] =	wrdreg s0  }
0xa: {  	s15 =	sadd.s32 $0x90000, s3;
	s16 =	sadd.s32 $0xA0000, s3;
	[dreg:$0x4] =	wrdreg s22  }
0xb: {  	s17 =	sadd.s32 $0xB0000, s3;
	s18 =	sadd.s32 $0xC0000, s3;
	[dreg:$0x5] =	wrdreg s23  }
0xc: {  	s19 =	sadd.s32 $0xD0000, s3;
	s1 =	sand.u32 $0x10, s1;
	[dreg:$0x6] =	wrdreg s24  }
.Ltmp0:
0xd: {  	[sflag:s21] =	ssyncpa.u1 $0x0;
	[dreg:$0x7] =	wrdreg s25;
	(pc) =	sbr.rel .LBB1_1-.Ltmp0, $4  }
0xe: {  	[dreg:$0x8] =	wrdreg s26;
	s21 =	sadd.s32 $0xF0000, s3;
	s22 =	simm.s32 $0x40  }
0xf: {  	s23 =	simm.s32 $0x80;
	s0 =	simm.s32 $0x0;
	s20 =	sor.u32 s2, s1  }
0x10: {  	s25 =	simm.s32 $0x0;
	s28 =	smov.u32 s5;
	s6 =	sshrl.u32 s20, $0x2  }
0x11: {  	s24 =	simm.s32 $0x0;
	s20 =	sadd.s32 $0xE0000, s3;
	s26 =	smov.u32 s6  }
.LBB1_3:
0x12: {  	p1 =	seq.s32 s24, $0x0  }
0x13: {  	p2 =	seq.s32 @!p1 s24, $0x21  }
0x14: {  	p1 =	por p1, p2  }
.Ltmp1:
0x15: {  	_ = 	snop;
	(pc) =	sbr.rel @!p1 .LBB1_4-.Ltmp1, $1  }
0x16: {  	_ =	sdelay $0x3  }
.LBB1_9:
0x17: {  	s1 =	sadd.s32 $0x10, s25  }
0x18: {  	s0 =	sadd.s32 $0x8, s26;
	s2 =	smov.u32 s26;
	p2 =	sgt.s32 s1, $0x3F  }
0x19: {  	s2 =	smov.u32 @p2 s0  }
0x1a: {  	s3 =	smov.u32 s27;
	s0 =	sadd.s32 $0x10, s27;
	p3 =	sgt.s32 s2, $0x3F  }
0x1b: {  	s3 =	smov.u32 @p3 s0  }
0x1c: {  	s7 =	smov.u32 s28;
	s0 =	sadd.s32 $0x4, s28;
	p4 =	sgt.s32 s3, $0xF  }
0x1d: {  	p1 =	slt.u32 s24, $0x2;
	s7 =	smov.u32 @p4 s0  }
0x1e: {  	s24 =	sadd.s32 $0x1, s24;
	s1 =	simm.s32 @p2 $0x0;
	p2 =	sgt.s32 s7, $0x3  }
0x1f: {  	s29 =	smov.u32 s25;
	s7 =	smov.u32 @p2 s5;
	p2 =	sne.s32 s24, $0x22  }
.Ltmp2:
0x20: {  	s31 =	smov.u32 s26;
	s8 =	simm.s32 @!p1 $0x2;
	(pc) =	sbr.rel @!p2 .LBB1_10-.Ltmp2, $4  }
0x21: {  	s30 =	smov.u32 s27;
	p0 =	por !p0, !p0;
	_ =	swait.ge @!p1 [sflag:s8], $0x4000  }
0x22: {  	[sflag:s8] =	ssyncset.done @!p1 $0x0;
	s25 =	smov.u32 s1;
	s2 =	smov.u32 @p3 s6  }
0x23: {  	[sflag:s8] =	ssyncadd.s32 @!p1 $0xFFFFC000;
	s26 =	smov.u32 s2;
	s3 =	simm.s32 @p4 $0x0  }
0x24: {  	s0 =	smov.u32 s28;
	s27 =	smov.u32 s3;
	s28 =	smov.u32 s7  }
.LBB1_1:
0x25: {  	p1 =	sgt.u32 s24, $0x1F  }
.Ltmp3:
0x26: {  	_ = 	snop;
	(pc) =	sbr.rel @p1 .LBB1_3-.Ltmp3, $1  }
0x27: {  	_ =	sdelay $0x3  }
0x28: {  	s1 =	sshll.u32 s28, $0x14;
	s2 =	sshll.u32 s27, $0x10  }
0x29: {  	s7 =	sxor.u32 $0xFFFFFFFF, s24;
	s10 =	rddreg [dreg:$0x0];
	s8 =	sadd.s32 s1, s2  }
0x2a: {  	s3 =	sshll.u32 s26, $0xA;
	s9 =	sshll.u32 s25, $0x4;
	s8 =	sadd.s32 s10, s8  }
0x2b: {  	s10 =	sshll.u32 s7, $0xE;
	s7 =	sand.u32 $0x3F0, s9;
	s11 =	sadd.s32 s3, s8  }
0x2c: {  	s8 =	sand.u32 $0x4000, s10;
	s9 =	sadd.s32 s7, s11;
	s11 =	rddreg [dreg:$0x4]  }
0x2d: {  	[tilespmem:s8], [sflag:$0x1] =	stream.strided.gather [hbm4b:s9+s22], $0x400, s23, s22, $0x38;
	[tilespmem:$0x10800] =	vst v63  }
0x2e: {  	s9 =	sadd.s32 s1, s11  }
0x2f: {  	s9 =	sadd.s32 s2, s9  }
0x30: {  	s9 =	sadd.s32 s3, s9  }
0x31: {  	s10 =	sor.u32 $0x400, s8;
	s9 =	sadd.s32 s7, s9  }
0x32: {  	[tilespmem:s10], [sflag:$0x1] =	stream.strided.gather [hbm4b:s9+s22], $0x400, s23, s22, $0x38;
	[tilespmem:$0x10800] =	vst v63  }
0x33: {  	s10 =	rddreg [dreg:$0x5]  }
0x34: {  	s9 =	sadd.s32 s1, s10  }
0x35: {  	s9 =	sadd.s32 s2, s9  }
0x36: {  	s9 =	sadd.s32 s3, s9  }
0x37: {  	s11 =	sor.u32 $0x800, s8;
	s10 =	rddreg [dreg:$0x6];
	s9 =	sadd.s32 s7, s9  }
0x38: {  	[tilespmem:s11], [sflag:$0x1] =	stream.strided.gather [hbm4b:s9+s22], $0x400, s23, s22, $0x38;
	[tilespmem:$0x10800] =	vst v63  }
0x39: {  	s9 =	sadd.s32 s1, s10  }
0x3a: {  	s9 =	sadd.s32 s2, s9  }
0x3b: {  	s9 =	sadd.s32 s3, s9  }
0x3c: {  	s11 =	sor.u32 $0xC00, s8;
	s10 =	rddreg [dreg:$0x7];
	s9 =	sadd.s32 s7, s9  }
0x3d: {  	[tilespmem:s11], [sflag:$0x1] =	stream.strided.gather [hbm4b:s9+s22], $0x400, s23, s22, $0x38;
	[tilespmem:$0x10800] =	vst v63  }
0x3e: {  	s9 =	sadd.s32 s1, s10  }
0x3f: {  	s9 =	sadd.s32 s2, s9  }
0x40: {  	s9 =	sadd.s32 s3, s9  }
0x41: {  	s11 =	sor.u32 $0x1000, s8;
	s10 =	rddreg [dreg:$0x8];
	s9 =	sadd.s32 s7, s9  }
0x42: {  	[tilespmem:s11], [sflag:$0x1] =	stream.strided.gather [hbm4b:s9+s22], $0x400, s23, s22, $0x38;
	[tilespmem:$0x10800] =	vst v63  }
0x43: {  	s9 =	sadd.s32 s1, s10  }
0x44: {  	s9 =	sadd.s32 s2, s9  }
0x45: {  	s9 =	sadd.s32 s3, s9  }
0x46: {  	s11 =	sor.u32 $0x1400, s8;
	s10 =	sadd.s32 s1, s12;
	s9 =	sadd.s32 s7, s9  }
0x47: {  	[tilespmem:s11], [sflag:$0x1] =	stream.strided.gather [hbm4b:s9+s22], $0x400, s23, s22, $0x38;
	[tilespmem:$0x10800] =	vst v63  }
0x48: {  	s9 =	sadd.s32 s2, s10  }
0x49: {  	s9 =	sadd.s32 s3, s9  }
0x4a: {  	s11 =	sor.u32 $0x1800, s8;
	s10 =	sadd.s32 s1, s13;
	s9 =	sadd.s32 s7, s9  }
0x4b: {  	[tilespmem:s11], [sflag:$0x1] =	stream.strided.gather [hbm4b:s9+s22], $0x400, s23, s22, $0x38;
	[tilespmem:$0x10800] =	vst v63  }
0x4c: {  	s9 =	sadd.s32 s2, s10  }
0x4d: {  	s9 =	sadd.s32 s3, s9  }
0x4e: {  	s11 =	sor.u32 $0x1C00, s8;
	s10 =	sadd.s32 s1, s14;
	s9 =	sadd.s32 s7, s9  }
0x4f: {  	[tilespmem:s11], [sflag:$0x1] =	stream.strided.gather [hbm4b:s9+s22], $0x400, s23, s22, $0x38;
	[tilespmem:$0x10800] =	vst v63  }
0x50: {  	s9 =	sadd.s32 s2, s10  }
0x51: {  	s9 =	sadd.s32 s3, s9  }
0x52: {  	s11 =	sor.u32 $0x2000, s8;
	s10 =	sadd.s32 s1, s15;
	s9 =	sadd.s32 s7, s9  }
0x53: {  	[tilespmem:s11], [sflag:$0x1] =	stream.strided.gather [hbm4b:s9+s22], $0x400, s23, s22, $0x38;
	[tilespmem:$0x10800] =	vst v63  }
0x54: {  	s9 =	sadd.s32 s2, s10  }
0x55: {  	s9 =	sadd.s32 s3, s9  }
0x56: {  	s11 =	sor.u32 $0x2400, s8;
	s10 =	sadd.s32 s1, s16;
	s9 =	sadd.s32 s7, s9  }
0x57: {  	[tilespmem:s11], [sflag:$0x1] =	stream.strided.gather [hbm4b:s9+s22], $0x400, s23, s22, $0x38;
	[tilespmem:$0x10800] =	vst v63  }
0x58: {  	s9 =	sadd.s32 s2, s10  }
0x59: {  	s9 =	sadd.s32 s3, s9  }
0x5a: {  	s11 =	sor.u32 $0x2800, s8;
	s10 =	sadd.s32 s1, s17;
	s9 =	sadd.s32 s7, s9  }
0x5b: {  	[tilespmem:s11], [sflag:$0x1] =	stream.strided.gather [hbm4b:s9+s22], $0x400, s23, s22, $0x38;
	[tilespmem:$0x10800] =	vst v63  }
0x5c: {  	s9 =	sadd.s32 s2, s10  }
0x5d: {  	s9 =	sadd.s32 s3, s9  }
0x5e: {  	s11 =	sor.u32 $0x2C00, s8;
	s10 =	sadd.s32 s1, s18;
	s9 =	sadd.s32 s7, s9  }
0x5f: {  	[tilespmem:s11], [sflag:$0x1] =	stream.strided.gather [hbm4b:s9+s22], $0x400, s23, s22, $0x38;
	[tilespmem:$0x10800] =	vst v63  }
0x60: {  	s9 =	sadd.s32 s2, s10  }
0x61: {  	s9 =	sadd.s32 s3, s9  }
0x62: {  	s11 =	sor.u32 $0x3000, s8;
	s10 =	sadd.s32 s1, s19;
	s9 =	sadd.s32 s7, s9  }
0x63: {  	[tilespmem:s11], [sflag:$0x1] =	stream.strided.gather [hbm4b:s9+s22], $0x400, s23, s22, $0x38;
	[tilespmem:$0x10800] =	vst v63  }
0x64: {  	s9 =	sadd.s32 s2, s10  }
0x65: {  	s9 =	sadd.s32 s3, s9  }
0x66: {  	s11 =	sor.u32 $0x3400, s8;
	s10 =	sadd.s32 s1, s20;
	s9 =	sadd.s32 s7, s9  }
0x67: {  	[tilespmem:s11], [sflag:$0x1] =	stream.strided.gather [hbm4b:s9+s22], $0x400, s23, s22, $0x38;
	[tilespmem:$0x10800] =	vst v63  }
0x68: {  	s1 =	sadd.s32 s1, s21;
	s9 =	sadd.s32 s2, s10  }
.Ltmp4:
0x69: {  	s1 =	sadd.s32 s2, s1;
	s9 =	sadd.s32 s3, s9;
	(pc) =	sbr.rel .LBB1_3-.Ltmp4, $4  }
0x6a: {  	s1 =	sadd.s32 s3, s1;
	s11 =	sor.u32 $0x3800, s8;
	s9 =	sadd.s32 s7, s9  }
0x6b: {  	[tilespmem:s11], [sflag:$0x1] =	stream.strided.gather [hbm4b:s9+s22], $0x400, s23, s22, $0x38;
	[tilespmem:$0x10800] =	vst v63  }
0x6c: {  	s1 =	sadd.s32 s7, s1;
	s11 =	sor.u32 $0x3C00, s8  }
0x6d: {  	[tilespmem:s11], [sflag:$0x1] =	stream.strided.gather [hbm4b:s1+s22], $0x400, s23, s22, $0x38;
	[tilespmem:$0x10800] =	vst v63  }
.LBB1_4:
0x6e: {  	s1 =	simm.s32 $0x1;
	s3 =	sand.u32 $0x1, s24  }
0x6f: {  	_ =	swait.ge [sflag:s4], $0x4000;
	s1 =	simm.s32 @!p0 $0x0;
	s7 =	smul.u32 $0x11000, s3  }
0x70: {  	[sflag:s4] =	ssyncset.done $0x0;
	s2 =	smul.u32 $0x11000, s1  }
0x71: {  	s1 =	sshll.u32 s1, $0xE;
	[sflag:s4] =	ssyncadd.s32 $0xFFFFC000  }
0x72: {  	s3 =	sor.u32 $0x20, s1;
	s11 =	sshrl.u32 s7, $0x2;
	s2 =	sshrl.u32 s2, $0x2  }
0x73: {  	s7 =	simm.s32 $0x0;
	s1 =	sor.u32 $0x8000, s11;
	s2 =	sor.u32 $0x8000, s2  }
.LBB1_5:
0x74: {  	v3 =	vld [tilespmem:s3+$0x10]  }
0x75: {  	v2 =	vld [tilespmem:s3+$0xFFFFFFF0]  }
0x76: {  	v0 =	vld [tilespmem:s3+$0x0]  }
0x77: {  	v1 =	vld [tilespmem:s3+$0xFFFFFFE0]  }
0x78: {  	s8 =	sadd.s32 $0x0, s2  }
0x79: {  	s9 =	simm.s32 $0x1100;
	s10 =	sadd.s32 $0x40, s3;
	[tilespmem:s8+$0x330 ss:$0x11] =	vst.msk $0xffff, v3  }
.LBB1_6:
0x7a: {  	v3 =	vld [tilespmem:s10+$0x10];
	p1 =	sne.s32 s9, $0xFF00;
	[tilespmem:s8+$0x110 ss:$0x11] =	vst.msk $0xffff, v2;
	s11 =	smov.u32 s9;
	s9 =	sadd.s32 $0x1100, s9  }
.Ltmp5:
0x7b: {  	v2 =	vld [tilespmem:s10+$0xFFFFFFF0];
	[tilespmem:s8+$0x220 ss:$0x11] =	vst.msk $0xffff, v0;
	(pc) =	sbr.rel @p1 .LBB1_6-.Ltmp5, $4  }
0x7c: {  	v0 =	vld [tilespmem:s10+$0x0];
	[tilespmem:s8+$0x0 ss:$0x11] =	vst.msk $0xffff, v1  }
0x7d: {  	s8 =	sshra.s32 s11, $0x2;
	v1 =	vld [tilespmem:s10+$0xFFFFFFE0]  }
0x7e: {  	s8 =	sadd.s32 s8, s2  }
0x7f: {  	s10 =	sadd.s32 $0x40, s10;
	[tilespmem:s8+$0x330 ss:$0x11] =	vst.msk $0xffff, v3  }
0x80: {  	s7 =	sadd.s32 $0x1, s7  }
0x81: {  	p1 =	sne.s32 s7, $0x10  }
.Ltmp6:
0x82: {  	_ = 	snop;
	(pc) =	sbr.rel @p1 .LBB1_5-.Ltmp6, $4  }
0x83: {  	_ = 	snop  }
0x84: {  	[tilespmem:s8+$0x110 ss:$0x11] =	vst.msk $0xffff, v2  }
0x85: {  	[tilespmem:s8+$0x220 ss:$0x11] =	vst.msk $0xffff, v0  }
0x86: {  	s2 =	sadd.s32 $0x1, s2;
	s3 =	sadd.s32 $0x400, s3;
	[tilespmem:s8+$0x0 ss:$0x11] =	vst.msk $0xffff, v1  }
0x87: {  	s0 =	sshll.u32 s0, $0x16;
	s3 =	rddreg [dreg:$0x3]  }
0x88: {  	s2 =	sand.u32 $0x380, s30;
	s9 =	sshll.u32 s31, $0x10;
	s0 =	sadd.s32 s3, s0  }
.Ltmp7:
0x89: {  	s7 =	sshrl.u32 s30, $0x3;
	s0 =	sadd.s32 s2, s0;
	(pc) =	sbr.rel .LBB1_9-.Ltmp7, $4  }
0x8a: {  	s11 =	sand.u32 $0x7, s30;
	s10 =	sand.u32 $0xF, s7;
	s0 =	sadd.s32 s9, s0  }
0x8b: {  	s30 =	sshll.u32 s29, $0xA;
	s31 =	sshll.u32 s11, $0x12;
	s0 =	sadd.s32 s10, s0  }
0x8c: {  	s2 =	sor.u32 $0x10, s31;
	s0 =	sadd.s32 s30, s0  }
0x8d: {  	[hbm4b:s0+s2] =	stream.strided.scatter [tilespmem:s1], [sflag:$0x2], $0x4000, s23, s2, $0x8;
	[tilespmem:$0x10800] =	vst v63  }
.LBB1_10:
0x8e: {  	_ =	sfence.sel $0x180000  }
0x8f: {  	s0 =	simm.s32 $0x1;
	[bflag:$0x0] =	sbarrier.arrive $0xFFFF  }
0x90: {  	s30 =	simm.s32 $0x2;
	[sflag:s0] =	ssyncpa.u1 $0x1  }
0x91: {  	[sflag:s30] =	ssyncpa.u1 $0x1  }
0x92: {  	_ =	strace $0x90000047  }
0x93: {  	s31 =	stileid.u32;
	[bflag:$0x2] =	sbarrier.arrive $0xFFFF  }
0x94: {  	p0 =	sne.s32 s31, $0x0;
	s0 =	rddreg [dreg:$0x2]  }
0x95: {  	s0 =	sadd.s32 @!p0 $0x100000, s0  }
0x96: {  	[sflag:s0] =	ssyncadd.tile.s32 @!p0 $0x1;
	_ =	shalt  }
.Lfunc_end1:
_tile_overlayer_lowered:
.L_overlay_start_2:
0x97: {  	(tag) =	ssettag $0x2  }
0x98: {  	s0 =	rddreg [dreg:$0x0];
	s2 =	stileid.u32  }
0x99: {  	s1 =	rddreg [dreg:$0x1];
	p0 =	sne.s32 s2, $0x0  }
0x9a: {  	s3 =	rddreg [dreg:$0x2];
	[bflag:$0x3] =	sbarrier.arrive $0xFFFF;
	s2 =	simm.s32 @!p0 $0x1C01  }
0x9b: {  	[timem:s3], [sflag:s2] =	dma.local @!p0 [hbm:s0], s1  }
0x9c: {  	s0 =	simm.s32 @!p0 $0x1  }
0x9d: {  	_ =	swait.ge @!p0 [sflag:s0], s1  }
0x9e: {  	s1 =	ssub.s32 @!p0 $0x0, s1;
	[sflag:s0] =	ssyncset.done @!p0 $0x0  }
0x9f: {  	[sflag:s0] =	ssyncadd.s32 @!p0 s1  }
0xa0: {  	[bflag:$0x3] =	sbarrier.arrive $0xFFFF  }
0xa1: {  	_ =	shalt  }

</sc_bundles>
